<compile_context>
chip_gen: v7x
topology: tpu7x:2x2x1
jax: 0.10.2.dev20260603
libtpu: 0.0.44.dev20260713+nightly
codegen_flags: <defaults>
</compile_context>

<pallas_src>
import functools

import jax
import jax.numpy as jnp
from jax import lax
from jax.experimental import pallas as pl
from jax.experimental.pallas import tpu as pltpu
from jax.experimental.pallas import tpu_sc as plsc

GROUPS = 4
POOL = 100
POOL_PAD = 112
NPC = POOL_PAD // 16
KEY_HIDDEN = 192
TOPK = 5
N_BLK = 8192
QPW = 2

_GATHER_DNUMS = lax.GatherDimensionNumbers(
    offset_dims=(), collapsed_slice_dims=(0,), start_index_map=(0,))


def _allreduce(v, op):
    lanes = lax.broadcasted_iota(jnp.int32, (16,), 0)
    for sh in (1, 2, 4, 8):
        idx = (lanes ^ sh)[:, None]
        p = lax.gather(v, idx, _GATHER_DNUMS, slice_sizes=(1,),
                       mode=lax.GatherScatterMode.PROMISE_IN_BOUNDS)
        v = op(v, p)
    return v


def _pooled_kernel(q_ref, k_ref, mask_ref, out_ref):
    B = q_ref.shape[0]
    q = q_ref[:]
    mask = mask_ref[:]
    pooled = jnp.zeros((B, POOL), jnp.float32)
    for g in range(GROUPS):
        qg = q[:, g * KEY_HIDDEN:(g + 1) * KEY_HIDDEN]
        qn = qg / jnp.maximum(
            jnp.sqrt(jnp.sum(qg * qg, axis=1, keepdims=True)), 1e-8)
        kg = k_ref[0, g]
        kn = kg / jnp.maximum(
            jnp.sqrt(jnp.sum(kg * kg, axis=1, keepdims=True)), 1e-8)
        pooled = pooled + jax.lax.dot_general(
            qn, kn, (((1,), (1,)), ((), ())),
            preferred_element_type=jnp.float32)
    pooled = pooled * (1.0 / GROUPS)
    pooled = jnp.where(mask == 0, -100.0, pooled)
    pad = jnp.full((B, POOL_PAD - POOL), -1e30, jnp.float32)
    out_ref[:] = jnp.concatenate([pooled, pad], axis=1)


def _topk_body(pooled_hbm, w_hbm, p_v, wout_v):
    wid = lax.axis_index("s") * 2 + lax.axis_index("c")
    base = wid * QPW
    pltpu.sync_copy(pooled_hbm.at[pl.ds(base, QPW)], p_v)

    zero = jnp.zeros((16,), jnp.float32)
    neginf = jnp.full((16,), -jnp.inf, jnp.float32)
    lanevecs = [lax.broadcasted_iota(jnp.int32, (16,), 0) + pc * 16
                for pc in range(NPC)]

    for qi in range(QPW):
        cur = [p_v[qi, pl.ds(pc * 16, 16)] for pc in range(NPC)]
        wraw = [zero for _ in range(NPC)]
        ssum = zero
        for _ in range(TOPK):
            mvec = cur[0]
            for pc in range(1, NPC):
                mvec = jnp.maximum(mvec, cur[pc])
            mb = _allreduce(mvec, jnp.maximum)
            gmin = jnp.where(cur[0] == mb, lanevecs[0], POOL_PAD)
            for pc in range(1, NPC):
                gmin = jnp.minimum(
                    gmin, jnp.where(cur[pc] == mb, lanevecs[pc], POOL_PAD))
            gib = _allreduce(gmin, jnp.minimum)
            for pc in range(NPC):
                hit = lanevecs[pc] == gib
                wraw[pc] = wraw[pc] + jnp.where(hit, mb, 0.0)
                cur[pc] = jnp.where(hit, neginf, cur[pc])
            ssum = ssum + mb
        sb = ssum + 1e-9
        for pc in range(NPC):
            wout_v[qi, pl.ds(pc * 16, 16)] = wraw[pc] / sb

    pltpu.sync_copy(wout_v, w_hbm.at[pl.ds(base, QPW)])


def _combine_kernel(w_ref, comp_ref, out_ref):
    w = w_ref[:, :POOL]
    for t in range(comp_ref.shape[1]):
        out_ref[:, t, :] = jax.lax.dot_general(
            w, comp_ref[:, t, :], (((1,), (0,)), ((), ())),
            preferred_element_type=jnp.float32)


@jax.jit
def kernel(queries, keys, weight_offset_components, pool_mask):
    B = queries.shape[0]
    pool, two, lora = weight_offset_components.shape
    mask2 = pool_mask.reshape(1, pool)

    pooled = pl.pallas_call(
        _pooled_kernel,
        in_specs=[
            pl.BlockSpec((B, GROUPS * KEY_HIDDEN), lambda: (0, 0)),
            pl.BlockSpec(keys.shape, lambda: (0, 0, 0, 0)),
            pl.BlockSpec((1, pool), lambda: (0, 0)),
        ],
        out_specs=pl.BlockSpec((B, POOL_PAD), lambda: (0, 0)),
        out_shape=jax.ShapeDtypeStruct((B, POOL_PAD), jnp.float32),
    )(queries, keys, mask2)

    routing = functools.partial(
        pl.kernel,
        out_type=jax.ShapeDtypeStruct((B, POOL_PAD), jnp.float32),
        mesh=plsc.VectorSubcoreMesh(core_axis_name="c", subcore_axis_name="s"),
        scratch_types=[
            pltpu.VMEM((QPW, POOL_PAD), jnp.float32),
            pltpu.VMEM((QPW, POOL_PAD), jnp.float32),
        ],
    )(_topk_body)
    w112 = routing(pooled)

    grid = (lora // N_BLK,)
    out = pl.pallas_call(
        _combine_kernel,
        grid=grid,
        in_specs=[
            pl.BlockSpec((B, POOL_PAD), lambda i: (0, 0)),
            pl.BlockSpec((pool, two, N_BLK), lambda i: (0, 0, i)),
        ],
        out_specs=pl.BlockSpec((B, two, N_BLK), lambda i: (0, 0, i)),
        out_shape=jax.ShapeDtypeStruct((B, two, lora), jnp.float32),
        compiler_params=pltpu.CompilerParams(
            dimension_semantics=("arbitrary",)),
    )(w112, weight_offset_components)
    return out

# --- scband reference (transcript-rebuilt; emitter-appended) ---
"""Pipeline reference for scband-retriever-38972533244620 (READ-ONLY COPY).

The authoritative reference and input builder live on the scoring server;
editing this copy changes nothing except your own understanding.
"""

import jax, jax.numpy as jnp
import numpy as np

GROUPS = 4
POOL_SIZE = 100
KEY_HIDDEN = 192  # 768 // groups
TOPK = 5
LORA_TOTAL_PARAMS = 1024 * 4 * 12  # hidden_size * low_rank * num_hidden_layers = 49152


def setup_inputs(seed: int = 0) -> dict:
    key = jax.random.key(seed)
    k1, k2, k3, k4 = jax.random.split(key, 4)
    queries = jax.random.normal(k1, (64, 768), dtype=jnp.float32)
    # learned key pool: [1, groups, pool_size, key_hidden] (orthogonal-init approximated by gaussian)
    keys = jax.random.normal(k2, (1, GROUPS, POOL_SIZE, KEY_HIDDEN), dtype=jnp.float32)
    # stacked low-rank offset components [pool_size, 2, LORA_TOTAL_PARAMS]
    weight_offset_components = jax.random.normal(k3, (POOL_SIZE, 2, LORA_TOTAL_PARAMS), dtype=jnp.float32) * 0.02
    pool_mask = jax.random.randint(k4, (POOL_SIZE,), 0, 2).astype(jnp.int32)
    return {
        "queries": queries,
        "keys": keys,
        "weight_offset_components": weight_offset_components,
        "pool_mask": pool_mask,
    }


def reference(queries, keys, weight_offset_components, pool_mask):
    # Faithful core of Retriever.forward (training path, similarity_type='cosine',
    # use_distance_weight=True): grouped cosine similarity between query chunks and
    # the key pool, mask invalid pool slots, top-k retrieval, distance-weighted
    # combination of retrieved low-rank LoRA offset components.
    B = queries.shape[0]
    # rearrange 'b (g c) -> b g c'
    q = queries.reshape(B, GROUPS, KEY_HIDDEN)
    # cosine similarity: normalize with eps like F.cosine_similarity
    qn = q / jnp.maximum(jnp.linalg.norm(q, axis=-1, keepdims=True), 1e-8)
    k = keys[0]  # [groups, pool, c]
    kn = k / jnp.maximum(jnp.linalg.norm(k, axis=-1, keepdims=True), 1e-8)
    sim = jnp.einsum("bgc,gpc->bgp", qn, kn)  # [B, groups, pool]
    # pool_mask: slots with mask==0 get -100
    idx_sim = jnp.where(pool_mask[None, None, :] == 0, -100.0, sim)
    # aggregate group similarities, then top-k over the pool
    pooled = idx_sim.mean(axis=1)  # [B, pool]
    vals, idx = jax.lax.top_k(pooled, TOPK)  # [B, k]
    # distance weights normalized (dis_weight / (sum + 1e-9))
    w = vals / (jnp.sum(vals, axis=-1, keepdims=True) + 1e-9)  # [B, k]
    # gather low-rank components and combine: [B, k, 2, LORA] -> [B, 2, LORA]
    comps = jnp.take(weight_offset_components, idx, axis=0)
    updated_lora = jnp.einsum("bk,bktl->btl", w, comps)
    return updated_lora

if __name__ == "__main__":
    import jax
    _d = setup_inputs()
    print(jax.jit(kernel)(*tuple(_d.values())))

</pallas_src>

<mosaic_0001>
#map = affine_map<(d0, d1) -> (0, 0)>
module attributes {stable_mosaic.version = 14 : i64} {
  func.func @_topk_body(%arg0: i32, %arg1: i32, %arg2: memref<64x112xf32, #tpu.memory_space<hbm>>, %arg3: memref<64x112xf32, #tpu.memory_space<hbm>>, %arg4: memref<2x112xf32, #tpu.memory_space<vmem>>, %arg5: memref<2x112xf32, #tpu.memory_space<vmem>>) attributes {dimension_semantics = [#tpu.dimension_semantics<core_parallel>, #tpu.dimension_semantics<subcore_parallel>], iteration_bounds = array<i64: 2, 16>, scalar_prefetch = 0 : i64, scratch_operands = 2 : i64, tpu.core_type = #tpu.core_type<sc_vector_subcore>, window_params = [{transform_indices = #map}, {transform_indices = #map}]} {
    %mul3A = arith.constant 2 : i32
    %mul3A_0 = arith.muli %arg1, %mul3A : i32
    %add3A = arith.addi %mul3A_0, %arg0 : i32
    %mul3A_1 = arith.constant 2 : i32
    %mul3A_2 = arith.muli %add3A, %mul3A_1 : i32
    "tpu.region"() ({
      %run_scoped3A = tpu.sem_alloc : memref<!tpu.dma_semaphore, #tpu.memory_space<semaphore_mem>>
      %dma_start3A = arith.constant 0 : i32
      %dma_start3A_1607 = tpu.memref_slice %arg2[%mul3A_2, %dma_start3A] : memref<64x112xf32, #tpu.memory_space<hbm>> -> memref<2x112xf32, #tpu.memory_space<hbm>>
      %dma_start3A_1608 = arith.constant 0 : i32
      %dma_start3A_1609 = tpu.memref_slice %arg2[%mul3A_2, %dma_start3A_1608] : memref<64x112xf32, #tpu.memory_space<hbm>> -> memref<2x112xf32, #tpu.memory_space<hbm>>
      tpu.enqueue_dma source(%dma_start3A_1609 : memref<2x112xf32, #tpu.memory_space<hbm>>) target(%arg4 : memref<2x112xf32, #tpu.memory_space<vmem>>) target_semaphore(%run_scoped3A : memref<!tpu.dma_semaphore, #tpu.memory_space<semaphore_mem>>)
      %dma_wait3A = arith.constant 0 : i32
      %dma_wait3A_1610 = tpu.memref_slice %arg2[%mul3A_2, %dma_wait3A] : memref<64x112xf32, #tpu.memory_space<hbm>> -> memref<2x112xf32, #tpu.memory_space<hbm>>
      %dma_wait3A_1611 = arith.constant 0 : i32
      %dma_wait3A_1612 = tpu.memref_slice %arg2[%mul3A_2, %dma_wait3A_1611] : memref<64x112xf32, #tpu.memory_space<hbm>> -> memref<2x112xf32, #tpu.memory_space<hbm>>
      tpu.wait_dma2 semaphore(%run_scoped3A : memref<!tpu.dma_semaphore, #tpu.memory_space<semaphore_mem>>) src(%dma_wait3A_1612 : memref<2x112xf32, #tpu.memory_space<hbm>>) dst(%arg4 : memref<2x112xf32, #tpu.memory_space<vmem>>)
      tpu.yield
    }) : () -> ()
    %broadcast_in_dim3A = arith.constant 0.000000e+00 : f32
    %broadcast_in_dim3A_3 = vector.broadcast %broadcast_in_dim3A : f32 to vector<16xf32>
    %broadcast_in_dim3A_4 = arith.constant 0xFF800000 : f32
    %broadcast_in_dim3A_5 = vector.broadcast %broadcast_in_dim3A_4 : f32 to vector<16xf32>
    %iota3A = tpu.iota {dimensions = array<i32: 0>} : vector<16xi32>
    %add3A_6 = arith.constant 0 : i32
    %add3A_7 = vector.broadcast %add3A_6 : i32 to vector<16xi32>
    %add3A_8 = arith.addi %iota3A, %add3A_7 : vector<16xi32>
    %iota3A_9 = tpu.iota {dimensions = array<i32: 0>} : vector<16xi32>
    %add3A_10 = arith.constant 16 : i32
    %add3A_11 = vector.broadcast %add3A_10 : i32 to vector<16xi32>
    %add3A_12 = arith.addi %iota3A_9, %add3A_11 : vector<16xi32>
    %iota3A_13 = tpu.iota {dimensions = array<i32: 0>} : vector<16xi32>
    %add3A_14 = arith.constant 32 : i32
    %add3A_15 = vector.broadcast %add3A_14 : i32 to vector<16xi32>
    %add3A_16 = arith.addi %iota3A_13, %add3A_15 : vector<16xi32>
    %iota3A_17 = tpu.iota {dimensions = array<i32: 0>} : vector<16xi32>
    %add3A_18 = arith.constant 48 : i32
    %add3A_19 = vector.broadcast %add3A_18 : i32 to vector<16xi32>
    %add3A_20 = arith.addi %iota3A_17, %add3A_19 : vector<16xi32>
    %iota3A_21 = tpu.iota {dimensions = array<i32: 0>} : vector<16xi32>
    %add3A_22 = arith.constant 64 : i32
    %add3A_23 = vector.broadcast %add3A_22 : i32 to vector<16xi32>
    %add3A_24 = arith.addi %iota3A_21, %add3A_23 : vector<16xi32>
    %iota3A_25 = tpu.iota {dimensions = array<i32: 0>} : vector<16xi32>
    %add3A_26 = arith.constant 80 : i32
    %add3A_27 = vector.broadcast %add3A_26 : i32 to vector<16xi32>
    %add3A_28 = arith.addi %iota3A_25, %add3A_27 : vector<16xi32>
    %iota3A_29 = tpu.iota {dimensions = array<i32: 0>} : vector<16xi32>
    %add3A_30 = arith.constant 96 : i32
    %add3A_31 = vector.broadcast %add3A_30 : i32 to vector<16xi32>
    %add3A_32 = arith.addi %iota3A_29, %add3A_31 : vector<16xi32>
    %get3A = arith.constant 0 : i32
    %get3A_33 = arith.index_cast %get3A : i32 to index
    %get3A_34 = arith.constant 0 : index
    %get3A_35 = tpu.vector_load %arg4[%get3A_33, %get3A_34] {strides = array<i32>} : memref<2x112xf32, #tpu.memory_space<vmem>>, vector<1x16xf32>,
    %get3A_36 = vector.shape_cast %get3A_35 : vector<1x16xf32> to vector<16xf32>
    %get3A_37 = arith.constant 0 : i32
    %get3A_38 = arith.index_cast %get3A_37 : i32 to index
    %get3A_39 = arith.constant 16 : index
    %get3A_40 = tpu.vector_load %arg4[%get3A_38, %get3A_39] {strides = array<i32>} : memref<2x112xf32, #tpu.memory_space<vmem>>, vector<1x16xf32>,
    %get3A_41 = vector.shape_cast %get3A_40 : vector<1x16xf32> to vector<16xf32>
    %get3A_42 = arith.constant 0 : i32
    %get3A_43 = arith.index_cast %get3A_42 : i32 to index
    %get3A_44 = arith.constant 32 : index
    %get3A_45 = tpu.vector_load %arg4[%get3A_43, %get3A_44] {strides = array<i32>} : memref<2x112xf32, #tpu.memory_space<vmem>>, vector<1x16xf32>,
    %get3A_46 = vector.shape_cast %get3A_45 : vector<1x16xf32> to vector<16xf32>
    %get3A_47 = arith.constant 0 : i32
    %get3A_48 = arith.index_cast %get3A_47 : i32 to index
    %get3A_49 = arith.constant 48 : index
    %get3A_50 = tpu.vector_load %arg4[%get3A_48, %get3A_49] {strides = array<i32>} : memref<2x112xf32, #tpu.memory_space<vmem>>, vector<1x16xf32>,
    %get3A_51 = vector.shape_cast %get3A_50 : vector<1x16xf32> to vector<16xf32>
    %get3A_52 = arith.constant 0 : i32
    %get3A_53 = arith.index_cast %get3A_52 : i32 to index
    %get3A_54 = arith.constant 64 : index
    %get3A_55 = tpu.vector_load %arg4[%get3A_53, %get3A_54] {strides = array<i32>} : memref<2x112xf32, #tpu.memory_space<vmem>>, vector<1x16xf32>,
    %get3A_56 = vector.shape_cast %get3A_55 : vector<1x16xf32> to vector<16xf32>
    %get3A_57 = arith.constant 0 : i32
    %get3A_58 = arith.index_cast %get3A_57 : i32 to index
    %get3A_59 = arith.constant 80 : index
    %get3A_60 = tpu.vector_load %arg4[%get3A_58, %get3A_59] {strides = array<i32>} : memref<2x112xf32, #tpu.memory_space<vmem>>, vector<1x16xf32>,
    %get3A_61 = vector.shape_cast %get3A_60 : vector<1x16xf32> to vector<16xf32>
    %get3A_62 = arith.constant 0 : i32
    %get3A_63 = arith.index_cast %get3A_62 : i32 to index
    %get3A_64 = arith.constant 96 : index
    %get3A_65 = tpu.vector_load %arg4[%get3A_63, %get3A_64] {strides = array<i32>} : memref<2x112xf32, #tpu.memory_space<vmem>>, vector<1x16xf32>,
    %get3A_66 = vector.shape_cast %get3A_65 : vector<1x16xf32> to vector<16xf32>
    %max3A = arith.maximumf %get3A_36, %get3A_41 : vector<16xf32>
    %max3A_67 = arith.maximumf %max3A, %get3A_46 : vector<16xf32>
    %max3A_68 = arith.maximumf %max3A_67, %get3A_51 : vector<16xf32>
    %max3A_69 = arith.maximumf %max3A_68, %get3A_56 : vector<16xf32>
    %max3A_70 = arith.maximumf %max3A_69, %get3A_61 : vector<16xf32>
    %max3A_71 = arith.maximumf %max3A_70, %get3A_66 : vector<16xf32>
    %iota3A_72 = tpu.iota {dimensions = array<i32: 0>} : vector<16xi32>
    %xor3A = arith.constant 1 : i32
    %xor3A_73 = vector.broadcast %xor3A : i32 to vector<16xi32>
    %xor3A_74 = arith.xori %iota3A_72, %xor3A_73 : vector<16xi32>
    %broadcast_in_dim3A_75 = vector.shape_cast %xor3A_74 : vector<16xi32> to vector<16x1xi32>
    %gather3A = vector.shape_cast %broadcast_in_dim3A_75 : vector<16x1xi32> to vector<16xi32>
    %gather3A_76 = tpu.dynamic_gather %max3A_71[%gather3A] in [0] : vector<16xf32>, vector<16xi32> -> vector<16xf32>
    %max3A_77 = arith.maximumf %max3A_71, %gather3A_76 : vector<16xf32>
    %xor3A_78 = arith.constant 2 : i32
    %xor3A_79 = vector.broadcast %xor3A_78 : i32 to vector<16xi32>
    %xor3A_80 = arith.xori %iota3A_72, %xor3A_79 : vector<16xi32>
    %broadcast_in_dim3A_81 = vector.shape_cast %xor3A_80 : vector<16xi32> to vector<16x1xi32>
    %gather3A_82 = vector.shape_cast %broadcast_in_dim3A_81 : vector<16x1xi32> to vector<16xi32>
    %gather3A_83 = tpu.dynamic_gather %max3A_77[%gather3A_82] in [0] : vector<16xf32>, vector<16xi32> -> vector<16xf32>
    %max3A_84 = arith.maximumf %max3A_77, %gather3A_83 : vector<16xf32>
    %xor3A_85 = arith.constant 4 : i32
    %xor3A_86 = vector.broadcast %xor3A_85 : i32 to vector<16xi32>
    %xor3A_87 = arith.xori %iota3A_72, %xor3A_86 : vector<16xi32>
    %broadcast_in_dim3A_88 = vector.shape_cast %xor3A_87 : vector<16xi32> to vector<16x1xi32>
    %gather3A_89 = vector.shape_cast %broadcast_in_dim3A_88 : vector<16x1xi32> to vector<16xi32>
    %gather3A_90 = tpu.dynamic_gather %max3A_84[%gather3A_89] in [0] : vector<16xf32>, vector<16xi32> -> vector<16xf32>
    %max3A_91 = arith.maximumf %max3A_84, %gather3A_90 : vector<16xf32>
    %xor3A_92 = arith.constant 8 : i32
    %xor3A_93 = vector.broadcast %xor3A_92 : i32 to vector<16xi32>
    %xor3A_94 = arith.xori %iota3A_72, %xor3A_93 : vector<16xi32>
    %broadcast_in_dim3A_95 = vector.shape_cast %xor3A_94 : vector<16xi32> to vector<16x1xi32>
    %gather3A_96 = vector.shape_cast %broadcast_in_dim3A_95 : vector<16x1xi32> to vector<16xi32>
    %gather3A_97 = tpu.dynamic_gather %max3A_91[%gather3A_96] in [0] : vector<16xf32>, vector<16xi32> -> vector<16xf32>
    %max3A_98 = arith.maximumf %max3A_91, %gather3A_97 : vector<16xf32>
    %eq3A = arith.cmpf oeq, %get3A_36, %max3A_98 : vector<16xf32>
    %jit3A = arith.constant 112 : i32
    %broadcast_in_dim3A_99 = vector.broadcast %jit3A : i32 to vector<16xi32>
    %select_n3A = arith.select %eq3A, %add3A_8, %broadcast_in_dim3A_99 : vector<16xi1>, vector<16xi32>
    %eq3A_100 = arith.cmpf oeq, %get3A_41, %max3A_98 : vector<16xf32>
    %jit3A_101 = arith.constant 112 : i32
    %broadcast_in_dim3A_102 = vector.broadcast %jit3A_101 : i32 to vector<16xi32>
    %select_n3A_103 = arith.select %eq3A_100, %add3A_12, %broadcast_in_dim3A_102 : vector<16xi1>, vector<16xi32>
    %min3A = arith.minsi %select_n3A, %select_n3A_103 : vector<16xi32>
    %eq3A_104 = arith.cmpf oeq, %get3A_46, %max3A_98 : vector<16xf32>
    %jit3A_105 = arith.constant 112 : i32
    %broadcast_in_dim3A_106 = vector.broadcast %jit3A_105 : i32 to vector<16xi32>
    %select_n3A_107 = arith.select %eq3A_104, %add3A_16, %broadcast_in_dim3A_106 : vector<16xi1>, vector<16xi32>
    %min3A_108 = arith.minsi %min3A, %select_n3A_107 : vector<16xi32>
    %eq3A_109 = arith.cmpf oeq, %get3A_51, %max3A_98 : vector<16xf32>
    %jit3A_110 = arith.constant 112 : i32
    %broadcast_in_dim3A_111 = vector.broadcast %jit3A_110 : i32 to vector<16xi32>
    %select_n3A_112 = arith.select %eq3A_109, %add3A_20, %broadcast_in_dim3A_111 : vector<16xi1>, vector<16xi32>
    %min3A_113 = arith.minsi %min3A_108, %select_n3A_112 : vector<16xi32>
    %eq3A_114 = arith.cmpf oeq, %get3A_56, %max3A_98 : vector<16xf32>
    %jit3A_115 = arith.constant 112 : i32
    %broadcast_in_dim3A_116 = vector.broadcast %jit3A_115 : i32 to vector<16xi32>
    %select_n3A_117 = arith.select %eq3A_114, %add3A_24, %broadcast_in_dim3A_116 : vector<16xi1>, vector<16xi32>
    %min3A_118 = arith.minsi %min3A_113, %select_n3A_117 : vector<16xi32>
    %eq3A_119 = arith.cmpf oeq, %get3A_61, %max3A_98 : vector<16xf32>
    %jit3A_120 = arith.constant 112 : i32
    %broadcast_in_dim3A_121 = vector.broadcast %jit3A_120 : i32 to vector<16xi32>
    %select_n3A_122 = arith.select %eq3A_119, %add3A_28, %broadcast_in_dim3A_121 : vector<16xi1>, vector<16xi32>
    %min3A_123 = arith.minsi %min3A_118, %select_n3A_122 : vector<16xi32>
    %eq3A_124 = arith.cmpf oeq, %get3A_66, %max3A_98 : vector<16xf32>
    %jit3A_125 = arith.constant 112 : i32
    %broadcast_in_dim3A_126 = vector.broadcast %jit3A_125 : i32 to vector<16xi32>
    %select_n3A_127 = arith.select %eq3A_124, %add3A_32, %broadcast_in_dim3A_126 : vector<16xi1>, vector<16xi32>
    %min3A_128 = arith.minsi %min3A_123, %select_n3A_127 : vector<16xi32>
    %iota3A_129 = tpu.iota {dimensions = array<i32: 0>} : vector<16xi32>
    %xor3A_130 = arith.constant 1 : i32
    %xor3A_131 = vector.broadcast %xor3A_130 : i32 to vector<16xi32>
    %xor3A_132 = arith.xori %iota3A_129, %xor3A_131 : vector<16xi32>
    %broadcast_in_dim3A_133 = vector.shape_cast %xor3A_132 : vector<16xi32> to vector<16x1xi32>
    %gather3A_134 = vector.shape_cast %broadcast_in_dim3A_133 : vector<16x1xi32> to vector<16xi32>
    %gather3A_135 = tpu.dynamic_gather %min3A_128[%gather3A_134] in [0] : vector<16xi32>, vector<16xi32> -> vector<16xi32>
    %min3A_136 = arith.minsi %min3A_128, %gather3A_135 : vector<16xi32>
    %xor3A_137 = arith.constant 2 : i32
    %xor3A_138 = vector.broadcast %xor3A_137 : i32 to vector<16xi32>
    %xor3A_139 = arith.xori %iota3A_129, %xor3A_138 : vector<16xi32>
    %broadcast_in_dim3A_140 = vector.shape_cast %xor3A_139 : vector<16xi32> to vector<16x1xi32>
    %gather3A_141 = vector.shape_cast %broadcast_in_dim3A_140 : vector<16x1xi32> to vector<16xi32>
    %gather3A_142 = tpu.dynamic_gather %min3A_136[%gather3A_141] in [0] : vector<16xi32>, vector<16xi32> -> vector<16xi32>
    %min3A_143 = arith.minsi %min3A_136, %gather3A_142 : vector<16xi32>
    %xor3A_144 = arith.constant 4 : i32
    %xor3A_145 = vector.broadcast %xor3A_144 : i32 to vector<16xi32>
    %xor3A_146 = arith.xori %iota3A_129, %xor3A_145 : vector<16xi32>
    %broadcast_in_dim3A_147 = vector.shape_cast %xor3A_146 : vector<16xi32> to vector<16x1xi32>
    %gather3A_148 = vector.shape_cast %broadcast_in_dim3A_147 : vector<16x1xi32> to vector<16xi32>
    %gather3A_149 = tpu.dynamic_gather %min3A_143[%gather3A_148] in [0] : vector<16xi32>, vector<16xi32> -> vector<16xi32>
    %min3A_150 = arith.minsi %min3A_143, %gather3A_149 : vector<16xi32>
    %xor3A_151 = arith.constant 8 : i32
    %xor3A_152 = vector.broadcast %xor3A_151 : i32 to vector<16xi32>
    %xor3A_153 = arith.xori %iota3A_129, %xor3A_152 : vector<16xi32>
    %broadcast_in_dim3A_154 = vector.shape_cast %xor3A_153 : vector<16xi32> to vector<16x1xi32>
    %gather3A_155 = vector.shape_cast %broadcast_in_dim3A_154 : vector<16x1xi32> to vector<16xi32>
    %gather3A_156 = tpu.dynamic_gather %min3A_150[%gather3A_155] in [0] : vector<16xi32>, vector<16xi32> -> vector<16xi32>
    %min3A_157 = arith.minsi %min3A_150, %gather3A_156 : vector<16xi32>
    %eq3A_158 = arith.cmpi eq, %add3A_8, %min3A_157 : vector<16xi32>
    %jit3A_159 = arith.constant 0.000000e+00 : f32
    %broadcast_in_dim3A_160 = vector.broadcast %jit3A_159 : f32 to vector<16xf32>
    %select_n3A_161 = arith.select %eq3A_158, %max3A_98, %broadcast_in_dim3A_160 : vector<16xi1>, vector<16xf32>
    %add3A_162 = arith.addf %broadcast_in_dim3A_3, %select_n3A_161 : vector<16xf32>
    %select_n3A_163 = arith.select %eq3A_158, %broadcast_in_dim3A_5, %get3A_36 : vector<16xi1>, vector<16xf32>
    %eq3A_164 = arith.cmpi eq, %add3A_12, %min3A_157 : vector<16xi32>
    %jit3A_165 = arith.constant 0.000000e+00 : f32
    %broadcast_in_dim3A_166 = vector.broadcast %jit3A_165 : f32 to vector<16xf32>
    %select_n3A_167 = arith.select %eq3A_164, %max3A_98, %broadcast_in_dim3A_166 : vector<16xi1>, vector<16xf32>
    %add3A_168 = arith.addf %broadcast_in_dim3A_3, %select_n3A_167 : vector<16xf32>
    %select_n3A_169 = arith.select %eq3A_164, %broadcast_in_dim3A_5, %get3A_41 : vector<16xi1>, vector<16xf32>
    %eq3A_170 = arith.cmpi eq, %add3A_16, %min3A_157 : vector<16xi32>
    %jit3A_171 = arith.constant 0.000000e+00 : f32
    %broadcast_in_dim3A_172 = vector.broadcast %jit3A_171 : f32 to vector<16xf32>
    %select_n3A_173 = arith.select %eq3A_170, %max3A_98, %broadcast_in_dim3A_172 : vector<16xi1>, vector<16xf32>
    %add3A_174 = arith.addf %broadcast_in_dim3A_3, %select_n3A_173 : vector<16xf32>
    %select_n3A_175 = arith.select %eq3A_170, %broadcast_in_dim3A_5, %get3A_46 : vector<16xi1>, vector<16xf32>
    %eq3A_176 = arith.cmpi eq, %add3A_20, %min3A_157 : vector<16xi32>
    %jit3A_177 = arith.constant 0.000000e+00 : f32
    %broadcast_in_dim3A_178 = vector.broadcast %jit3A_177 : f32 to vector<16xf32>
    %select_n3A_179 = arith.select %eq3A_176, %max3A_98, %broadcast_in_dim3A_178 : vector<16xi1>, vector<16xf32>
    %add3A_180 = arith.addf %broadcast_in_dim3A_3, %select_n3A_179 : vector<16xf32>
    %select_n3A_181 = arith.select %eq3A_176, %broadcast_in_dim3A_5, %get3A_51 : vector<16xi1>, vector<16xf32>
    %eq3A_182 = arith.cmpi eq, %add3A_24, %min3A_157 : vector<16xi32>
    %jit3A_183 = arith.constant 0.000000e+00 : f32
    %broadcast_in_dim3A_184 = vector.broadcast %jit3A_183 : f32 to vector<16xf32>
    %select_n3A_185 = arith.select %eq3A_182, %max3A_98, %broadcast_in_dim3A_184 : vector<16xi1>, vector<16xf32>
    %add3A_186 = arith.addf %broadcast_in_dim3A_3, %select_n3A_185 : vector<16xf32>
    %select_n3A_187 = arith.select %eq3A_182, %broadcast_in_dim3A_5, %get3A_56 : vector<16xi1>, vector<16xf32>
    %eq3A_188 = arith.cmpi eq, %add3A_28, %min3A_157 : vector<16xi32>
    %jit3A_189 = arith.constant 0.000000e+00 : f32
    %broadcast_in_dim3A_190 = vector.broadcast %jit3A_189 : f32 to vector<16xf32>
    %select_n3A_191 = arith.select %eq3A_188, %max3A_98, %broadcast_in_dim3A_190 : vector<16xi1>, vector<16xf32>
    %add3A_192 = arith.addf %broadcast_in_dim3A_3, %select_n3A_191 : vector<16xf32>
    %select_n3A_193 = arith.select %eq3A_188, %broadcast_in_dim3A_5, %get3A_61 : vector<16xi1>, vector<16xf32>
    %eq3A_194 = arith.cmpi eq, %add3A_32, %min3A_157 : vector<16xi32>
    %jit3A_195 = arith.constant 0.000000e+00 : f32
    %broadcast_in_dim3A_196 = vector.broadcast %jit3A_195 : f32 to vector<16xf32>
    %select_n3A_197 = arith.select %eq3A_194, %max3A_98, %broadcast_in_dim3A_196 : vector<16xi1>, vector<16xf32>
    %add3A_198 = arith.addf %broadcast_in_dim3A_3, %select_n3A_197 : vector<16xf32>
    %select_n3A_199 = arith.select %eq3A_194, %broadcast_in_dim3A_5, %get3A_66 : vector<16xi1>, vector<16xf32>
    %add3A_200 = arith.addf %broadcast_in_dim3A_3, %max3A_98 : vector<16xf32>
    %max3A_201 = arith.maximumf %select_n3A_163, %select_n3A_169 : vector<16xf32>
    %max3A_202 = arith.maximumf %max3A_201, %select_n3A_175 : vector<16xf32>
    %max3A_203 = arith.maximumf %max3A_202, %select_n3A_181 : vector<16xf32>
    %max3A_204 = arith.maximumf %max3A_203, %select_n3A_187 : vector<16xf32>
    %max3A_205 = arith.maximumf %max3A_204, %select_n3A_193 : vector<16xf32>
    %max3A_206 = arith.maximumf %max3A_205, %select_n3A_199 : vector<16xf32>
    %iota3A_207 = tpu.iota {dimensions = array<i32: 0>} : vector<16xi32>
    %xor3A_208 = arith.constant 1 : i32
    %xor3A_209 = vector.broadcast %xor3A_208 : i32 to vector<16xi32>
    %xor3A_210 = arith.xori %iota3A_207, %xor3A_209 : vector<16xi32>
    %broadcast_in_dim3A_211 = vector.shape_cast %xor3A_210 : vector<16xi32> to vector<16x1xi32>
    %gather3A_212 = vector.shape_cast %broadcast_in_dim3A_211 : vector<16x1xi32> to vector<16xi32>
    %gather3A_213 = tpu.dynamic_gather %max3A_206[%gather3A_212] in [0] : vector<16xf32>, vector<16xi32> -> vector<16xf32>
    %max3A_214 = arith.maximumf %max3A_206, %gather3A_213 : vector<16xf32>
    %xor3A_215 = arith.constant 2 : i32
    %xor3A_216 = vector.broadcast %xor3A_215 : i32 to vector<16xi32>
    %xor3A_217 = arith.xori %iota3A_207, %xor3A_216 : vector<16xi32>
    %broadcast_in_dim3A_218 = vector.shape_cast %xor3A_217 : vector<16xi32> to vector<16x1xi32>
    %gather3A_219 = vector.shape_cast %broadcast_in_dim3A_218 : vector<16x1xi32> to vector<16xi32>
    %gather3A_220 = tpu.dynamic_gather %max3A_214[%gather3A_219] in [0] : vector<16xf32>, vector<16xi32> -> vector<16xf32>
    %max3A_221 = arith.maximumf %max3A_214, %gather3A_220 : vector<16xf32>
    %xor3A_222 = arith.constant 4 : i32
    %xor3A_223 = vector.broadcast %xor3A_222 : i32 to vector<16xi32>
    %xor3A_224 = arith.xori %iota3A_207, %xor3A_223 : vector<16xi32>
    %broadcast_in_dim3A_225 = vector.shape_cast %xor3A_224 : vector<16xi32> to vector<16x1xi32>
    %gather3A_226 = vector.shape_cast %broadcast_in_dim3A_225 : vector<16x1xi32> to vector<16xi32>
    %gather3A_227 = tpu.dynamic_gather %max3A_221[%gather3A_226] in [0] : vector<16xf32>, vector<16xi32> -> vector<16xf32>
    %max3A_228 = arith.maximumf %max3A_221, %gather3A_227 : vector<16xf32>
    %xor3A_229 = arith.constant 8 : i32
    %xor3A_230 = vector.broadcast %xor3A_229 : i32 to vector<16xi32>
    %xor3A_231 = arith.xori %iota3A_207, %xor3A_230 : vector<16xi32>
    %broadcast_in_dim3A_232 = vector.shape_cast %xor3A_231 : vector<16xi32> to vector<16x1xi32>
    %gather3A_233 = vector.shape_cast %broadcast_in_dim3A_232 : vector<16x1xi32> to vector<16xi32>
    %gather3A_234 = tpu.dynamic_gather %max3A_228[%gather3A_233] in [0] : vector<16xf32>, vector<16xi32> -> vector<16xf32>
    %max3A_235 = arith.maximumf %max3A_228, %gather3A_234 : vector<16xf32>
    %eq3A_236 = arith.cmpf oeq, %select_n3A_163, %max3A_235 : vector<16xf32>
    %jit3A_237 = arith.constant 112 : i32
    %broadcast_in_dim3A_238 = vector.broadcast %jit3A_237 : i32 to vector<16xi32>
    %select_n3A_239 = arith.select %eq3A_236, %add3A_8, %broadcast_in_dim3A_238 : vector<16xi1>, vector<16xi32>
    %eq3A_240 = arith.cmpf oeq, %select_n3A_169, %max3A_235 : vector<16xf32>
    %jit3A_241 = arith.constant 112 : i32
    %broadcast_in_dim3A_242 = vector.broadcast %jit3A_241 : i32 to vector<16xi32>
    %select_n3A_243 = arith.select %eq3A_240, %add3A_12, %broadcast_in_dim3A_242 : vector<16xi1>, vector<16xi32>
    %min3A_244 = arith.minsi %select_n3A_239, %select_n3A_243 : vector<16xi32>
    %eq3A_245 = arith.cmpf oeq, %select_n3A_175, %max3A_235 : vector<16xf32>
    %jit3A_246 = arith.constant 112 : i32
    %broadcast_in_dim3A_247 = vector.broadcast %jit3A_246 : i32 to vector<16xi32>
    %select_n3A_248 = arith.select %eq3A_245, %add3A_16, %broadcast_in_dim3A_247 : vector<16xi1>, vector<16xi32>
    %min3A_249 = arith.minsi %min3A_244, %select_n3A_248 : vector<16xi32>
    %eq3A_250 = arith.cmpf oeq, %select_n3A_181, %max3A_235 : vector<16xf32>
    %jit3A_251 = arith.constant 112 : i32
    %broadcast_in_dim3A_252 = vector.broadcast %jit3A_251 : i32 to vector<16xi32>
    %select_n3A_253 = arith.select %eq3A_250, %add3A_20, %broadcast_in_dim3A_252 : vector<16xi1>, vector<16xi32>
    %min3A_254 = arith.minsi %min3A_249, %select_n3A_253 : vector<16xi32>
    %eq3A_255 = arith.cmpf oeq, %select_n3A_187, %max3A_235 : vector<16xf32>
    %jit3A_256 = arith.constant 112 : i32
    %broadcast_in_dim3A_257 = vector.broadcast %jit3A_256 : i32 to vector<16xi32>
    %select_n3A_258 = arith.select %eq3A_255, %add3A_24, %broadcast_in_dim3A_257 : vector<16xi1>, vector<16xi32>
    %min3A_259 = arith.minsi %min3A_254, %select_n3A_258 : vector<16xi32>
    %eq3A_260 = arith.cmpf oeq, %select_n3A_193, %max3A_235 : vector<16xf32>
    %jit3A_261 = arith.constant 112 : i32
    %broadcast_in_dim3A_262 = vector.broadcast %jit3A_261 : i32 to vector<16xi32>
    %select_n3A_263 = arith.select %eq3A_260, %add3A_28, %broadcast_in_dim3A_262 : vector<16xi1>, vector<16xi32>
    %min3A_264 = arith.minsi %min3A_259, %select_n3A_263 : vector<16xi32>
    %eq3A_265 = arith.cmpf oeq, %select_n3A_199, %max3A_235 : vector<16xf32>
    %jit3A_266 = arith.constant 112 : i32
    %broadcast_in_dim3A_267 = vector.broadcast %jit3A_266 : i32 to vector<16xi32>
    %select_n3A_268 = arith.select %eq3A_265, %add3A_32, %broadcast_in_dim3A_267 : vector<16xi1>, vector<16xi32>
    %min3A_269 = arith.minsi %min3A_264, %select_n3A_268 : vector<16xi32>
    %iota3A_270 = tpu.iota {dimensions = array<i32: 0>} : vector<16xi32>
    %xor3A_271 = arith.constant 1 : i32
    %xor3A_272 = vector.broadcast %xor3A_271 : i32 to vector<16xi32>
    %xor3A_273 = arith.xori %iota3A_270, %xor3A_272 : vector<16xi32>
    %broadcast_in_dim3A_274 = vector.shape_cast %xor3A_273 : vector<16xi32> to vector<16x1xi32>
    %gather3A_275 = vector.shape_cast %broadcast_in_dim3A_274 : vector<16x1xi32> to vector<16xi32>
    %gather3A_276 = tpu.dynamic_gather %min3A_269[%gather3A_275] in [0] : vector<16xi32>, vector<16xi32> -> vector<16xi32>
    %min3A_277 = arith.minsi %min3A_269, %gather3A_276 : vector<16xi32>
    %xor3A_278 = arith.constant 2 : i32
    %xor3A_279 = vector.broadcast %xor3A_278 : i32 to vector<16xi32>
    %xor3A_280 = arith.xori %iota3A_270, %xor3A_279 : vector<16xi32>
    %broadcast_in_dim3A_281 = vector.shape_cast %xor3A_280 : vector<16xi32> to vector<16x1xi32>
    %gather3A_282 = vector.shape_cast %broadcast_in_dim3A_281 : vector<16x1xi32> to vector<16xi32>
    %gather3A_283 = tpu.dynamic_gather %min3A_277[%gather3A_282] in [0] : vector<16xi32>, vector<16xi32> -> vector<16xi32>
    %min3A_284 = arith.minsi %min3A_277, %gather3A_283 : vector<16xi32>
    %xor3A_285 = arith.constant 4 : i32
    %xor3A_286 = vector.broadcast %xor3A_285 : i32 to vector<16xi32>
    %xor3A_287 = arith.xori %iota3A_270, %xor3A_286 : vector<16xi32>
    %broadcast_in_dim3A_288 = vector.shape_cast %xor3A_287 : vector<16xi32> to vector<16x1xi32>
    %gather3A_289 = vector.shape_cast %broadcast_in_dim3A_288 : vector<16x1xi32> to vector<16xi32>
    %gather3A_290 = tpu.dynamic_gather %min3A_284[%gather3A_289] in [0] : vector<16xi32>, vector<16xi32> -> vector<16xi32>
    %min3A_291 = arith.minsi %min3A_284, %gather3A_290 : vector<16xi32>
    %xor3A_292 = arith.constant 8 : i32
    %xor3A_293 = vector.broadcast %xor3A_292 : i32 to vector<16xi32>
    %xor3A_294 = arith.xori %iota3A_270, %xor3A_293 : vector<16xi32>
    %broadcast_in_dim3A_295 = vector.shape_cast %xor3A_294 : vector<16xi32> to vector<16x1xi32>
    %gather3A_296 = vector.shape_cast %broadcast_in_dim3A_295 : vector<16x1xi32> to vector<16xi32>
    %gather3A_297 = tpu.dynamic_gather %min3A_291[%gather3A_296] in [0] : vector<16xi32>, vector<16xi32> -> vector<16xi32>
    %min3A_298 = arith.minsi %min3A_291, %gather3A_297 : vector<16xi32>
    %eq3A_299 = arith.cmpi eq, %add3A_8, %min3A_298 : vector<16xi32>
    %jit3A_300 = arith.constant 0.000000e+00 : f32
    %broadcast_in_dim3A_301 = vector.broadcast %jit3A_300 : f32 to vector<16xf32>
    %select_n3A_302 = arith.select %eq3A_299, %max3A_235, %broadcast_in_dim3A_301 : vector<16xi1>, vector<16xf32>
    %add3A_303 = arith.addf %add3A_162, %select_n3A_302 : vector<16xf32>
    %select_n3A_304 = arith.select %eq3A_299, %broadcast_in_dim3A_5, %select_n3A_163 : vector<16xi1>, vector<16xf32>
    %eq3A_305 = arith.cmpi eq, %add3A_12, %min3A_298 : vector<16xi32>
    %jit3A_306 = arith.constant 0.000000e+00 : f32
    %broadcast_in_dim3A_307 = vector.broadcast %jit3A_306 : f32 to vector<16xf32>
    %select_n3A_308 = arith.select %eq3A_305, %max3A_235, %broadcast_in_dim3A_307 : vector<16xi1>, vector<16xf32>
    %add3A_309 = arith.addf %add3A_168, %select_n3A_308 : vector<16xf32>
    %select_n3A_310 = arith.select %eq3A_305, %broadcast_in_dim3A_5, %select_n3A_169 : vector<16xi1>, vector<16xf32>
    %eq3A_311 = arith.cmpi eq, %add3A_16, %min3A_298 : vector<16xi32>
    %jit3A_312 = arith.constant 0.000000e+00 : f32
    %broadcast_in_dim3A_313 = vector.broadcast %jit3A_312 : f32 to vector<16xf32>
    %select_n3A_314 = arith.select %eq3A_311, %max3A_235, %broadcast_in_dim3A_313 : vector<16xi1>, vector<16xf32>
    %add3A_315 = arith.addf %add3A_174, %select_n3A_314 : vector<16xf32>
    %select_n3A_316 = arith.select %eq3A_311, %broadcast_in_dim3A_5, %select_n3A_175 : vector<16xi1>, vector<16xf32>
    %eq3A_317 = arith.cmpi eq, %add3A_20, %min3A_298 : vector<16xi32>
    %jit3A_318 = arith.constant 0.000000e+00 : f32
    %broadcast_in_dim3A_319 = vector.broadcast %jit3A_318 : f32 to vector<16xf32>
    %select_n3A_320 = arith.select %eq3A_317, %max3A_235, %broadcast_in_dim3A_319 : vector<16xi1>, vector<16xf32>
    %add3A_321 = arith.addf %add3A_180, %select_n3A_320 : vector<16xf32>
    %select_n3A_322 = arith.select %eq3A_317, %broadcast_in_dim3A_5, %select_n3A_181 : vector<16xi1>, vector<16xf32>
    %eq3A_323 = arith.cmpi eq, %add3A_24, %min3A_298 : vector<16xi32>
    %jit3A_324 = arith.constant 0.000000e+00 : f32
    %broadcast_in_dim3A_325 = vector.broadcast %jit3A_324 : f32 to vector<16xf32>
    %select_n3A_326 = arith.select %eq3A_323, %max3A_235, %broadcast_in_dim3A_325 : vector<16xi1>, vector<16xf32>
    %add3A_327 = arith.addf %add3A_186, %select_n3A_326 : vector<16xf32>
    %select_n3A_328 = arith.select %eq3A_323, %broadcast_in_dim3A_5, %select_n3A_187 : vector<16xi1>, vector<16xf32>
    %eq3A_329 = arith.cmpi eq, %add3A_28, %min3A_298 : vector<16xi32>
    %jit3A_330 = arith.constant 0.000000e+00 : f32
    %broadcast_in_dim3A_331 = vector.broadcast %jit3A_330 : f32 to vector<16xf32>
    %select_n3A_332 = arith.select %eq3A_329, %max3A_235, %broadcast_in_dim3A_331 : vector<16xi1>, vector<16xf32>
    %add3A_333 = arith.addf %add3A_192, %select_n3A_332 : vector<16xf32>
    %select_n3A_334 = arith.select %eq3A_329, %broadcast_in_dim3A_5, %select_n3A_193 : vector<16xi1>, vector<16xf32>
    %eq3A_335 = arith.cmpi eq, %add3A_32, %min3A_298 : vector<16xi32>
    %jit3A_336 = arith.constant 0.000000e+00 : f32
    %broadcast_in_dim3A_337 = vector.broadcast %jit3A_336 : f32 to vector<16xf32>
    %select_n3A_338 = arith.select %eq3A_335, %max3A_235, %broadcast_in_dim3A_337 : vector<16xi1>, vector<16xf32>
    %add3A_339 = arith.addf %add3A_198, %select_n3A_338 : vector<16xf32>
    %select_n3A_340 = arith.select %eq3A_335, %broadcast_in_dim3A_5, %select_n3A_199 : vector<16xi1>, vector<16xf32>
    %add3A_341 = arith.addf %add3A_200, %max3A_235 : vector<16xf32>
    %max3A_342 = arith.maximumf %select_n3A_304, %select_n3A_310 : vector<16xf32>
    %max3A_343 = arith.maximumf %max3A_342, %select_n3A_316 : vector<16xf32>
    %max3A_344 = arith.maximumf %max3A_343, %select_n3A_322 : vector<16xf32>
    %max3A_345 = arith.maximumf %max3A_344, %select_n3A_328 : vector<16xf32>
    %max3A_346 = arith.maximumf %max3A_345, %select_n3A_334 : vector<16xf32>
    %max3A_347 = arith.maximumf %max3A_346, %select_n3A_340 : vector<16xf32>
    %iota3A_348 = tpu.iota {dimensions = array<i32: 0>} : vector<16xi32>
    %xor3A_349 = arith.constant 1 : i32
    %xor3A_350 = vector.broadcast %xor3A_349 : i32 to vector<16xi32>
    %xor3A_351 = arith.xori %iota3A_348, %xor3A_350 : vector<16xi32>
    %broadcast_in_dim3A_352 = vector.shape_cast %xor3A_351 : vector<16xi32> to vector<16x1xi32>
    %gather3A_353 = vector.shape_cast %broadcast_in_dim3A_352 : vector<16x1xi32> to vector<16xi32>
    %gather3A_354 = tpu.dynamic_gather %max3A_347[%gather3A_353] in [0] : vector<16xf32>, vector<16xi32> -> vector<16xf32>
    %max3A_355 = arith.maximumf %max3A_347, %gather3A_354 : vector<16xf32>
    %xor3A_356 = arith.constant 2 : i32
    %xor3A_357 = vector.broadcast %xor3A_356 : i32 to vector<16xi32>
    %xor3A_358 = arith.xori %iota3A_348, %xor3A_357 : vector<16xi32>
    %broadcast_in_dim3A_359 = vector.shape_cast %xor3A_358 : vector<16xi32> to vector<16x1xi32>
    %gather3A_360 = vector.shape_cast %broadcast_in_dim3A_359 : vector<16x1xi32> to vector<16xi32>
    %gather3A_361 = tpu.dynamic_gather %max3A_355[%gather3A_360] in [0] : vector<16xf32>, vector<16xi32> -> vector<16xf32>
    %max3A_362 = arith.maximumf %max3A_355, %gather3A_361 : vector<16xf32>
    %xor3A_363 = arith.constant 4 : i32
    %xor3A_364 = vector.broadcast %xor3A_363 : i32 to vector<16xi32>
    %xor3A_365 = arith.xori %iota3A_348, %xor3A_364 : vector<16xi32>
    %broadcast_in_dim3A_366 = vector.shape_cast %xor3A_365 : vector<16xi32> to vector<16x1xi32>
    %gather3A_367 = vector.shape_cast %broadcast_in_dim3A_366 : vector<16x1xi32> to vector<16xi32>
    %gather3A_368 = tpu.dynamic_gather %max3A_362[%gather3A_367] in [0] : vector<16xf32>, vector<16xi32> -> vector<16xf32>
    %max3A_369 = arith.maximumf %max3A_362, %gather3A_368 : vector<16xf32>
    %xor3A_370 = arith.constant 8 : i32
    %xor3A_371 = vector.broadcast %xor3A_370 : i32 to vector<16xi32>
    %xor3A_372 = arith.xori %iota3A_348, %xor3A_371 : vector<16xi32>
    %broadcast_in_dim3A_373 = vector.shape_cast %xor3A_372 : vector<16xi32> to vector<16x1xi32>
    %gather3A_374 = vector.shape_cast %broadcast_in_dim3A_373 : vector<16x1xi32> to vector<16xi32>
    %gather3A_375 = tpu.dynamic_gather %max3A_369[%gather3A_374] in [0] : vector<16xf32>, vector<16xi32> -> vector<16xf32>
    %max3A_376 = arith.maximumf %max3A_369, %gather3A_375 : vector<16xf32>
    %eq3A_377 = arith.cmpf oeq, %select_n3A_304, %max3A_376 : vector<16xf32>
    %jit3A_378 = arith.constant 112 : i32
    %broadcast_in_dim3A_379 = vector.broadcast %jit3A_378 : i32 to vector<16xi32>
    %select_n3A_380 = arith.select %eq3A_377, %add3A_8, %broadcast_in_dim3A_379 : vector<16xi1>, vector<16xi32>
    %eq3A_381 = arith.cmpf oeq, %select_n3A_310, %max3A_376 : vector<16xf32>
    %jit3A_382 = arith.constant 112 : i32
    %broadcast_in_dim3A_383 = vector.broadcast %jit3A_382 : i32 to vector<16xi32>
    %select_n3A_384 = arith.select %eq3A_381, %add3A_12, %broadcast_in_dim3A_383 : vector<16xi1>, vector<16xi32>
    %min3A_385 = arith.minsi %select_n3A_380, %select_n3A_384 : vector<16xi32>
    %eq3A_386 = arith.cmpf oeq, %select_n3A_316, %max3A_376 : vector<16xf32>
    %jit3A_387 = arith.constant 112 : i32
    %broadcast_in_dim3A_388 = vector.broadcast %jit3A_387 : i32 to vector<16xi32>
    %select_n3A_389 = arith.select %eq3A_386, %add3A_16, %broadcast_in_dim3A_388 : vector<16xi1>, vector<16xi32>
    %min3A_390 = arith.minsi %min3A_385, %select_n3A_389 : vector<16xi32>
    %eq3A_391 = arith.cmpf oeq, %select_n3A_322, %max3A_376 : vector<16xf32>
    %jit3A_392 = arith.constant 112 : i32
    %broadcast_in_dim3A_393 = vector.broadcast %jit3A_392 : i32 to vector<16xi32>
    %select_n3A_394 = arith.select %eq3A_391, %add3A_20, %broadcast_in_dim3A_393 : vector<16xi1>, vector<16xi32>
    %min3A_395 = arith.minsi %min3A_390, %select_n3A_394 : vector<16xi32>
    %eq3A_396 = arith.cmpf oeq, %select_n3A_328, %max3A_376 : vector<16xf32>
    %jit3A_397 = arith.constant 112 : i32
    %broadcast_in_dim3A_398 = vector.broadcast %jit3A_397 : i32 to vector<16xi32>
    %select_n3A_399 = arith.select %eq3A_396, %add3A_24, %broadcast_in_dim3A_398 : vector<16xi1>, vector<16xi32>
    %min3A_400 = arith.minsi %min3A_395, %select_n3A_399 : vector<16xi32>
    %eq3A_401 = arith.cmpf oeq, %select_n3A_334, %max3A_376 : vector<16xf32>
    %jit3A_402 = arith.constant 112 : i32
    %broadcast_in_dim3A_403 = vector.broadcast %jit3A_402 : i32 to vector<16xi32>
    %select_n3A_404 = arith.select %eq3A_401, %add3A_28, %broadcast_in_dim3A_403 : vector<16xi1>, vector<16xi32>
    %min3A_405 = arith.minsi %min3A_400, %select_n3A_404 : vector<16xi32>
    %eq3A_406 = arith.cmpf oeq, %select_n3A_340, %max3A_376 : vector<16xf32>
    %jit3A_407 = arith.constant 112 : i32
    %broadcast_in_dim3A_408 = vector.broadcast %jit3A_407 : i32 to vector<16xi32>
    %select_n3A_409 = arith.select %eq3A_406, %add3A_32, %broadcast_in_dim3A_408 : vector<16xi1>, vector<16xi32>
    %min3A_410 = arith.minsi %min3A_405, %select_n3A_409 : vector<16xi32>
    %iota3A_411 = tpu.iota {dimensions = array<i32: 0>} : vector<16xi32>
    %xor3A_412 = arith.constant 1 : i32
    %xor3A_413 = vector.broadcast %xor3A_412 : i32 to vector<16xi32>
    %xor3A_414 = arith.xori %iota3A_411, %xor3A_413 : vector<16xi32>
    %broadcast_in_dim3A_415 = vector.shape_cast %xor3A_414 : vector<16xi32> to vector<16x1xi32>
    %gather3A_416 = vector.shape_cast %broadcast_in_dim3A_415 : vector<16x1xi32> to vector<16xi32>
    %gather3A_417 = tpu.dynamic_gather %min3A_410[%gather3A_416] in [0] : vector<16xi32>, vector<16xi32> -> vector<16xi32>
    %min3A_418 = arith.minsi %min3A_410, %gather3A_417 : vector<16xi32>
    %xor3A_419 = arith.constant 2 : i32
    %xor3A_420 = vector.broadcast %xor3A_419 : i32 to vector<16xi32>
    %xor3A_421 = arith.xori %iota3A_411, %xor3A_420 : vector<16xi32>
    %broadcast_in_dim3A_422 = vector.shape_cast %xor3A_421 : vector<16xi32> to vector<16x1xi32>
    %gather3A_423 = vector.shape_cast %broadcast_in_dim3A_422 : vector<16x1xi32> to vector<16xi32>
    %gather3A_424 = tpu.dynamic_gather %min3A_418[%gather3A_423] in [0] : vector<16xi32>, vector<16xi32> -> vector<16xi32>
    %min3A_425 = arith.minsi %min3A_418, %gather3A_424 : vector<16xi32>
    %xor3A_426 = arith.constant 4 : i32
    %xor3A_427 = vector.broadcast %xor3A_426 : i32 to vector<16xi32>
    %xor3A_428 = arith.xori %iota3A_411, %xor3A_427 : vector<16xi32>
    %broadcast_in_dim3A_429 = vector.shape_cast %xor3A_428 : vector<16xi32> to vector<16x1xi32>
    %gather3A_430 = vector.shape_cast %broadcast_in_dim3A_429 : vector<16x1xi32> to vector<16xi32>
    %gather3A_431 = tpu.dynamic_gather %min3A_425[%gather3A_430] in [0] : vector<16xi32>, vector<16xi32> -> vector<16xi32>
    %min3A_432 = arith.minsi %min3A_425, %gather3A_431 : vector<16xi32>
    %xor3A_433 = arith.constant 8 : i32
    %xor3A_434 = vector.broadcast %xor3A_433 : i32 to vector<16xi32>
    %xor3A_435 = arith.xori %iota3A_411, %xor3A_434 : vector<16xi32>
    %broadcast_in_dim3A_436 = vector.shape_cast %xor3A_435 : vector<16xi32> to vector<16x1xi32>
    %gather3A_437 = vector.shape_cast %broadcast_in_dim3A_436 : vector<16x1xi32> to vector<16xi32>
    %gather3A_438 = tpu.dynamic_gather %min3A_432[%gather3A_437] in [0] : vector<16xi32>, vector<16xi32> -> vector<16xi32>
    %min3A_439 = arith.minsi %min3A_432, %gather3A_438 : vector<16xi32>
    %eq3A_440 = arith.cmpi eq, %add3A_8, %min3A_439 : vector<16xi32>
    %jit3A_441 = arith.constant 0.000000e+00 : f32
    %broadcast_in_dim3A_442 = vector.broadcast %jit3A_441 : f32 to vector<16xf32>
    %select_n3A_443 = arith.select %eq3A_440, %max3A_376, %broadcast_in_dim3A_442 : vector<16xi1>, vector<16xf32>
    %add3A_444 = arith.addf %add3A_303, %select_n3A_443 : vector<16xf32>
    %select_n3A_445 = arith.select %eq3A_440, %broadcast_in_dim3A_5, %select_n3A_304 : vector<16xi1>, vector<16xf32>
    %eq3A_446 = arith.cmpi eq, %add3A_12, %min3A_439 : vector<16xi32>
    %jit3A_447 = arith.constant 0.000000e+00 : f32
    %broadcast_in_dim3A_448 = vector.broadcast %jit3A_447 : f32 to vector<16xf32>
    %select_n3A_449 = arith.select %eq3A_446, %max3A_376, %broadcast_in_dim3A_448 : vector<16xi1>, vector<16xf32>
    %add3A_450 = arith.addf %add3A_309, %select_n3A_449 : vector<16xf32>
    %select_n3A_451 = arith.select %eq3A_446, %broadcast_in_dim3A_5, %select_n3A_310 : vector<16xi1>, vector<16xf32>
    %eq3A_452 = arith.cmpi eq, %add3A_16, %min3A_439 : vector<16xi32>
    %jit3A_453 = arith.constant 0.000000e+00 : f32
    %broadcast_in_dim3A_454 = vector.broadcast %jit3A_453 : f32 to vector<16xf32>
    %select_n3A_455 = arith.select %eq3A_452, %max3A_376, %broadcast_in_dim3A_454 : vector<16xi1>, vector<16xf32>
    %add3A_456 = arith.addf %add3A_315, %select_n3A_455 : vector<16xf32>
    %select_n3A_457 = arith.select %eq3A_452, %broadcast_in_dim3A_5, %select_n3A_316 : vector<16xi1>, vector<16xf32>
    %eq3A_458 = arith.cmpi eq, %add3A_20, %min3A_439 : vector<16xi32>
    %jit3A_459 = arith.constant 0.000000e+00 : f32
    %broadcast_in_dim3A_460 = vector.broadcast %jit3A_459 : f32 to vector<16xf32>
    %select_n3A_461 = arith.select %eq3A_458, %max3A_376, %broadcast_in_dim3A_460 : vector<16xi1>, vector<16xf32>
    %add3A_462 = arith.addf %add3A_321, %select_n3A_461 : vector<16xf32>
    %select_n3A_463 = arith.select %eq3A_458, %broadcast_in_dim3A_5, %select_n3A_322 : vector<16xi1>, vector<16xf32>
    %eq3A_464 = arith.cmpi eq, %add3A_24, %min3A_439 : vector<16xi32>
    %jit3A_465 = arith.constant 0.000000e+00 : f32
    %broadcast_in_dim3A_466 = vector.broadcast %jit3A_465 : f32 to vector<16xf32>
    %select_n3A_467 = arith.select %eq3A_464, %max3A_376, %broadcast_in_dim3A_466 : vector<16xi1>, vector<16xf32>
    %add3A_468 = arith.addf %add3A_327, %select_n3A_467 : vector<16xf32>
    %select_n3A_469 = arith.select %eq3A_464, %broadcast_in_dim3A_5, %select_n3A_328 : vector<16xi1>, vector<16xf32>
    %eq3A_470 = arith.cmpi eq, %add3A_28, %min3A_439 : vector<16xi32>
    %jit3A_471 = arith.constant 0.000000e+00 : f32
    %broadcast_in_dim3A_472 = vector.broadcast %jit3A_471 : f32 to vector<16xf32>
    %select_n3A_473 = arith.select %eq3A_470, %max3A_376, %broadcast_in_dim3A_472 : vector<16xi1>, vector<16xf32>
    %add3A_474 = arith.addf %add3A_333, %select_n3A_473 : vector<16xf32>
    %select_n3A_475 = arith.select %eq3A_470, %broadcast_in_dim3A_5, %select_n3A_334 : vector<16xi1>, vector<16xf32>
    %eq3A_476 = arith.cmpi eq, %add3A_32, %min3A_439 : vector<16xi32>
    %jit3A_477 = arith.constant 0.000000e+00 : f32
    %broadcast_in_dim3A_478 = vector.broadcast %jit3A_477 : f32 to vector<16xf32>
    %select_n3A_479 = arith.select %eq3A_476, %max3A_376, %broadcast_in_dim3A_478 : vector<16xi1>, vector<16xf32>
    %add3A_480 = arith.addf %add3A_339, %select_n3A_479 : vector<16xf32>
    %select_n3A_481 = arith.select %eq3A_476, %broadcast_in_dim3A_5, %select_n3A_340 : vector<16xi1>, vector<16xf32>
    %add3A_482 = arith.addf %add3A_341, %max3A_376 : vector<16xf32>
    %max3A_483 = arith.maximumf %select_n3A_445, %select_n3A_451 : vector<16xf32>
    %max3A_484 = arith.maximumf %max3A_483, %select_n3A_457 : vector<16xf32>
    %max3A_485 = arith.maximumf %max3A_484, %select_n3A_463 : vector<16xf32>
    %max3A_486 = arith.maximumf %max3A_485, %select_n3A_469 : vector<16xf32>
    %max3A_487 = arith.maximumf %max3A_486, %select_n3A_475 : vector<16xf32>
    %max3A_488 = arith.maximumf %max3A_487, %select_n3A_481 : vector<16xf32>
    %iota3A_489 = tpu.iota {dimensions = array<i32: 0>} : vector<16xi32>
    %xor3A_490 = arith.constant 1 : i32
    %xor3A_491 = vector.broadcast %xor3A_490 : i32 to vector<16xi32>
    %xor3A_492 = arith.xori %iota3A_489, %xor3A_491 : vector<16xi32>
    %broadcast_in_dim3A_493 = vector.shape_cast %xor3A_492 : vector<16xi32> to vector<16x1xi32>
    %gather3A_494 = vector.shape_cast %broadcast_in_dim3A_493 : vector<16x1xi32> to vector<16xi32>
    %gather3A_495 = tpu.dynamic_gather %max3A_488[%gather3A_494] in [0] : vector<16xf32>, vector<16xi32> -> vector<16xf32>
    %max3A_496 = arith.maximumf %max3A_488, %gather3A_495 : vector<16xf32>
    %xor3A_497 = arith.constant 2 : i32
    %xor3A_498 = vector.broadcast %xor3A_497 : i32 to vector<16xi32>
    %xor3A_499 = arith.xori %iota3A_489, %xor3A_498 : vector<16xi32>
    %broadcast_in_dim3A_500 = vector.shape_cast %xor3A_499 : vector<16xi32> to vector<16x1xi32>
    %gather3A_501 = vector.shape_cast %broadcast_in_dim3A_500 : vector<16x1xi32> to vector<16xi32>
    %gather3A_502 = tpu.dynamic_gather %max3A_496[%gather3A_501] in [0] : vector<16xf32>, vector<16xi32> -> vector<16xf32>
    %max3A_503 = arith.maximumf %max3A_496, %gather3A_502 : vector<16xf32>
    %xor3A_504 = arith.constant 4 : i32
    %xor3A_505 = vector.broadcast %xor3A_504 : i32 to vector<16xi32>
    %xor3A_506 = arith.xori %iota3A_489, %xor3A_505 : vector<16xi32>
    %broadcast_in_dim3A_507 = vector.shape_cast %xor3A_506 : vector<16xi32> to vector<16x1xi32>
    %gather3A_508 = vector.shape_cast %broadcast_in_dim3A_507 : vector<16x1xi32> to vector<16xi32>
    %gather3A_509 = tpu.dynamic_gather %max3A_503[%gather3A_508] in [0] : vector<16xf32>, vector<16xi32> -> vector<16xf32>
    %max3A_510 = arith.maximumf %max3A_503, %gather3A_509 : vector<16xf32>
    %xor3A_511 = arith.constant 8 : i32
    %xor3A_512 = vector.broadcast %xor3A_511 : i32 to vector<16xi32>
    %xor3A_513 = arith.xori %iota3A_489, %xor3A_512 : vector<16xi32>
    %broadcast_in_dim3A_514 = vector.shape_cast %xor3A_513 : vector<16xi32> to vector<16x1xi32>
    %gather3A_515 = vector.shape_cast %broadcast_in_dim3A_514 : vector<16x1xi32> to vector<16xi32>
    %gather3A_516 = tpu.dynamic_gather %max3A_510[%gather3A_515] in [0] : vector<16xf32>, vector<16xi32> -> vector<16xf32>
    %max3A_517 = arith.maximumf %max3A_510, %gather3A_516 : vector<16xf32>
    %eq3A_518 = arith.cmpf oeq, %select_n3A_445, %max3A_517 : vector<16xf32>
    %jit3A_519 = arith.constant 112 : i32
    %broadcast_in_dim3A_520 = vector.broadcast %jit3A_519 : i32 to vector<16xi32>
    %select_n3A_521 = arith.select %eq3A_518, %add3A_8, %broadcast_in_dim3A_520 : vector<16xi1>, vector<16xi32>
    %eq3A_522 = arith.cmpf oeq, %select_n3A_451, %max3A_517 : vector<16xf32>
    %jit3A_523 = arith.constant 112 : i32
    %broadcast_in_dim3A_524 = vector.broadcast %jit3A_523 : i32 to vector<16xi32>
    %select_n3A_525 = arith.select %eq3A_522, %add3A_12, %broadcast_in_dim3A_524 : vector<16xi1>, vector<16xi32>
    %min3A_526 = arith.minsi %select_n3A_521, %select_n3A_525 : vector<16xi32>
    %eq3A_527 = arith.cmpf oeq, %select_n3A_457, %max3A_517 : vector<16xf32>
    %jit3A_528 = arith.constant 112 : i32
    %broadcast_in_dim3A_529 = vector.broadcast %jit3A_528 : i32 to vector<16xi32>
    %select_n3A_530 = arith.select %eq3A_527, %add3A_16, %broadcast_in_dim3A_529 : vector<16xi1>, vector<16xi32>
    %min3A_531 = arith.minsi %min3A_526, %select_n3A_530 : vector<16xi32>
    %eq3A_532 = arith.cmpf oeq, %select_n3A_463, %max3A_517 : vector<16xf32>
    %jit3A_533 = arith.constant 112 : i32
    %broadcast_in_dim3A_534 = vector.broadcast %jit3A_533 : i32 to vector<16xi32>
    %select_n3A_535 = arith.select %eq3A_532, %add3A_20, %broadcast_in_dim3A_534 : vector<16xi1>, vector<16xi32>
    %min3A_536 = arith.minsi %min3A_531, %select_n3A_535 : vector<16xi32>
    %eq3A_537 = arith.cmpf oeq, %select_n3A_469, %max3A_517 : vector<16xf32>
    %jit3A_538 = arith.constant 112 : i32
    %broadcast_in_dim3A_539 = vector.broadcast %jit3A_538 : i32 to vector<16xi32>
    %select_n3A_540 = arith.select %eq3A_537, %add3A_24, %broadcast_in_dim3A_539 : vector<16xi1>, vector<16xi32>
    %min3A_541 = arith.minsi %min3A_536, %select_n3A_540 : vector<16xi32>
    %eq3A_542 = arith.cmpf oeq, %select_n3A_475, %max3A_517 : vector<16xf32>
    %jit3A_543 = arith.constant 112 : i32
    %broadcast_in_dim3A_544 = vector.broadcast %jit3A_543 : i32 to vector<16xi32>
    %select_n3A_545 = arith.select %eq3A_542, %add3A_28, %broadcast_in_dim3A_544 : vector<16xi1>, vector<16xi32>
    %min3A_546 = arith.minsi %min3A_541, %select_n3A_545 : vector<16xi32>
    %eq3A_547 = arith.cmpf oeq, %select_n3A_481, %max3A_517 : vector<16xf32>
    %jit3A_548 = arith.constant 112 : i32
    %broadcast_in_dim3A_549 = vector.broadcast %jit3A_548 : i32 to vector<16xi32>
    %select_n3A_550 = arith.select %eq3A_547, %add3A_32, %broadcast_in_dim3A_549 : vector<16xi1>, vector<16xi32>
    %min3A_551 = arith.minsi %min3A_546, %select_n3A_550 : vector<16xi32>
    %iota3A_552 = tpu.iota {dimensions = array<i32: 0>} : vector<16xi32>
    %xor3A_553 = arith.constant 1 : i32
    %xor3A_554 = vector.broadcast %xor3A_553 : i32 to vector<16xi32>
    %xor3A_555 = arith.xori %iota3A_552, %xor3A_554 : vector<16xi32>
    %broadcast_in_dim3A_556 = vector.shape_cast %xor3A_555 : vector<16xi32> to vector<16x1xi32>
    %gather3A_557 = vector.shape_cast %broadcast_in_dim3A_556 : vector<16x1xi32> to vector<16xi32>
    %gather3A_558 = tpu.dynamic_gather %min3A_551[%gather3A_557] in [0] : vector<16xi32>, vector<16xi32> -> vector<16xi32>
    %min3A_559 = arith.minsi %min3A_551, %gather3A_558 : vector<16xi32>
    %xor3A_560 = arith.constant 2 : i32
    %xor3A_561 = vector.broadcast %xor3A_560 : i32 to vector<16xi32>
    %xor3A_562 = arith.xori %iota3A_552, %xor3A_561 : vector<16xi32>
    %broadcast_in_dim3A_563 = vector.shape_cast %xor3A_562 : vector<16xi32> to vector<16x1xi32>
    %gather3A_564 = vector.shape_cast %broadcast_in_dim3A_563 : vector<16x1xi32> to vector<16xi32>
    %gather3A_565 = tpu.dynamic_gather %min3A_559[%gather3A_564] in [0] : vector<16xi32>, vector<16xi32> -> vector<16xi32>
    %min3A_566 = arith.minsi %min3A_559, %gather3A_565 : vector<16xi32>
    %xor3A_567 = arith.constant 4 : i32
    %xor3A_568 = vector.broadcast %xor3A_567 : i32 to vector<16xi32>
    %xor3A_569 = arith.xori %iota3A_552, %xor3A_568 : vector<16xi32>
    %broadcast_in_dim3A_570 = vector.shape_cast %xor3A_569 : vector<16xi32> to vector<16x1xi32>
    %gather3A_571 = vector.shape_cast %broadcast_in_dim3A_570 : vector<16x1xi32> to vector<16xi32>
    %gather3A_572 = tpu.dynamic_gather %min3A_566[%gather3A_571] in [0] : vector<16xi32>, vector<16xi32> -> vector<16xi32>
    %min3A_573 = arith.minsi %min3A_566, %gather3A_572 : vector<16xi32>
    %xor3A_574 = arith.constant 8 : i32
    %xor3A_575 = vector.broadcast %xor3A_574 : i32 to vector<16xi32>
    %xor3A_576 = arith.xori %iota3A_552, %xor3A_575 : vector<16xi32>
    %broadcast_in_dim3A_577 = vector.shape_cast %xor3A_576 : vector<16xi32> to vector<16x1xi32>
    %gather3A_578 = vector.shape_cast %broadcast_in_dim3A_577 : vector<16x1xi32> to vector<16xi32>
    %gather3A_579 = tpu.dynamic_gather %min3A_573[%gather3A_578] in [0] : vector<16xi32>, vector<16xi32> -> vector<16xi32>
    %min3A_580 = arith.minsi %min3A_573, %gather3A_579 : vector<16xi32>
    %eq3A_581 = arith.cmpi eq, %add3A_8, %min3A_580 : vector<16xi32>
    %jit3A_582 = arith.constant 0.000000e+00 : f32
    %broadcast_in_dim3A_583 = vector.broadcast %jit3A_582 : f32 to vector<16xf32>
    %select_n3A_584 = arith.select %eq3A_581, %max3A_517, %broadcast_in_dim3A_583 : vector<16xi1>, vector<16xf32>
    %add3A_585 = arith.addf %add3A_444, %select_n3A_584 : vector<16xf32>
    %select_n3A_586 = arith.select %eq3A_581, %broadcast_in_dim3A_5, %select_n3A_445 : vector<16xi1>, vector<16xf32>
    %eq3A_587 = arith.cmpi eq, %add3A_12, %min3A_580 : vector<16xi32>
    %jit3A_588 = arith.constant 0.000000e+00 : f32
    %broadcast_in_dim3A_589 = vector.broadcast %jit3A_588 : f32 to vector<16xf32>
    %select_n3A_590 = arith.select %eq3A_587, %max3A_517, %broadcast_in_dim3A_589 : vector<16xi1>, vector<16xf32>
    %add3A_591 = arith.addf %add3A_450, %select_n3A_590 : vector<16xf32>
    %select_n3A_592 = arith.select %eq3A_587, %broadcast_in_dim3A_5, %select_n3A_451 : vector<16xi1>, vector<16xf32>
    %eq3A_593 = arith.cmpi eq, %add3A_16, %min3A_580 : vector<16xi32>
    %jit3A_594 = arith.constant 0.000000e+00 : f32
    %broadcast_in_dim3A_595 = vector.broadcast %jit3A_594 : f32 to vector<16xf32>
    %select_n3A_596 = arith.select %eq3A_593, %max3A_517, %broadcast_in_dim3A_595 : vector<16xi1>, vector<16xf32>
    %add3A_597 = arith.addf %add3A_456, %select_n3A_596 : vector<16xf32>
    %select_n3A_598 = arith.select %eq3A_593, %broadcast_in_dim3A_5, %select_n3A_457 : vector<16xi1>, vector<16xf32>
    %eq3A_599 = arith.cmpi eq, %add3A_20, %min3A_580 : vector<16xi32>
    %jit3A_600 = arith.constant 0.000000e+00 : f32
    %broadcast_in_dim3A_601 = vector.broadcast %jit3A_600 : f32 to vector<16xf32>
    %select_n3A_602 = arith.select %eq3A_599, %max3A_517, %broadcast_in_dim3A_601 : vector<16xi1>, vector<16xf32>
    %add3A_603 = arith.addf %add3A_462, %select_n3A_602 : vector<16xf32>
    %select_n3A_604 = arith.select %eq3A_599, %broadcast_in_dim3A_5, %select_n3A_463 : vector<16xi1>, vector<16xf32>
    %eq3A_605 = arith.cmpi eq, %add3A_24, %min3A_580 : vector<16xi32>
    %jit3A_606 = arith.constant 0.000000e+00 : f32
    %broadcast_in_dim3A_607 = vector.broadcast %jit3A_606 : f32 to vector<16xf32>
    %select_n3A_608 = arith.select %eq3A_605, %max3A_517, %broadcast_in_dim3A_607 : vector<16xi1>, vector<16xf32>
    %add3A_609 = arith.addf %add3A_468, %select_n3A_608 : vector<16xf32>
    %select_n3A_610 = arith.select %eq3A_605, %broadcast_in_dim3A_5, %select_n3A_469 : vector<16xi1>, vector<16xf32>
    %eq3A_611 = arith.cmpi eq, %add3A_28, %min3A_580 : vector<16xi32>
    %jit3A_612 = arith.constant 0.000000e+00 : f32
    %broadcast_in_dim3A_613 = vector.broadcast %jit3A_612 : f32 to vector<16xf32>
    %select_n3A_614 = arith.select %eq3A_611, %max3A_517, %broadcast_in_dim3A_613 : vector<16xi1>, vector<16xf32>
    %add3A_615 = arith.addf %add3A_474, %select_n3A_614 : vector<16xf32>
    %select_n3A_616 = arith.select %eq3A_611, %broadcast_in_dim3A_5, %select_n3A_475 : vector<16xi1>, vector<16xf32>
    %eq3A_617 = arith.cmpi eq, %add3A_32, %min3A_580 : vector<16xi32>
    %jit3A_618 = arith.constant 0.000000e+00 : f32
    %broadcast_in_dim3A_619 = vector.broadcast %jit3A_618 : f32 to vector<16xf32>
    %select_n3A_620 = arith.select %eq3A_617, %max3A_517, %broadcast_in_dim3A_619 : vector<16xi1>, vector<16xf32>
    %add3A_621 = arith.addf %add3A_480, %select_n3A_620 : vector<16xf32>
    %select_n3A_622 = arith.select %eq3A_617, %broadcast_in_dim3A_5, %select_n3A_481 : vector<16xi1>, vector<16xf32>
    %add3A_623 = arith.addf %add3A_482, %max3A_517 : vector<16xf32>
    %max3A_624 = arith.maximumf %select_n3A_586, %select_n3A_592 : vector<16xf32>
    %max3A_625 = arith.maximumf %max3A_624, %select_n3A_598 : vector<16xf32>
    %max3A_626 = arith.maximumf %max3A_625, %select_n3A_604 : vector<16xf32>
    %max3A_627 = arith.maximumf %max3A_626, %select_n3A_610 : vector<16xf32>
    %max3A_628 = arith.maximumf %max3A_627, %select_n3A_616 : vector<16xf32>
    %max3A_629 = arith.maximumf %max3A_628, %select_n3A_622 : vector<16xf32>
    %iota3A_630 = tpu.iota {dimensions = array<i32: 0>} : vector<16xi32>
    %xor3A_631 = arith.constant 1 : i32
    %xor3A_632 = vector.broadcast %xor3A_631 : i32 to vector<16xi32>
    %xor3A_633 = arith.xori %iota3A_630, %xor3A_632 : vector<16xi32>
    %broadcast_in_dim3A_634 = vector.shape_cast %xor3A_633 : vector<16xi32> to vector<16x1xi32>
    %gather3A_635 = vector.shape_cast %broadcast_in_dim3A_634 : vector<16x1xi32> to vector<16xi32>
    %gather3A_636 = tpu.dynamic_gather %max3A_629[%gather3A_635] in [0] : vector<16xf32>, vector<16xi32> -> vector<16xf32>
    %max3A_637 = arith.maximumf %max3A_629, %gather3A_636 : vector<16xf32>
    %xor3A_638 = arith.constant 2 : i32
    %xor3A_639 = vector.broadcast %xor3A_638 : i32 to vector<16xi32>
    %xor3A_640 = arith.xori %iota3A_630, %xor3A_639 : vector<16xi32>
    %broadcast_in_dim3A_641 = vector.shape_cast %xor3A_640 : vector<16xi32> to vector<16x1xi32>
    %gather3A_642 = vector.shape_cast %broadcast_in_dim3A_641 : vector<16x1xi32> to vector<16xi32>
    %gather3A_643 = tpu.dynamic_gather %max3A_637[%gather3A_642] in [0] : vector<16xf32>, vector<16xi32> -> vector<16xf32>
    %max3A_644 = arith.maximumf %max3A_637, %gather3A_643 : vector<16xf32>
    %xor3A_645 = arith.constant 4 : i32
    %xor3A_646 = vector.broadcast %xor3A_645 : i32 to vector<16xi32>
    %xor3A_647 = arith.xori %iota3A_630, %xor3A_646 : vector<16xi32>
    %broadcast_in_dim3A_648 = vector.shape_cast %xor3A_647 : vector<16xi32> to vector<16x1xi32>
    %gather3A_649 = vector.shape_cast %broadcast_in_dim3A_648 : vector<16x1xi32> to vector<16xi32>
    %gather3A_650 = tpu.dynamic_gather %max3A_644[%gather3A_649] in [0] : vector<16xf32>, vector<16xi32> -> vector<16xf32>
    %max3A_651 = arith.maximumf %max3A_644, %gather3A_650 : vector<16xf32>
    %xor3A_652 = arith.constant 8 : i32
    %xor3A_653 = vector.broadcast %xor3A_652 : i32 to vector<16xi32>
    %xor3A_654 = arith.xori %iota3A_630, %xor3A_653 : vector<16xi32>
    %broadcast_in_dim3A_655 = vector.shape_cast %xor3A_654 : vector<16xi32> to vector<16x1xi32>
    %gather3A_656 = vector.shape_cast %broadcast_in_dim3A_655 : vector<16x1xi32> to vector<16xi32>
    %gather3A_657 = tpu.dynamic_gather %max3A_651[%gather3A_656] in [0] : vector<16xf32>, vector<16xi32> -> vector<16xf32>
    %max3A_658 = arith.maximumf %max3A_651, %gather3A_657 : vector<16xf32>
    %eq3A_659 = arith.cmpf oeq, %select_n3A_586, %max3A_658 : vector<16xf32>
    %jit3A_660 = arith.constant 112 : i32
    %broadcast_in_dim3A_661 = vector.broadcast %jit3A_660 : i32 to vector<16xi32>
    %select_n3A_662 = arith.select %eq3A_659, %add3A_8, %broadcast_in_dim3A_661 : vector<16xi1>, vector<16xi32>
    %eq3A_663 = arith.cmpf oeq, %select_n3A_592, %max3A_658 : vector<16xf32>
    %jit3A_664 = arith.constant 112 : i32
    %broadcast_in_dim3A_665 = vector.broadcast %jit3A_664 : i32 to vector<16xi32>
    %select_n3A_666 = arith.select %eq3A_663, %add3A_12, %broadcast_in_dim3A_665 : vector<16xi1>, vector<16xi32>
    %min3A_667 = arith.minsi %select_n3A_662, %select_n3A_666 : vector<16xi32>
    %eq3A_668 = arith.cmpf oeq, %select_n3A_598, %max3A_658 : vector<16xf32>
    %jit3A_669 = arith.constant 112 : i32
    %broadcast_in_dim3A_670 = vector.broadcast %jit3A_669 : i32 to vector<16xi32>
    %select_n3A_671 = arith.select %eq3A_668, %add3A_16, %broadcast_in_dim3A_670 : vector<16xi1>, vector<16xi32>
    %min3A_672 = arith.minsi %min3A_667, %select_n3A_671 : vector<16xi32>
    %eq3A_673 = arith.cmpf oeq, %select_n3A_604, %max3A_658 : vector<16xf32>
    %jit3A_674 = arith.constant 112 : i32
    %broadcast_in_dim3A_675 = vector.broadcast %jit3A_674 : i32 to vector<16xi32>
    %select_n3A_676 = arith.select %eq3A_673, %add3A_20, %broadcast_in_dim3A_675 : vector<16xi1>, vector<16xi32>
    %min3A_677 = arith.minsi %min3A_672, %select_n3A_676 : vector<16xi32>
    %eq3A_678 = arith.cmpf oeq, %select_n3A_610, %max3A_658 : vector<16xf32>
    %jit3A_679 = arith.constant 112 : i32
    %broadcast_in_dim3A_680 = vector.broadcast %jit3A_679 : i32 to vector<16xi32>
    %select_n3A_681 = arith.select %eq3A_678, %add3A_24, %broadcast_in_dim3A_680 : vector<16xi1>, vector<16xi32>
    %min3A_682 = arith.minsi %min3A_677, %select_n3A_681 : vector<16xi32>
    %eq3A_683 = arith.cmpf oeq, %select_n3A_616, %max3A_658 : vector<16xf32>
    %jit3A_684 = arith.constant 112 : i32
    %broadcast_in_dim3A_685 = vector.broadcast %jit3A_684 : i32 to vector<16xi32>
    %select_n3A_686 = arith.select %eq3A_683, %add3A_28, %broadcast_in_dim3A_685 : vector<16xi1>, vector<16xi32>
    %min3A_687 = arith.minsi %min3A_682, %select_n3A_686 : vector<16xi32>
    %eq3A_688 = arith.cmpf oeq, %select_n3A_622, %max3A_658 : vector<16xf32>
    %jit3A_689 = arith.constant 112 : i32
    %broadcast_in_dim3A_690 = vector.broadcast %jit3A_689 : i32 to vector<16xi32>
    %select_n3A_691 = arith.select %eq3A_688, %add3A_32, %broadcast_in_dim3A_690 : vector<16xi1>, vector<16xi32>
    %min3A_692 = arith.minsi %min3A_687, %select_n3A_691 : vector<16xi32>
    %iota3A_693 = tpu.iota {dimensions = array<i32: 0>} : vector<16xi32>
    %xor3A_694 = arith.constant 1 : i32
    %xor3A_695 = vector.broadcast %xor3A_694 : i32 to vector<16xi32>
    %xor3A_696 = arith.xori %iota3A_693, %xor3A_695 : vector<16xi32>
    %broadcast_in_dim3A_697 = vector.shape_cast %xor3A_696 : vector<16xi32> to vector<16x1xi32>
    %gather3A_698 = vector.shape_cast %broadcast_in_dim3A_697 : vector<16x1xi32> to vector<16xi32>
    %gather3A_699 = tpu.dynamic_gather %min3A_692[%gather3A_698] in [0] : vector<16xi32>, vector<16xi32> -> vector<16xi32>
    %min3A_700 = arith.minsi %min3A_692, %gather3A_699 : vector<16xi32>
    %xor3A_701 = arith.constant 2 : i32
    %xor3A_702 = vector.broadcast %xor3A_701 : i32 to vector<16xi32>
    %xor3A_703 = arith.xori %iota3A_693, %xor3A_702 : vector<16xi32>
    %broadcast_in_dim3A_704 = vector.shape_cast %xor3A_703 : vector<16xi32> to vector<16x1xi32>
    %gather3A_705 = vector.shape_cast %broadcast_in_dim3A_704 : vector<16x1xi32> to vector<16xi32>
    %gather3A_706 = tpu.dynamic_gather %min3A_700[%gather3A_705] in [0] : vector<16xi32>, vector<16xi32> -> vector<16xi32>
    %min3A_707 = arith.minsi %min3A_700, %gather3A_706 : vector<16xi32>
    %xor3A_708 = arith.constant 4 : i32
    %xor3A_709 = vector.broadcast %xor3A_708 : i32 to vector<16xi32>
    %xor3A_710 = arith.xori %iota3A_693, %xor3A_709 : vector<16xi32>
    %broadcast_in_dim3A_711 = vector.shape_cast %xor3A_710 : vector<16xi32> to vector<16x1xi32>
    %gather3A_712 = vector.shape_cast %broadcast_in_dim3A_711 : vector<16x1xi32> to vector<16xi32>
    %gather3A_713 = tpu.dynamic_gather %min3A_707[%gather3A_712] in [0] : vector<16xi32>, vector<16xi32> -> vector<16xi32>
    %min3A_714 = arith.minsi %min3A_707, %gather3A_713 : vector<16xi32>
    %xor3A_715 = arith.constant 8 : i32
    %xor3A_716 = vector.broadcast %xor3A_715 : i32 to vector<16xi32>
    %xor3A_717 = arith.xori %iota3A_693, %xor3A_716 : vector<16xi32>
    %broadcast_in_dim3A_718 = vector.shape_cast %xor3A_717 : vector<16xi32> to vector<16x1xi32>
    %gather3A_719 = vector.shape_cast %broadcast_in_dim3A_718 : vector<16x1xi32> to vector<16xi32>
    %gather3A_720 = tpu.dynamic_gather %min3A_714[%gather3A_719] in [0] : vector<16xi32>, vector<16xi32> -> vector<16xi32>
    %min3A_721 = arith.minsi %min3A_714, %gather3A_720 : vector<16xi32>
    %eq3A_722 = arith.cmpi eq, %add3A_8, %min3A_721 : vector<16xi32>
    %jit3A_723 = arith.constant 0.000000e+00 : f32
    %broadcast_in_dim3A_724 = vector.broadcast %jit3A_723 : f32 to vector<16xf32>
    %select_n3A_725 = arith.select %eq3A_722, %max3A_658, %broadcast_in_dim3A_724 : vector<16xi1>, vector<16xf32>
    %add3A_726 = arith.addf %add3A_585, %select_n3A_725 : vector<16xf32>
    %select_n3A_727 = arith.select %eq3A_722, %broadcast_in_dim3A_5, %select_n3A_586 : vector<16xi1>, vector<16xf32>
    %eq3A_728 = arith.cmpi eq, %add3A_12, %min3A_721 : vector<16xi32>
    %jit3A_729 = arith.constant 0.000000e+00 : f32
    %broadcast_in_dim3A_730 = vector.broadcast %jit3A_729 : f32 to vector<16xf32>
    %select_n3A_731 = arith.select %eq3A_728, %max3A_658, %broadcast_in_dim3A_730 : vector<16xi1>, vector<16xf32>
    %add3A_732 = arith.addf %add3A_591, %select_n3A_731 : vector<16xf32>
    %select_n3A_733 = arith.select %eq3A_728, %broadcast_in_dim3A_5, %select_n3A_592 : vector<16xi1>, vector<16xf32>
    %eq3A_734 = arith.cmpi eq, %add3A_16, %min3A_721 : vector<16xi32>
    %jit3A_735 = arith.constant 0.000000e+00 : f32
    %broadcast_in_dim3A_736 = vector.broadcast %jit3A_735 : f32 to vector<16xf32>
    %select_n3A_737 = arith.select %eq3A_734, %max3A_658, %broadcast_in_dim3A_736 : vector<16xi1>, vector<16xf32>
    %add3A_738 = arith.addf %add3A_597, %select_n3A_737 : vector<16xf32>
    %select_n3A_739 = arith.select %eq3A_734, %broadcast_in_dim3A_5, %select_n3A_598 : vector<16xi1>, vector<16xf32>
    %eq3A_740 = arith.cmpi eq, %add3A_20, %min3A_721 : vector<16xi32>
    %jit3A_741 = arith.constant 0.000000e+00 : f32
    %broadcast_in_dim3A_742 = vector.broadcast %jit3A_741 : f32 to vector<16xf32>
    %select_n3A_743 = arith.select %eq3A_740, %max3A_658, %broadcast_in_dim3A_742 : vector<16xi1>, vector<16xf32>
    %add3A_744 = arith.addf %add3A_603, %select_n3A_743 : vector<16xf32>
    %select_n3A_745 = arith.select %eq3A_740, %broadcast_in_dim3A_5, %select_n3A_604 : vector<16xi1>, vector<16xf32>
    %eq3A_746 = arith.cmpi eq, %add3A_24, %min3A_721 : vector<16xi32>
    %jit3A_747 = arith.constant 0.000000e+00 : f32
    %broadcast_in_dim3A_748 = vector.broadcast %jit3A_747 : f32 to vector<16xf32>
    %select_n3A_749 = arith.select %eq3A_746, %max3A_658, %broadcast_in_dim3A_748 : vector<16xi1>, vector<16xf32>
    %add3A_750 = arith.addf %add3A_609, %select_n3A_749 : vector<16xf32>
    %select_n3A_751 = arith.select %eq3A_746, %broadcast_in_dim3A_5, %select_n3A_610 : vector<16xi1>, vector<16xf32>
    %eq3A_752 = arith.cmpi eq, %add3A_28, %min3A_721 : vector<16xi32>
    %jit3A_753 = arith.constant 0.000000e+00 : f32
    %broadcast_in_dim3A_754 = vector.broadcast %jit3A_753 : f32 to vector<16xf32>
    %select_n3A_755 = arith.select %eq3A_752, %max3A_658, %broadcast_in_dim3A_754 : vector<16xi1>, vector<16xf32>
    %add3A_756 = arith.addf %add3A_615, %select_n3A_755 : vector<16xf32>
    %select_n3A_757 = arith.select %eq3A_752, %broadcast_in_dim3A_5, %select_n3A_616 : vector<16xi1>, vector<16xf32>
    %eq3A_758 = arith.cmpi eq, %add3A_32, %min3A_721 : vector<16xi32>
    %jit3A_759 = arith.constant 0.000000e+00 : f32
    %broadcast_in_dim3A_760 = vector.broadcast %jit3A_759 : f32 to vector<16xf32>
    %select_n3A_761 = arith.select %eq3A_758, %max3A_658, %broadcast_in_dim3A_760 : vector<16xi1>, vector<16xf32>
    %add3A_762 = arith.addf %add3A_621, %select_n3A_761 : vector<16xf32>
    %select_n3A_763 = arith.select %eq3A_758, %broadcast_in_dim3A_5, %select_n3A_622 : vector<16xi1>, vector<16xf32>
    %add3A_764 = arith.addf %add3A_623, %max3A_658 : vector<16xf32>
    %add3A_765 = arith.constant 9.99999971E-10 : f32
    %add3A_766 = vector.broadcast %add3A_765 : f32 to vector<16xf32>
    %add3A_767 = arith.addf %add3A_764, %add3A_766 : vector<16xf32>
    %div3A = arith.divf %add3A_726, %add3A_767 : vector<16xf32>
    %swap3A = arith.constant 0 : i32
    %swap3A_768 = arith.index_cast %swap3A : i32 to index
    %swap3A_769 = arith.constant 0 : index
    %swap3A_770 = tpu.vector_load %arg5[%swap3A_768, %swap3A_769] {strides = array<i32>} : memref<2x112xf32, #tpu.memory_space<vmem>>, vector<1x16xf32>,
    %swap3A_771 = vector.shape_cast %swap3A_770 : vector<1x16xf32> to vector<16xf32>
    %swap3A_772 = vector.shape_cast %div3A : vector<16xf32> to vector<1x16xf32>
    tpu.vector_store %arg5[%swap3A_768, %swap3A_769], %swap3A_772 {strides = array<i32>} : memref<2x112xf32, #tpu.memory_space<vmem>>, vector<1x16xf32>,
    %div3A_773 = arith.divf %add3A_732, %add3A_767 : vector<16xf32>
    %swap3A_774 = arith.constant 0 : i32
    %swap3A_775 = arith.index_cast %swap3A_774 : i32 to index
    %swap3A_776 = arith.constant 16 : index
    %swap3A_777 = tpu.vector_load %arg5[%swap3A_775, %swap3A_776] {strides = array<i32>} : memref<2x112xf32, #tpu.memory_space<vmem>>, vector<1x16xf32>,
    %swap3A_778 = vector.shape_cast %swap3A_777 : vector<1x16xf32> to vector<16xf32>
    %swap3A_779 = vector.shape_cast %div3A_773 : vector<16xf32> to vector<1x16xf32>
    tpu.vector_store %arg5[%swap3A_775, %swap3A_776], %swap3A_779 {strides = array<i32>} : memref<2x112xf32, #tpu.memory_space<vmem>>, vector<1x16xf32>,
    %div3A_780 = arith.divf %add3A_738, %add3A_767 : vector<16xf32>
    %swap3A_781 = arith.constant 0 : i32
    %swap3A_782 = arith.index_cast %swap3A_781 : i32 to index
    %swap3A_783 = arith.constant 32 : index
    %swap3A_784 = tpu.vector_load %arg5[%swap3A_782, %swap3A_783] {strides = array<i32>} : memref<2x112xf32, #tpu.memory_space<vmem>>, vector<1x16xf32>,
    %swap3A_785 = vector.shape_cast %swap3A_784 : vector<1x16xf32> to vector<16xf32>
    %swap3A_786 = vector.shape_cast %div3A_780 : vector<16xf32> to vector<1x16xf32>
    tpu.vector_store %arg5[%swap3A_782, %swap3A_783], %swap3A_786 {strides = array<i32>} : memref<2x112xf32, #tpu.memory_space<vmem>>, vector<1x16xf32>,
    %div3A_787 = arith.divf %add3A_744, %add3A_767 : vector<16xf32>
    %swap3A_788 = arith.constant 0 : i32
    %swap3A_789 = arith.index_cast %swap3A_788 : i32 to index
    %swap3A_790 = arith.constant 48 : index
    %swap3A_791 = tpu.vector_load %arg5[%swap3A_789, %swap3A_790] {strides = array<i32>} : memref<2x112xf32, #tpu.memory_space<vmem>>, vector<1x16xf32>,
    %swap3A_792 = vector.shape_cast %swap3A_791 : vector<1x16xf32> to vector<16xf32>
    %swap3A_793 = vector.shape_cast %div3A_787 : vector<16xf32> to vector<1x16xf32>
    tpu.vector_store %arg5[%swap3A_789, %swap3A_790], %swap3A_793 {strides = array<i32>} : memref<2x112xf32, #tpu.memory_space<vmem>>, vector<1x16xf32>,
    %div3A_794 = arith.divf %add3A_750, %add3A_767 : vector<16xf32>
    %swap3A_795 = arith.constant 0 : i32
    %swap3A_796 = arith.index_cast %swap3A_795 : i32 to index
    %swap3A_797 = arith.constant 64 : index
    %swap3A_798 = tpu.vector_load %arg5[%swap3A_796, %swap3A_797] {strides = array<i32>} : memref<2x112xf32, #tpu.memory_space<vmem>>, vector<1x16xf32>,
    %swap3A_799 = vector.shape_cast %swap3A_798 : vector<1x16xf32> to vector<16xf32>
    %swap3A_800 = vector.shape_cast %div3A_794 : vector<16xf32> to vector<1x16xf32>
    tpu.vector_store %arg5[%swap3A_796, %swap3A_797], %swap3A_800 {strides = array<i32>} : memref<2x112xf32, #tpu.memory_space<vmem>>, vector<1x16xf32>,
    %div3A_801 = arith.divf %add3A_756, %add3A_767 : vector<16xf32>
    %swap3A_802 = arith.constant 0 : i32
    %swap3A_803 = arith.index_cast %swap3A_802 : i32 to index
    %swap3A_804 = arith.constant 80 : index
    %swap3A_805 = tpu.vector_load %arg5[%swap3A_803, %swap3A_804] {strides = array<i32>} : memref<2x112xf32, #tpu.memory_space<vmem>>, vector<1x16xf32>,
    %swap3A_806 = vector.shape_cast %swap3A_805 : vector<1x16xf32> to vector<16xf32>
    %swap3A_807 = vector.shape_cast %div3A_801 : vector<16xf32> to vector<1x16xf32>
    tpu.vector_store %arg5[%swap3A_803, %swap3A_804], %swap3A_807 {strides = array<i32>} : memref<2x112xf32, #tpu.memory_space<vmem>>, vector<1x16xf32>,
    %div3A_808 = arith.divf %add3A_762, %add3A_767 : vector<16xf32>
    %swap3A_809 = arith.constant 0 : i32
    %swap3A_810 = arith.index_cast %swap3A_809 : i32 to index
    %swap3A_811 = arith.constant 96 : index
    %swap3A_812 = tpu.vector_load %arg5[%swap3A_810, %swap3A_811] {strides = array<i32>} : memref<2x112xf32, #tpu.memory_space<vmem>>, vector<1x16xf32>,
    %swap3A_813 = vector.shape_cast %swap3A_812 : vector<1x16xf32> to vector<16xf32>
    %swap3A_814 = vector.shape_cast %div3A_808 : vector<16xf32> to vector<1x16xf32>
    tpu.vector_store %arg5[%swap3A_810, %swap3A_811], %swap3A_814 {strides = array<i32>} : memref<2x112xf32, #tpu.memory_space<vmem>>, vector<1x16xf32>,
    %get3A_815 = arith.constant 1 : i32
    %get3A_816 = arith.index_cast %get3A_815 : i32 to index
    %get3A_817 = arith.constant 0 : index
    %get3A_818 = tpu.vector_load %arg4[%get3A_816, %get3A_817] {strides = array<i32>} : memref<2x112xf32, #tpu.memory_space<vmem>>, vector<1x16xf32>,
    %get3A_819 = vector.shape_cast %get3A_818 : vector<1x16xf32> to vector<16xf32>
    %get3A_820 = arith.constant 1 : i32
    %get3A_821 = arith.index_cast %get3A_820 : i32 to index
    %get3A_822 = arith.constant 16 : index
    %get3A_823 = tpu.vector_load %arg4[%get3A_821, %get3A_822] {strides = array<i32>} : memref<2x112xf32, #tpu.memory_space<vmem>>, vector<1x16xf32>,
    %get3A_824 = vector.shape_cast %get3A_823 : vector<1x16xf32> to vector<16xf32>
    %get3A_825 = arith.constant 1 : i32
    %get3A_826 = arith.index_cast %get3A_825 : i32 to index
    %get3A_827 = arith.constant 32 : index
    %get3A_828 = tpu.vector_load %arg4[%get3A_826, %get3A_827] {strides = array<i32>} : memref<2x112xf32, #tpu.memory_space<vmem>>, vector<1x16xf32>,
    %get3A_829 = vector.shape_cast %get3A_828 : vector<1x16xf32> to vector<16xf32>
    %get3A_830 = arith.constant 1 : i32
    %get3A_831 = arith.index_cast %get3A_830 : i32 to index
    %get3A_832 = arith.constant 48 : index
    %get3A_833 = tpu.vector_load %arg4[%get3A_831, %get3A_832] {strides = array<i32>} : memref<2x112xf32, #tpu.memory_space<vmem>>, vector<1x16xf32>,
    %get3A_834 = vector.shape_cast %get3A_833 : vector<1x16xf32> to vector<16xf32>
    %get3A_835 = arith.constant 1 : i32
    %get3A_836 = arith.index_cast %get3A_835 : i32 to index
    %get3A_837 = arith.constant 64 : index
    %get3A_838 = tpu.vector_load %arg4[%get3A_836, %get3A_837] {strides = array<i32>} : memref<2x112xf32, #tpu.memory_space<vmem>>, vector<1x16xf32>,
    %get3A_839 = vector.shape_cast %get3A_838 : vector<1x16xf32> to vector<16xf32>
    %get3A_840 = arith.constant 1 : i32
    %get3A_841 = arith.index_cast %get3A_840 : i32 to index
    %get3A_842 = arith.constant 80 : index
    %get3A_843 = tpu.vector_load %arg4[%get3A_841, %get3A_842] {strides = array<i32>} : memref<2x112xf32, #tpu.memory_space<vmem>>, vector<1x16xf32>,
    %get3A_844 = vector.shape_cast %get3A_843 : vector<1x16xf32> to vector<16xf32>
    %get3A_845 = arith.constant 1 : i32
    %get3A_846 = arith.index_cast %get3A_845 : i32 to index
    %get3A_847 = arith.constant 96 : index
    %get3A_848 = tpu.vector_load %arg4[%get3A_846, %get3A_847] {strides = array<i32>} : memref<2x112xf32, #tpu.memory_space<vmem>>, vector<1x16xf32>,
    %get3A_849 = vector.shape_cast %get3A_848 : vector<1x16xf32> to vector<16xf32>
    %max3A_850 = arith.maximumf %get3A_819, %get3A_824 : vector<16xf32>
    %max3A_851 = arith.maximumf %max3A_850, %get3A_829 : vector<16xf32>
    %max3A_852 = arith.maximumf %max3A_851, %get3A_834 : vector<16xf32>
    %max3A_853 = arith.maximumf %max3A_852, %get3A_839 : vector<16xf32>
    %max3A_854 = arith.maximumf %max3A_853, %get3A_844 : vector<16xf32>
    %max3A_855 = arith.maximumf %max3A_854, %get3A_849 : vector<16xf32>
    %iota3A_856 = tpu.iota {dimensions = array<i32: 0>} : vector<16xi32>
    %xor3A_857 = arith.constant 1 : i32
    %xor3A_858 = vector.broadcast %xor3A_857 : i32 to vector<16xi32>
    %xor3A_859 = arith.xori %iota3A_856, %xor3A_858 : vector<16xi32>
    %broadcast_in_dim3A_860 = vector.shape_cast %xor3A_859 : vector<16xi32> to vector<16x1xi32>
    %gather3A_861 = vector.shape_cast %broadcast_in_dim3A_860 : vector<16x1xi32> to vector<16xi32>
    %gather3A_862 = tpu.dynamic_gather %max3A_855[%gather3A_861] in [0] : vector<16xf32>, vector<16xi32> -> vector<16xf32>
    %max3A_863 = arith.maximumf %max3A_855, %gather3A_862 : vector<16xf32>
    %xor3A_864 = arith.constant 2 : i32
    %xor3A_865 = vector.broadcast %xor3A_864 : i32 to vector<16xi32>
    %xor3A_866 = arith.xori %iota3A_856, %xor3A_865 : vector<16xi32>
    %broadcast_in_dim3A_867 = vector.shape_cast %xor3A_866 : vector<16xi32> to vector<16x1xi32>
    %gather3A_868 = vector.shape_cast %broadcast_in_dim3A_867 : vector<16x1xi32> to vector<16xi32>
    %gather3A_869 = tpu.dynamic_gather %max3A_863[%gather3A_868] in [0] : vector<16xf32>, vector<16xi32> -> vector<16xf32>
    %max3A_870 = arith.maximumf %max3A_863, %gather3A_869 : vector<16xf32>
    %xor3A_871 = arith.constant 4 : i32
    %xor3A_872 = vector.broadcast %xor3A_871 : i32 to vector<16xi32>
    %xor3A_873 = arith.xori %iota3A_856, %xor3A_872 : vector<16xi32>
    %broadcast_in_dim3A_874 = vector.shape_cast %xor3A_873 : vector<16xi32> to vector<16x1xi32>
    %gather3A_875 = vector.shape_cast %broadcast_in_dim3A_874 : vector<16x1xi32> to vector<16xi32>
    %gather3A_876 = tpu.dynamic_gather %max3A_870[%gather3A_875] in [0] : vector<16xf32>, vector<16xi32> -> vector<16xf32>
    %max3A_877 = arith.maximumf %max3A_870, %gather3A_876 : vector<16xf32>
    %xor3A_878 = arith.constant 8 : i32
    %xor3A_879 = vector.broadcast %xor3A_878 : i32 to vector<16xi32>
    %xor3A_880 = arith.xori %iota3A_856, %xor3A_879 : vector<16xi32>
    %broadcast_in_dim3A_881 = vector.shape_cast %xor3A_880 : vector<16xi32> to vector<16x1xi32>
    %gather3A_882 = vector.shape_cast %broadcast_in_dim3A_881 : vector<16x1xi32> to vector<16xi32>
    %gather3A_883 = tpu.dynamic_gather %max3A_877[%gather3A_882] in [0] : vector<16xf32>, vector<16xi32> -> vector<16xf32>
    %max3A_884 = arith.maximumf %max3A_877, %gather3A_883 : vector<16xf32>
    %eq3A_885 = arith.cmpf oeq, %get3A_819, %max3A_884 : vector<16xf32>
    %jit3A_886 = arith.constant 112 : i32
    %broadcast_in_dim3A_887 = vector.broadcast %jit3A_886 : i32 to vector<16xi32>
    %select_n3A_888 = arith.select %eq3A_885, %add3A_8, %broadcast_in_dim3A_887 : vector<16xi1>, vector<16xi32>
    %eq3A_889 = arith.cmpf oeq, %get3A_824, %max3A_884 : vector<16xf32>
    %jit3A_890 = arith.constant 112 : i32
    %broadcast_in_dim3A_891 = vector.broadcast %jit3A_890 : i32 to vector<16xi32>
    %select_n3A_892 = arith.select %eq3A_889, %add3A_12, %broadcast_in_dim3A_891 : vector<16xi1>, vector<16xi32>
    %min3A_893 = arith.minsi %select_n3A_888, %select_n3A_892 : vector<16xi32>
    %eq3A_894 = arith.cmpf oeq, %get3A_829, %max3A_884 : vector<16xf32>
    %jit3A_895 = arith.constant 112 : i32
    %broadcast_in_dim3A_896 = vector.broadcast %jit3A_895 : i32 to vector<16xi32>
    %select_n3A_897 = arith.select %eq3A_894, %add3A_16, %broadcast_in_dim3A_896 : vector<16xi1>, vector<16xi32>
    %min3A_898 = arith.minsi %min3A_893, %select_n3A_897 : vector<16xi32>
    %eq3A_899 = arith.cmpf oeq, %get3A_834, %max3A_884 : vector<16xf32>
    %jit3A_900 = arith.constant 112 : i32
    %broadcast_in_dim3A_901 = vector.broadcast %jit3A_900 : i32 to vector<16xi32>
    %select_n3A_902 = arith.select %eq3A_899, %add3A_20, %broadcast_in_dim3A_901 : vector<16xi1>, vector<16xi32>
    %min3A_903 = arith.minsi %min3A_898, %select_n3A_902 : vector<16xi32>
    %eq3A_904 = arith.cmpf oeq, %get3A_839, %max3A_884 : vector<16xf32>
    %jit3A_905 = arith.constant 112 : i32
    %broadcast_in_dim3A_906 = vector.broadcast %jit3A_905 : i32 to vector<16xi32>
    %select_n3A_907 = arith.select %eq3A_904, %add3A_24, %broadcast_in_dim3A_906 : vector<16xi1>, vector<16xi32>
    %min3A_908 = arith.minsi %min3A_903, %select_n3A_907 : vector<16xi32>
    %eq3A_909 = arith.cmpf oeq, %get3A_844, %max3A_884 : vector<16xf32>
    %jit3A_910 = arith.constant 112 : i32
    %broadcast_in_dim3A_911 = vector.broadcast %jit3A_910 : i32 to vector<16xi32>
    %select_n3A_912 = arith.select %eq3A_909, %add3A_28, %broadcast_in_dim3A_911 : vector<16xi1>, vector<16xi32>
    %min3A_913 = arith.minsi %min3A_908, %select_n3A_912 : vector<16xi32>
    %eq3A_914 = arith.cmpf oeq, %get3A_849, %max3A_884 : vector<16xf32>
    %jit3A_915 = arith.constant 112 : i32
    %broadcast_in_dim3A_916 = vector.broadcast %jit3A_915 : i32 to vector<16xi32>
    %select_n3A_917 = arith.select %eq3A_914, %add3A_32, %broadcast_in_dim3A_916 : vector<16xi1>, vector<16xi32>
    %min3A_918 = arith.minsi %min3A_913, %select_n3A_917 : vector<16xi32>
    %iota3A_919 = tpu.iota {dimensions = array<i32: 0>} : vector<16xi32>
    %xor3A_920 = arith.constant 1 : i32
    %xor3A_921 = vector.broadcast %xor3A_920 : i32 to vector<16xi32>
    %xor3A_922 = arith.xori %iota3A_919, %xor3A_921 : vector<16xi32>
    %broadcast_in_dim3A_923 = vector.shape_cast %xor3A_922 : vector<16xi32> to vector<16x1xi32>
    %gather3A_924 = vector.shape_cast %broadcast_in_dim3A_923 : vector<16x1xi32> to vector<16xi32>
    %gather3A_925 = tpu.dynamic_gather %min3A_918[%gather3A_924] in [0] : vector<16xi32>, vector<16xi32> -> vector<16xi32>
    %min3A_926 = arith.minsi %min3A_918, %gather3A_925 : vector<16xi32>
    %xor3A_927 = arith.constant 2 : i32
    %xor3A_928 = vector.broadcast %xor3A_927 : i32 to vector<16xi32>
    %xor3A_929 = arith.xori %iota3A_919, %xor3A_928 : vector<16xi32>
    %broadcast_in_dim3A_930 = vector.shape_cast %xor3A_929 : vector<16xi32> to vector<16x1xi32>
    %gather3A_931 = vector.shape_cast %broadcast_in_dim3A_930 : vector<16x1xi32> to vector<16xi32>
    %gather3A_932 = tpu.dynamic_gather %min3A_926[%gather3A_931] in [0] : vector<16xi32>, vector<16xi32> -> vector<16xi32>
    %min3A_933 = arith.minsi %min3A_926, %gather3A_932 : vector<16xi32>
    %xor3A_934 = arith.constant 4 : i32
    %xor3A_935 = vector.broadcast %xor3A_934 : i32 to vector<16xi32>
    %xor3A_936 = arith.xori %iota3A_919, %xor3A_935 : vector<16xi32>
    %broadcast_in_dim3A_937 = vector.shape_cast %xor3A_936 : vector<16xi32> to vector<16x1xi32>
    %gather3A_938 = vector.shape_cast %broadcast_in_dim3A_937 : vector<16x1xi32> to vector<16xi32>
    %gather3A_939 = tpu.dynamic_gather %min3A_933[%gather3A_938] in [0] : vector<16xi32>, vector<16xi32> -> vector<16xi32>
    %min3A_940 = arith.minsi %min3A_933, %gather3A_939 : vector<16xi32>
    %xor3A_941 = arith.constant 8 : i32
    %xor3A_942 = vector.broadcast %xor3A_941 : i32 to vector<16xi32>
    %xor3A_943 = arith.xori %iota3A_919, %xor3A_942 : vector<16xi32>
    %broadcast_in_dim3A_944 = vector.shape_cast %xor3A_943 : vector<16xi32> to vector<16x1xi32>
    %gather3A_945 = vector.shape_cast %broadcast_in_dim3A_944 : vector<16x1xi32> to vector<16xi32>
    %gather3A_946 = tpu.dynamic_gather %min3A_940[%gather3A_945] in [0] : vector<16xi32>, vector<16xi32> -> vector<16xi32>
    %min3A_947 = arith.minsi %min3A_940, %gather3A_946 : vector<16xi32>
    %eq3A_948 = arith.cmpi eq, %add3A_8, %min3A_947 : vector<16xi32>
    %jit3A_949 = arith.constant 0.000000e+00 : f32
    %broadcast_in_dim3A_950 = vector.broadcast %jit3A_949 : f32 to vector<16xf32>
    %select_n3A_951 = arith.select %eq3A_948, %max3A_884, %broadcast_in_dim3A_950 : vector<16xi1>, vector<16xf32>
    %add3A_952 = arith.addf %broadcast_in_dim3A_3, %select_n3A_951 : vector<16xf32>
    %select_n3A_953 = arith.select %eq3A_948, %broadcast_in_dim3A_5, %get3A_819 : vector<16xi1>, vector<16xf32>
    %eq3A_954 = arith.cmpi eq, %add3A_12, %min3A_947 : vector<16xi32>
    %jit3A_955 = arith.constant 0.000000e+00 : f32
    %broadcast_in_dim3A_956 = vector.broadcast %jit3A_955 : f32 to vector<16xf32>
    %select_n3A_957 = arith.select %eq3A_954, %max3A_884, %broadcast_in_dim3A_956 : vector<16xi1>, vector<16xf32>
    %add3A_958 = arith.addf %broadcast_in_dim3A_3, %select_n3A_957 : vector<16xf32>
    %select_n3A_959 = arith.select %eq3A_954, %broadcast_in_dim3A_5, %get3A_824 : vector<16xi1>, vector<16xf32>
    %eq3A_960 = arith.cmpi eq, %add3A_16, %min3A_947 : vector<16xi32>
    %jit3A_961 = arith.constant 0.000000e+00 : f32
    %broadcast_in_dim3A_962 = vector.broadcast %jit3A_961 : f32 to vector<16xf32>
    %select_n3A_963 = arith.select %eq3A_960, %max3A_884, %broadcast_in_dim3A_962 : vector<16xi1>, vector<16xf32>
    %add3A_964 = arith.addf %broadcast_in_dim3A_3, %select_n3A_963 : vector<16xf32>
    %select_n3A_965 = arith.select %eq3A_960, %broadcast_in_dim3A_5, %get3A_829 : vector<16xi1>, vector<16xf32>
    %eq3A_966 = arith.cmpi eq, %add3A_20, %min3A_947 : vector<16xi32>
    %jit3A_967 = arith.constant 0.000000e+00 : f32
    %broadcast_in_dim3A_968 = vector.broadcast %jit3A_967 : f32 to vector<16xf32>
    %select_n3A_969 = arith.select %eq3A_966, %max3A_884, %broadcast_in_dim3A_968 : vector<16xi1>, vector<16xf32>
    %add3A_970 = arith.addf %broadcast_in_dim3A_3, %select_n3A_969 : vector<16xf32>
    %select_n3A_971 = arith.select %eq3A_966, %broadcast_in_dim3A_5, %get3A_834 : vector<16xi1>, vector<16xf32>
    %eq3A_972 = arith.cmpi eq, %add3A_24, %min3A_947 : vector<16xi32>
    %jit3A_973 = arith.constant 0.000000e+00 : f32
    %broadcast_in_dim3A_974 = vector.broadcast %jit3A_973 : f32 to vector<16xf32>
    %select_n3A_975 = arith.select %eq3A_972, %max3A_884, %broadcast_in_dim3A_974 : vector<16xi1>, vector<16xf32>
    %add3A_976 = arith.addf %broadcast_in_dim3A_3, %select_n3A_975 : vector<16xf32>
    %select_n3A_977 = arith.select %eq3A_972, %broadcast_in_dim3A_5, %get3A_839 : vector<16xi1>, vector<16xf32>
    %eq3A_978 = arith.cmpi eq, %add3A_28, %min3A_947 : vector<16xi32>
    %jit3A_979 = arith.constant 0.000000e+00 : f32
    %broadcast_in_dim3A_980 = vector.broadcast %jit3A_979 : f32 to vector<16xf32>
    %select_n3A_981 = arith.select %eq3A_978, %max3A_884, %broadcast_in_dim3A_980 : vector<16xi1>, vector<16xf32>
    %add3A_982 = arith.addf %broadcast_in_dim3A_3, %select_n3A_981 : vector<16xf32>
    %select_n3A_983 = arith.select %eq3A_978, %broadcast_in_dim3A_5, %get3A_844 : vector<16xi1>, vector<16xf32>
    %eq3A_984 = arith.cmpi eq, %add3A_32, %min3A_947 : vector<16xi32>
    %jit3A_985 = arith.constant 0.000000e+00 : f32
    %broadcast_in_dim3A_986 = vector.broadcast %jit3A_985 : f32 to vector<16xf32>
    %select_n3A_987 = arith.select %eq3A_984, %max3A_884, %broadcast_in_dim3A_986 : vector<16xi1>, vector<16xf32>
    %add3A_988 = arith.addf %broadcast_in_dim3A_3, %select_n3A_987 : vector<16xf32>
    %select_n3A_989 = arith.select %eq3A_984, %broadcast_in_dim3A_5, %get3A_849 : vector<16xi1>, vector<16xf32>
    %add3A_990 = arith.addf %broadcast_in_dim3A_3, %max3A_884 : vector<16xf32>
    %max3A_991 = arith.maximumf %select_n3A_953, %select_n3A_959 : vector<16xf32>
    %max3A_992 = arith.maximumf %max3A_991, %select_n3A_965 : vector<16xf32>
    %max3A_993 = arith.maximumf %max3A_992, %select_n3A_971 : vector<16xf32>
    %max3A_994 = arith.maximumf %max3A_993, %select_n3A_977 : vector<16xf32>
    %max3A_995 = arith.maximumf %max3A_994, %select_n3A_983 : vector<16xf32>
    %max3A_996 = arith.maximumf %max3A_995, %select_n3A_989 : vector<16xf32>
    %iota3A_997 = tpu.iota {dimensions = array<i32: 0>} : vector<16xi32>
    %xor3A_998 = arith.constant 1 : i32
    %xor3A_999 = vector.broadcast %xor3A_998 : i32 to vector<16xi32>
    %xor3A_1000 = arith.xori %iota3A_997, %xor3A_999 : vector<16xi32>
    %broadcast_in_dim3A_1001 = vector.shape_cast %xor3A_1000 : vector<16xi32> to vector<16x1xi32>
    %gather3A_1002 = vector.shape_cast %broadcast_in_dim3A_1001 : vector<16x1xi32> to vector<16xi32>
    %gather3A_1003 = tpu.dynamic_gather %max3A_996[%gather3A_1002] in [0] : vector<16xf32>, vector<16xi32> -> vector<16xf32>
    %max3A_1004 = arith.maximumf %max3A_996, %gather3A_1003 : vector<16xf32>
    %xor3A_1005 = arith.constant 2 : i32
    %xor3A_1006 = vector.broadcast %xor3A_1005 : i32 to vector<16xi32>
    %xor3A_1007 = arith.xori %iota3A_997, %xor3A_1006 : vector<16xi32>
    %broadcast_in_dim3A_1008 = vector.shape_cast %xor3A_1007 : vector<16xi32> to vector<16x1xi32>
    %gather3A_1009 = vector.shape_cast %broadcast_in_dim3A_1008 : vector<16x1xi32> to vector<16xi32>
    %gather3A_1010 = tpu.dynamic_gather %max3A_1004[%gather3A_1009] in [0] : vector<16xf32>, vector<16xi32> -> vector<16xf32>
    %max3A_1011 = arith.maximumf %max3A_1004, %gather3A_1010 : vector<16xf32>
    %xor3A_1012 = arith.constant 4 : i32
    %xor3A_1013 = vector.broadcast %xor3A_1012 : i32 to vector<16xi32>
    %xor3A_1014 = arith.xori %iota3A_997, %xor3A_1013 : vector<16xi32>
    %broadcast_in_dim3A_1015 = vector.shape_cast %xor3A_1014 : vector<16xi32> to vector<16x1xi32>
    %gather3A_1016 = vector.shape_cast %broadcast_in_dim3A_1015 : vector<16x1xi32> to vector<16xi32>
    %gather3A_1017 = tpu.dynamic_gather %max3A_1011[%gather3A_1016] in [0] : vector<16xf32>, vector<16xi32> -> vector<16xf32>
    %max3A_1018 = arith.maximumf %max3A_1011, %gather3A_1017 : vector<16xf32>
    %xor3A_1019 = arith.constant 8 : i32
    %xor3A_1020 = vector.broadcast %xor3A_1019 : i32 to vector<16xi32>
    %xor3A_1021 = arith.xori %iota3A_997, %xor3A_1020 : vector<16xi32>
    %broadcast_in_dim3A_1022 = vector.shape_cast %xor3A_1021 : vector<16xi32> to vector<16x1xi32>
    %gather3A_1023 = vector.shape_cast %broadcast_in_dim3A_1022 : vector<16x1xi32> to vector<16xi32>
    %gather3A_1024 = tpu.dynamic_gather %max3A_1018[%gather3A_1023] in [0] : vector<16xf32>, vector<16xi32> -> vector<16xf32>
    %max3A_1025 = arith.maximumf %max3A_1018, %gather3A_1024 : vector<16xf32>
    %eq3A_1026 = arith.cmpf oeq, %select_n3A_953, %max3A_1025 : vector<16xf32>
    %jit3A_1027 = arith.constant 112 : i32
    %broadcast_in_dim3A_1028 = vector.broadcast %jit3A_1027 : i32 to vector<16xi32>
    %select_n3A_1029 = arith.select %eq3A_1026, %add3A_8, %broadcast_in_dim3A_1028 : vector<16xi1>, vector<16xi32>
    %eq3A_1030 = arith.cmpf oeq, %select_n3A_959, %max3A_1025 : vector<16xf32>
    %jit3A_1031 = arith.constant 112 : i32
    %broadcast_in_dim3A_1032 = vector.broadcast %jit3A_1031 : i32 to vector<16xi32>
    %select_n3A_1033 = arith.select %eq3A_1030, %add3A_12, %broadcast_in_dim3A_1032 : vector<16xi1>, vector<16xi32>
    %min3A_1034 = arith.minsi %select_n3A_1029, %select_n3A_1033 : vector<16xi32>
    %eq3A_1035 = arith.cmpf oeq, %select_n3A_965, %max3A_1025 : vector<16xf32>
    %jit3A_1036 = arith.constant 112 : i32
    %broadcast_in_dim3A_1037 = vector.broadcast %jit3A_1036 : i32 to vector<16xi32>
    %select_n3A_1038 = arith.select %eq3A_1035, %add3A_16, %broadcast_in_dim3A_1037 : vector<16xi1>, vector<16xi32>
    %min3A_1039 = arith.minsi %min3A_1034, %select_n3A_1038 : vector<16xi32>
    %eq3A_1040 = arith.cmpf oeq, %select_n3A_971, %max3A_1025 : vector<16xf32>
    %jit3A_1041 = arith.constant 112 : i32
    %broadcast_in_dim3A_1042 = vector.broadcast %jit3A_1041 : i32 to vector<16xi32>
    %select_n3A_1043 = arith.select %eq3A_1040, %add3A_20, %broadcast_in_dim3A_1042 : vector<16xi1>, vector<16xi32>
    %min3A_1044 = arith.minsi %min3A_1039, %select_n3A_1043 : vector<16xi32>
    %eq3A_1045 = arith.cmpf oeq, %select_n3A_977, %max3A_1025 : vector<16xf32>
    %jit3A_1046 = arith.constant 112 : i32
    %broadcast_in_dim3A_1047 = vector.broadcast %jit3A_1046 : i32 to vector<16xi32>
    %select_n3A_1048 = arith.select %eq3A_1045, %add3A_24, %broadcast_in_dim3A_1047 : vector<16xi1>, vector<16xi32>
    %min3A_1049 = arith.minsi %min3A_1044, %select_n3A_1048 : vector<16xi32>
    %eq3A_1050 = arith.cmpf oeq, %select_n3A_983, %max3A_1025 : vector<16xf32>
    %jit3A_1051 = arith.constant 112 : i32
    %broadcast_in_dim3A_1052 = vector.broadcast %jit3A_1051 : i32 to vector<16xi32>
    %select_n3A_1053 = arith.select %eq3A_1050, %add3A_28, %broadcast_in_dim3A_1052 : vector<16xi1>, vector<16xi32>
    %min3A_1054 = arith.minsi %min3A_1049, %select_n3A_1053 : vector<16xi32>
    %eq3A_1055 = arith.cmpf oeq, %select_n3A_989, %max3A_1025 : vector<16xf32>
    %jit3A_1056 = arith.constant 112 : i32
    %broadcast_in_dim3A_1057 = vector.broadcast %jit3A_1056 : i32 to vector<16xi32>
    %select_n3A_1058 = arith.select %eq3A_1055, %add3A_32, %broadcast_in_dim3A_1057 : vector<16xi1>, vector<16xi32>
    %min3A_1059 = arith.minsi %min3A_1054, %select_n3A_1058 : vector<16xi32>
    %iota3A_1060 = tpu.iota {dimensions = array<i32: 0>} : vector<16xi32>
    %xor3A_1061 = arith.constant 1 : i32
    %xor3A_1062 = vector.broadcast %xor3A_1061 : i32 to vector<16xi32>
    %xor3A_1063 = arith.xori %iota3A_1060, %xor3A_1062 : vector<16xi32>
    %broadcast_in_dim3A_1064 = vector.shape_cast %xor3A_1063 : vector<16xi32> to vector<16x1xi32>
    %gather3A_1065 = vector.shape_cast %broadcast_in_dim3A_1064 : vector<16x1xi32> to vector<16xi32>
    %gather3A_1066 = tpu.dynamic_gather %min3A_1059[%gather3A_1065] in [0] : vector<16xi32>, vector<16xi32> -> vector<16xi32>
    %min3A_1067 = arith.minsi %min3A_1059, %gather3A_1066 : vector<16xi32>
    %xor3A_1068 = arith.constant 2 : i32
    %xor3A_1069 = vector.broadcast %xor3A_1068 : i32 to vector<16xi32>
    %xor3A_1070 = arith.xori %iota3A_1060, %xor3A_1069 : vector<16xi32>
    %broadcast_in_dim3A_1071 = vector.shape_cast %xor3A_1070 : vector<16xi32> to vector<16x1xi32>
    %gather3A_1072 = vector.shape_cast %broadcast_in_dim3A_1071 : vector<16x1xi32> to vector<16xi32>
    %gather3A_1073 = tpu.dynamic_gather %min3A_1067[%gather3A_1072] in [0] : vector<16xi32>, vector<16xi32> -> vector<16xi32>
    %min3A_1074 = arith.minsi %min3A_1067, %gather3A_1073 : vector<16xi32>
    %xor3A_1075 = arith.constant 4 : i32
    %xor3A_1076 = vector.broadcast %xor3A_1075 : i32 to vector<16xi32>
    %xor3A_1077 = arith.xori %iota3A_1060, %xor3A_1076 : vector<16xi32>
    %broadcast_in_dim3A_1078 = vector.shape_cast %xor3A_1077 : vector<16xi32> to vector<16x1xi32>
    %gather3A_1079 = vector.shape_cast %broadcast_in_dim3A_1078 : vector<16x1xi32> to vector<16xi32>
    %gather3A_1080 = tpu.dynamic_gather %min3A_1074[%gather3A_1079] in [0] : vector<16xi32>, vector<16xi32> -> vector<16xi32>
    %min3A_1081 = arith.minsi %min3A_1074, %gather3A_1080 : vector<16xi32>
    %xor3A_1082 = arith.constant 8 : i32
    %xor3A_1083 = vector.broadcast %xor3A_1082 : i32 to vector<16xi32>
    %xor3A_1084 = arith.xori %iota3A_1060, %xor3A_1083 : vector<16xi32>
    %broadcast_in_dim3A_1085 = vector.shape_cast %xor3A_1084 : vector<16xi32> to vector<16x1xi32>
    %gather3A_1086 = vector.shape_cast %broadcast_in_dim3A_1085 : vector<16x1xi32> to vector<16xi32>
    %gather3A_1087 = tpu.dynamic_gather %min3A_1081[%gather3A_1086] in [0] : vector<16xi32>, vector<16xi32> -> vector<16xi32>
    %min3A_1088 = arith.minsi %min3A_1081, %gather3A_1087 : vector<16xi32>
    %eq3A_1089 = arith.cmpi eq, %add3A_8, %min3A_1088 : vector<16xi32>
    %jit3A_1090 = arith.constant 0.000000e+00 : f32
    %broadcast_in_dim3A_1091 = vector.broadcast %jit3A_1090 : f32 to vector<16xf32>
    %select_n3A_1092 = arith.select %eq3A_1089, %max3A_1025, %broadcast_in_dim3A_1091 : vector<16xi1>, vector<16xf32>
    %add3A_1093 = arith.addf %add3A_952, %select_n3A_1092 : vector<16xf32>
    %select_n3A_1094 = arith.select %eq3A_1089, %broadcast_in_dim3A_5, %select_n3A_953 : vector<16xi1>, vector<16xf32>
    %eq3A_1095 = arith.cmpi eq, %add3A_12, %min3A_1088 : vector<16xi32>
    %jit3A_1096 = arith.constant 0.000000e+00 : f32
    %broadcast_in_dim3A_1097 = vector.broadcast %jit3A_1096 : f32 to vector<16xf32>
    %select_n3A_1098 = arith.select %eq3A_1095, %max3A_1025, %broadcast_in_dim3A_1097 : vector<16xi1>, vector<16xf32>
    %add3A_1099 = arith.addf %add3A_958, %select_n3A_1098 : vector<16xf32>
    %select_n3A_1100 = arith.select %eq3A_1095, %broadcast_in_dim3A_5, %select_n3A_959 : vector<16xi1>, vector<16xf32>
    %eq3A_1101 = arith.cmpi eq, %add3A_16, %min3A_1088 : vector<16xi32>
    %jit3A_1102 = arith.constant 0.000000e+00 : f32
    %broadcast_in_dim3A_1103 = vector.broadcast %jit3A_1102 : f32 to vector<16xf32>
    %select_n3A_1104 = arith.select %eq3A_1101, %max3A_1025, %broadcast_in_dim3A_1103 : vector<16xi1>, vector<16xf32>
    %add3A_1105 = arith.addf %add3A_964, %select_n3A_1104 : vector<16xf32>
    %select_n3A_1106 = arith.select %eq3A_1101, %broadcast_in_dim3A_5, %select_n3A_965 : vector<16xi1>, vector<16xf32>
    %eq3A_1107 = arith.cmpi eq, %add3A_20, %min3A_1088 : vector<16xi32>
    %jit3A_1108 = arith.constant 0.000000e+00 : f32
    %broadcast_in_dim3A_1109 = vector.broadcast %jit3A_1108 : f32 to vector<16xf32>
    %select_n3A_1110 = arith.select %eq3A_1107, %max3A_1025, %broadcast_in_dim3A_1109 : vector<16xi1>, vector<16xf32>
    %add3A_1111 = arith.addf %add3A_970, %select_n3A_1110 : vector<16xf32>
    %select_n3A_1112 = arith.select %eq3A_1107, %broadcast_in_dim3A_5, %select_n3A_971 : vector<16xi1>, vector<16xf32>
    %eq3A_1113 = arith.cmpi eq, %add3A_24, %min3A_1088 : vector<16xi32>
    %jit3A_1114 = arith.constant 0.000000e+00 : f32
    %broadcast_in_dim3A_1115 = vector.broadcast %jit3A_1114 : f32 to vector<16xf32>
    %select_n3A_1116 = arith.select %eq3A_1113, %max3A_1025, %broadcast_in_dim3A_1115 : vector<16xi1>, vector<16xf32>
    %add3A_1117 = arith.addf %add3A_976, %select_n3A_1116 : vector<16xf32>
    %select_n3A_1118 = arith.select %eq3A_1113, %broadcast_in_dim3A_5, %select_n3A_977 : vector<16xi1>, vector<16xf32>
    %eq3A_1119 = arith.cmpi eq, %add3A_28, %min3A_1088 : vector<16xi32>
    %jit3A_1120 = arith.constant 0.000000e+00 : f32
    %broadcast_in_dim3A_1121 = vector.broadcast %jit3A_1120 : f32 to vector<16xf32>
    %select_n3A_1122 = arith.select %eq3A_1119, %max3A_1025, %broadcast_in_dim3A_1121 : vector<16xi1>, vector<16xf32>
    %add3A_1123 = arith.addf %add3A_982, %select_n3A_1122 : vector<16xf32>
    %select_n3A_1124 = arith.select %eq3A_1119, %broadcast_in_dim3A_5, %select_n3A_983 : vector<16xi1>, vector<16xf32>
    %eq3A_1125 = arith.cmpi eq, %add3A_32, %min3A_1088 : vector<16xi32>
    %jit3A_1126 = arith.constant 0.000000e+00 : f32
    %broadcast_in_dim3A_1127 = vector.broadcast %jit3A_1126 : f32 to vector<16xf32>
    %select_n3A_1128 = arith.select %eq3A_1125, %max3A_1025, %broadcast_in_dim3A_1127 : vector<16xi1>, vector<16xf32>
    %add3A_1129 = arith.addf %add3A_988, %select_n3A_1128 : vector<16xf32>
    %select_n3A_1130 = arith.select %eq3A_1125, %broadcast_in_dim3A_5, %select_n3A_989 : vector<16xi1>, vector<16xf32>
    %add3A_1131 = arith.addf %add3A_990, %max3A_1025 : vector<16xf32>
    %max3A_1132 = arith.maximumf %select_n3A_1094, %select_n3A_1100 : vector<16xf32>
    %max3A_1133 = arith.maximumf %max3A_1132, %select_n3A_1106 : vector<16xf32>
    %max3A_1134 = arith.maximumf %max3A_1133, %select_n3A_1112 : vector<16xf32>
    %max3A_1135 = arith.maximumf %max3A_1134, %select_n3A_1118 : vector<16xf32>
    %max3A_1136 = arith.maximumf %max3A_1135, %select_n3A_1124 : vector<16xf32>
    %max3A_1137 = arith.maximumf %max3A_1136, %select_n3A_1130 : vector<16xf32>
    %iota3A_1138 = tpu.iota {dimensions = array<i32: 0>} : vector<16xi32>
    %xor3A_1139 = arith.constant 1 : i32
    %xor3A_1140 = vector.broadcast %xor3A_1139 : i32 to vector<16xi32>
    %xor3A_1141 = arith.xori %iota3A_1138, %xor3A_1140 : vector<16xi32>
    %broadcast_in_dim3A_1142 = vector.shape_cast %xor3A_1141 : vector<16xi32> to vector<16x1xi32>
    %gather3A_1143 = vector.shape_cast %broadcast_in_dim3A_1142 : vector<16x1xi32> to vector<16xi32>
    %gather3A_1144 = tpu.dynamic_gather %max3A_1137[%gather3A_1143] in [0] : vector<16xf32>, vector<16xi32> -> vector<16xf32>
    %max3A_1145 = arith.maximumf %max3A_1137, %gather3A_1144 : vector<16xf32>
    %xor3A_1146 = arith.constant 2 : i32
    %xor3A_1147 = vector.broadcast %xor3A_1146 : i32 to vector<16xi32>
    %xor3A_1148 = arith.xori %iota3A_1138, %xor3A_1147 : vector<16xi32>
    %broadcast_in_dim3A_1149 = vector.shape_cast %xor3A_1148 : vector<16xi32> to vector<16x1xi32>
    %gather3A_1150 = vector.shape_cast %broadcast_in_dim3A_1149 : vector<16x1xi32> to vector<16xi32>
    %gather3A_1151 = tpu.dynamic_gather %max3A_1145[%gather3A_1150] in [0] : vector<16xf32>, vector<16xi32> -> vector<16xf32>
    %max3A_1152 = arith.maximumf %max3A_1145, %gather3A_1151 : vector<16xf32>
    %xor3A_1153 = arith.constant 4 : i32
    %xor3A_1154 = vector.broadcast %xor3A_1153 : i32 to vector<16xi32>
    %xor3A_1155 = arith.xori %iota3A_1138, %xor3A_1154 : vector<16xi32>
    %broadcast_in_dim3A_1156 = vector.shape_cast %xor3A_1155 : vector<16xi32> to vector<16x1xi32>
    %gather3A_1157 = vector.shape_cast %broadcast_in_dim3A_1156 : vector<16x1xi32> to vector<16xi32>
    %gather3A_1158 = tpu.dynamic_gather %max3A_1152[%gather3A_1157] in [0] : vector<16xf32>, vector<16xi32> -> vector<16xf32>
    %max3A_1159 = arith.maximumf %max3A_1152, %gather3A_1158 : vector<16xf32>
    %xor3A_1160 = arith.constant 8 : i32
    %xor3A_1161 = vector.broadcast %xor3A_1160 : i32 to vector<16xi32>
    %xor3A_1162 = arith.xori %iota3A_1138, %xor3A_1161 : vector<16xi32>
    %broadcast_in_dim3A_1163 = vector.shape_cast %xor3A_1162 : vector<16xi32> to vector<16x1xi32>
    %gather3A_1164 = vector.shape_cast %broadcast_in_dim3A_1163 : vector<16x1xi32> to vector<16xi32>
    %gather3A_1165 = tpu.dynamic_gather %max3A_1159[%gather3A_1164] in [0] : vector<16xf32>, vector<16xi32> -> vector<16xf32>
    %max3A_1166 = arith.maximumf %max3A_1159, %gather3A_1165 : vector<16xf32>
    %eq3A_1167 = arith.cmpf oeq, %select_n3A_1094, %max3A_1166 : vector<16xf32>
    %jit3A_1168 = arith.constant 112 : i32
    %broadcast_in_dim3A_1169 = vector.broadcast %jit3A_1168 : i32 to vector<16xi32>
    %select_n3A_1170 = arith.select %eq3A_1167, %add3A_8, %broadcast_in_dim3A_1169 : vector<16xi1>, vector<16xi32>
    %eq3A_1171 = arith.cmpf oeq, %select_n3A_1100, %max3A_1166 : vector<16xf32>
    %jit3A_1172 = arith.constant 112 : i32
    %broadcast_in_dim3A_1173 = vector.broadcast %jit3A_1172 : i32 to vector<16xi32>
    %select_n3A_1174 = arith.select %eq3A_1171, %add3A_12, %broadcast_in_dim3A_1173 : vector<16xi1>, vector<16xi32>
    %min3A_1175 = arith.minsi %select_n3A_1170, %select_n3A_1174 : vector<16xi32>
    %eq3A_1176 = arith.cmpf oeq, %select_n3A_1106, %max3A_1166 : vector<16xf32>
    %jit3A_1177 = arith.constant 112 : i32
    %broadcast_in_dim3A_1178 = vector.broadcast %jit3A_1177 : i32 to vector<16xi32>
    %select_n3A_1179 = arith.select %eq3A_1176, %add3A_16, %broadcast_in_dim3A_1178 : vector<16xi1>, vector<16xi32>
    %min3A_1180 = arith.minsi %min3A_1175, %select_n3A_1179 : vector<16xi32>
    %eq3A_1181 = arith.cmpf oeq, %select_n3A_1112, %max3A_1166 : vector<16xf32>
    %jit3A_1182 = arith.constant 112 : i32
    %broadcast_in_dim3A_1183 = vector.broadcast %jit3A_1182 : i32 to vector<16xi32>
    %select_n3A_1184 = arith.select %eq3A_1181, %add3A_20, %broadcast_in_dim3A_1183 : vector<16xi1>, vector<16xi32>
    %min3A_1185 = arith.minsi %min3A_1180, %select_n3A_1184 : vector<16xi32>
    %eq3A_1186 = arith.cmpf oeq, %select_n3A_1118, %max3A_1166 : vector<16xf32>
    %jit3A_1187 = arith.constant 112 : i32
    %broadcast_in_dim3A_1188 = vector.broadcast %jit3A_1187 : i32 to vector<16xi32>
    %select_n3A_1189 = arith.select %eq3A_1186, %add3A_24, %broadcast_in_dim3A_1188 : vector<16xi1>, vector<16xi32>
    %min3A_1190 = arith.minsi %min3A_1185, %select_n3A_1189 : vector<16xi32>
    %eq3A_1191 = arith.cmpf oeq, %select_n3A_1124, %max3A_1166 : vector<16xf32>
    %jit3A_1192 = arith.constant 112 : i32
    %broadcast_in_dim3A_1193 = vector.broadcast %jit3A_1192 : i32 to vector<16xi32>
    %select_n3A_1194 = arith.select %eq3A_1191, %add3A_28, %broadcast_in_dim3A_1193 : vector<16xi1>, vector<16xi32>
    %min3A_1195 = arith.minsi %min3A_1190, %select_n3A_1194 : vector<16xi32>
    %eq3A_1196 = arith.cmpf oeq, %select_n3A_1130, %max3A_1166 : vector<16xf32>
    %jit3A_1197 = arith.constant 112 : i32
    %broadcast_in_dim3A_1198 = vector.broadcast %jit3A_1197 : i32 to vector<16xi32>
    %select_n3A_1199 = arith.select %eq3A_1196, %add3A_32, %broadcast_in_dim3A_1198 : vector<16xi1>, vector<16xi32>
    %min3A_1200 = arith.minsi %min3A_1195, %select_n3A_1199 : vector<16xi32>
    %iota3A_1201 = tpu.iota {dimensions = array<i32: 0>} : vector<16xi32>
    %xor3A_1202 = arith.constant 1 : i32
    %xor3A_1203 = vector.broadcast %xor3A_1202 : i32 to vector<16xi32>
    %xor3A_1204 = arith.xori %iota3A_1201, %xor3A_1203 : vector<16xi32>
    %broadcast_in_dim3A_1205 = vector.shape_cast %xor3A_1204 : vector<16xi32> to vector<16x1xi32>
    %gather3A_1206 = vector.shape_cast %broadcast_in_dim3A_1205 : vector<16x1xi32> to vector<16xi32>
    %gather3A_1207 = tpu.dynamic_gather %min3A_1200[%gather3A_1206] in [0] : vector<16xi32>, vector<16xi32> -> vector<16xi32>
    %min3A_1208 = arith.minsi %min3A_1200, %gather3A_1207 : vector<16xi32>
    %xor3A_1209 = arith.constant 2 : i32
    %xor3A_1210 = vector.broadcast %xor3A_1209 : i32 to vector<16xi32>
    %xor3A_1211 = arith.xori %iota3A_1201, %xor3A_1210 : vector<16xi32>
    %broadcast_in_dim3A_1212 = vector.shape_cast %xor3A_1211 : vector<16xi32> to vector<16x1xi32>
    %gather3A_1213 = vector.shape_cast %broadcast_in_dim3A_1212 : vector<16x1xi32> to vector<16xi32>
    %gather3A_1214 = tpu.dynamic_gather %min3A_1208[%gather3A_1213] in [0] : vector<16xi32>, vector<16xi32> -> vector<16xi32>
    %min3A_1215 = arith.minsi %min3A_1208, %gather3A_1214 : vector<16xi32>
    %xor3A_1216 = arith.constant 4 : i32
    %xor3A_1217 = vector.broadcast %xor3A_1216 : i32 to vector<16xi32>
    %xor3A_1218 = arith.xori %iota3A_1201, %xor3A_1217 : vector<16xi32>
    %broadcast_in_dim3A_1219 = vector.shape_cast %xor3A_1218 : vector<16xi32> to vector<16x1xi32>
    %gather3A_1220 = vector.shape_cast %broadcast_in_dim3A_1219 : vector<16x1xi32> to vector<16xi32>
    %gather3A_1221 = tpu.dynamic_gather %min3A_1215[%gather3A_1220] in [0] : vector<16xi32>, vector<16xi32> -> vector<16xi32>
    %min3A_1222 = arith.minsi %min3A_1215, %gather3A_1221 : vector<16xi32>
    %xor3A_1223 = arith.constant 8 : i32
    %xor3A_1224 = vector.broadcast %xor3A_1223 : i32 to vector<16xi32>
    %xor3A_1225 = arith.xori %iota3A_1201, %xor3A_1224 : vector<16xi32>
    %broadcast_in_dim3A_1226 = vector.shape_cast %xor3A_1225 : vector<16xi32> to vector<16x1xi32>
    %gather3A_1227 = vector.shape_cast %broadcast_in_dim3A_1226 : vector<16x1xi32> to vector<16xi32>
    %gather3A_1228 = tpu.dynamic_gather %min3A_1222[%gather3A_1227] in [0] : vector<16xi32>, vector<16xi32> -> vector<16xi32>
    %min3A_1229 = arith.minsi %min3A_1222, %gather3A_1228 : vector<16xi32>
    %eq3A_1230 = arith.cmpi eq, %add3A_8, %min3A_1229 : vector<16xi32>
    %jit3A_1231 = arith.constant 0.000000e+00 : f32
    %broadcast_in_dim3A_1232 = vector.broadcast %jit3A_1231 : f32 to vector<16xf32>
    %select_n3A_1233 = arith.select %eq3A_1230, %max3A_1166, %broadcast_in_dim3A_1232 : vector<16xi1>, vector<16xf32>
    %add3A_1234 = arith.addf %add3A_1093, %select_n3A_1233 : vector<16xf32>
    %select_n3A_1235 = arith.select %eq3A_1230, %broadcast_in_dim3A_5, %select_n3A_1094 : vector<16xi1>, vector<16xf32>
    %eq3A_1236 = arith.cmpi eq, %add3A_12, %min3A_1229 : vector<16xi32>
    %jit3A_1237 = arith.constant 0.000000e+00 : f32
    %broadcast_in_dim3A_1238 = vector.broadcast %jit3A_1237 : f32 to vector<16xf32>
    %select_n3A_1239 = arith.select %eq3A_1236, %max3A_1166, %broadcast_in_dim3A_1238 : vector<16xi1>, vector<16xf32>
    %add3A_1240 = arith.addf %add3A_1099, %select_n3A_1239 : vector<16xf32>
    %select_n3A_1241 = arith.select %eq3A_1236, %broadcast_in_dim3A_5, %select_n3A_1100 : vector<16xi1>, vector<16xf32>
    %eq3A_1242 = arith.cmpi eq, %add3A_16, %min3A_1229 : vector<16xi32>
    %jit3A_1243 = arith.constant 0.000000e+00 : f32
    %broadcast_in_dim3A_1244 = vector.broadcast %jit3A_1243 : f32 to vector<16xf32>
    %select_n3A_1245 = arith.select %eq3A_1242, %max3A_1166, %broadcast_in_dim3A_1244 : vector<16xi1>, vector<16xf32>
    %add3A_1246 = arith.addf %add3A_1105, %select_n3A_1245 : vector<16xf32>
    %select_n3A_1247 = arith.select %eq3A_1242, %broadcast_in_dim3A_5, %select_n3A_1106 : vector<16xi1>, vector<16xf32>
    %eq3A_1248 = arith.cmpi eq, %add3A_20, %min3A_1229 : vector<16xi32>
    %jit3A_1249 = arith.constant 0.000000e+00 : f32
    %broadcast_in_dim3A_1250 = vector.broadcast %jit3A_1249 : f32 to vector<16xf32>
    %select_n3A_1251 = arith.select %eq3A_1248, %max3A_1166, %broadcast_in_dim3A_1250 : vector<16xi1>, vector<16xf32>
    %add3A_1252 = arith.addf %add3A_1111, %select_n3A_1251 : vector<16xf32>
    %select_n3A_1253 = arith.select %eq3A_1248, %broadcast_in_dim3A_5, %select_n3A_1112 : vector<16xi1>, vector<16xf32>
    %eq3A_1254 = arith.cmpi eq, %add3A_24, %min3A_1229 : vector<16xi32>
    %jit3A_1255 = arith.constant 0.000000e+00 : f32
    %broadcast_in_dim3A_1256 = vector.broadcast %jit3A_1255 : f32 to vector<16xf32>
    %select_n3A_1257 = arith.select %eq3A_1254, %max3A_1166, %broadcast_in_dim3A_1256 : vector<16xi1>, vector<16xf32>
    %add3A_1258 = arith.addf %add3A_1117, %select_n3A_1257 : vector<16xf32>
    %select_n3A_1259 = arith.select %eq3A_1254, %broadcast_in_dim3A_5, %select_n3A_1118 : vector<16xi1>, vector<16xf32>
    %eq3A_1260 = arith.cmpi eq, %add3A_28, %min3A_1229 : vector<16xi32>
    %jit3A_1261 = arith.constant 0.000000e+00 : f32
    %broadcast_in_dim3A_1262 = vector.broadcast %jit3A_1261 : f32 to vector<16xf32>
    %select_n3A_1263 = arith.select %eq3A_1260, %max3A_1166, %broadcast_in_dim3A_1262 : vector<16xi1>, vector<16xf32>
    %add3A_1264 = arith.addf %add3A_1123, %select_n3A_1263 : vector<16xf32>
    %select_n3A_1265 = arith.select %eq3A_1260, %broadcast_in_dim3A_5, %select_n3A_1124 : vector<16xi1>, vector<16xf32>
    %eq3A_1266 = arith.cmpi eq, %add3A_32, %min3A_1229 : vector<16xi32>
    %jit3A_1267 = arith.constant 0.000000e+00 : f32
    %broadcast_in_dim3A_1268 = vector.broadcast %jit3A_1267 : f32 to vector<16xf32>
    %select_n3A_1269 = arith.select %eq3A_1266, %max3A_1166, %broadcast_in_dim3A_1268 : vector<16xi1>, vector<16xf32>
    %add3A_1270 = arith.addf %add3A_1129, %select_n3A_1269 : vector<16xf32>
    %select_n3A_1271 = arith.select %eq3A_1266, %broadcast_in_dim3A_5, %select_n3A_1130 : vector<16xi1>, vector<16xf32>
    %add3A_1272 = arith.addf %add3A_1131, %max3A_1166 : vector<16xf32>
    %max3A_1273 = arith.maximumf %select_n3A_1235, %select_n3A_1241 : vector<16xf32>
    %max3A_1274 = arith.maximumf %max3A_1273, %select_n3A_1247 : vector<16xf32>
    %max3A_1275 = arith.maximumf %max3A_1274, %select_n3A_1253 : vector<16xf32>
    %max3A_1276 = arith.maximumf %max3A_1275, %select_n3A_1259 : vector<16xf32>
    %max3A_1277 = arith.maximumf %max3A_1276, %select_n3A_1265 : vector<16xf32>
    %max3A_1278 = arith.maximumf %max3A_1277, %select_n3A_1271 : vector<16xf32>
    %iota3A_1279 = tpu.iota {dimensions = array<i32: 0>} : vector<16xi32>
    %xor3A_1280 = arith.constant 1 : i32
    %xor3A_1281 = vector.broadcast %xor3A_1280 : i32 to vector<16xi32>
    %xor3A_1282 = arith.xori %iota3A_1279, %xor3A_1281 : vector<16xi32>
    %broadcast_in_dim3A_1283 = vector.shape_cast %xor3A_1282 : vector<16xi32> to vector<16x1xi32>
    %gather3A_1284 = vector.shape_cast %broadcast_in_dim3A_1283 : vector<16x1xi32> to vector<16xi32>
    %gather3A_1285 = tpu.dynamic_gather %max3A_1278[%gather3A_1284] in [0] : vector<16xf32>, vector<16xi32> -> vector<16xf32>
    %max3A_1286 = arith.maximumf %max3A_1278, %gather3A_1285 : vector<16xf32>
    %xor3A_1287 = arith.constant 2 : i32
    %xor3A_1288 = vector.broadcast %xor3A_1287 : i32 to vector<16xi32>
    %xor3A_1289 = arith.xori %iota3A_1279, %xor3A_1288 : vector<16xi32>
    %broadcast_in_dim3A_1290 = vector.shape_cast %xor3A_1289 : vector<16xi32> to vector<16x1xi32>
    %gather3A_1291 = vector.shape_cast %broadcast_in_dim3A_1290 : vector<16x1xi32> to vector<16xi32>
    %gather3A_1292 = tpu.dynamic_gather %max3A_1286[%gather3A_1291] in [0] : vector<16xf32>, vector<16xi32> -> vector<16xf32>
    %max3A_1293 = arith.maximumf %max3A_1286, %gather3A_1292 : vector<16xf32>
    %xor3A_1294 = arith.constant 4 : i32
    %xor3A_1295 = vector.broadcast %xor3A_1294 : i32 to vector<16xi32>
    %xor3A_1296 = arith.xori %iota3A_1279, %xor3A_1295 : vector<16xi32>
    %broadcast_in_dim3A_1297 = vector.shape_cast %xor3A_1296 : vector<16xi32> to vector<16x1xi32>
    %gather3A_1298 = vector.shape_cast %broadcast_in_dim3A_1297 : vector<16x1xi32> to vector<16xi32>
    %gather3A_1299 = tpu.dynamic_gather %max3A_1293[%gather3A_1298] in [0] : vector<16xf32>, vector<16xi32> -> vector<16xf32>
    %max3A_1300 = arith.maximumf %max3A_1293, %gather3A_1299 : vector<16xf32>
    %xor3A_1301 = arith.constant 8 : i32
    %xor3A_1302 = vector.broadcast %xor3A_1301 : i32 to vector<16xi32>
    %xor3A_1303 = arith.xori %iota3A_1279, %xor3A_1302 : vector<16xi32>
    %broadcast_in_dim3A_1304 = vector.shape_cast %xor3A_1303 : vector<16xi32> to vector<16x1xi32>
    %gather3A_1305 = vector.shape_cast %broadcast_in_dim3A_1304 : vector<16x1xi32> to vector<16xi32>
    %gather3A_1306 = tpu.dynamic_gather %max3A_1300[%gather3A_1305] in [0] : vector<16xf32>, vector<16xi32> -> vector<16xf32>
    %max3A_1307 = arith.maximumf %max3A_1300, %gather3A_1306 : vector<16xf32>
    %eq3A_1308 = arith.cmpf oeq, %select_n3A_1235, %max3A_1307 : vector<16xf32>
    %jit3A_1309 = arith.constant 112 : i32
    %broadcast_in_dim3A_1310 = vector.broadcast %jit3A_1309 : i32 to vector<16xi32>
    %select_n3A_1311 = arith.select %eq3A_1308, %add3A_8, %broadcast_in_dim3A_1310 : vector<16xi1>, vector<16xi32>
    %eq3A_1312 = arith.cmpf oeq, %select_n3A_1241, %max3A_1307 : vector<16xf32>
    %jit3A_1313 = arith.constant 112 : i32
    %broadcast_in_dim3A_1314 = vector.broadcast %jit3A_1313 : i32 to vector<16xi32>
    %select_n3A_1315 = arith.select %eq3A_1312, %add3A_12, %broadcast_in_dim3A_1314 : vector<16xi1>, vector<16xi32>
    %min3A_1316 = arith.minsi %select_n3A_1311, %select_n3A_1315 : vector<16xi32>
    %eq3A_1317 = arith.cmpf oeq, %select_n3A_1247, %max3A_1307 : vector<16xf32>
    %jit3A_1318 = arith.constant 112 : i32
    %broadcast_in_dim3A_1319 = vector.broadcast %jit3A_1318 : i32 to vector<16xi32>
    %select_n3A_1320 = arith.select %eq3A_1317, %add3A_16, %broadcast_in_dim3A_1319 : vector<16xi1>, vector<16xi32>
    %min3A_1321 = arith.minsi %min3A_1316, %select_n3A_1320 : vector<16xi32>
    %eq3A_1322 = arith.cmpf oeq, %select_n3A_1253, %max3A_1307 : vector<16xf32>
    %jit3A_1323 = arith.constant 112 : i32
    %broadcast_in_dim3A_1324 = vector.broadcast %jit3A_1323 : i32 to vector<16xi32>
    %select_n3A_1325 = arith.select %eq3A_1322, %add3A_20, %broadcast_in_dim3A_1324 : vector<16xi1>, vector<16xi32>
    %min3A_1326 = arith.minsi %min3A_1321, %select_n3A_1325 : vector<16xi32>
    %eq3A_1327 = arith.cmpf oeq, %select_n3A_1259, %max3A_1307 : vector<16xf32>
    %jit3A_1328 = arith.constant 112 : i32
    %broadcast_in_dim3A_1329 = vector.broadcast %jit3A_1328 : i32 to vector<16xi32>
    %select_n3A_1330 = arith.select %eq3A_1327, %add3A_24, %broadcast_in_dim3A_1329 : vector<16xi1>, vector<16xi32>
    %min3A_1331 = arith.minsi %min3A_1326, %select_n3A_1330 : vector<16xi32>
    %eq3A_1332 = arith.cmpf oeq, %select_n3A_1265, %max3A_1307 : vector<16xf32>
    %jit3A_1333 = arith.constant 112 : i32
    %broadcast_in_dim3A_1334 = vector.broadcast %jit3A_1333 : i32 to vector<16xi32>
    %select_n3A_1335 = arith.select %eq3A_1332, %add3A_28, %broadcast_in_dim3A_1334 : vector<16xi1>, vector<16xi32>
    %min3A_1336 = arith.minsi %min3A_1331, %select_n3A_1335 : vector<16xi32>
    %eq3A_1337 = arith.cmpf oeq, %select_n3A_1271, %max3A_1307 : vector<16xf32>
    %jit3A_1338 = arith.constant 112 : i32
    %broadcast_in_dim3A_1339 = vector.broadcast %jit3A_1338 : i32 to vector<16xi32>
    %select_n3A_1340 = arith.select %eq3A_1337, %add3A_32, %broadcast_in_dim3A_1339 : vector<16xi1>, vector<16xi32>
    %min3A_1341 = arith.minsi %min3A_1336, %select_n3A_1340 : vector<16xi32>
    %iota3A_1342 = tpu.iota {dimensions = array<i32: 0>} : vector<16xi32>
    %xor3A_1343 = arith.constant 1 : i32
    %xor3A_1344 = vector.broadcast %xor3A_1343 : i32 to vector<16xi32>
    %xor3A_1345 = arith.xori %iota3A_1342, %xor3A_1344 : vector<16xi32>
    %broadcast_in_dim3A_1346 = vector.shape_cast %xor3A_1345 : vector<16xi32> to vector<16x1xi32>
    %gather3A_1347 = vector.shape_cast %broadcast_in_dim3A_1346 : vector<16x1xi32> to vector<16xi32>
    %gather3A_1348 = tpu.dynamic_gather %min3A_1341[%gather3A_1347] in [0] : vector<16xi32>, vector<16xi32> -> vector<16xi32>
    %min3A_1349 = arith.minsi %min3A_1341, %gather3A_1348 : vector<16xi32>
    %xor3A_1350 = arith.constant 2 : i32
    %xor3A_1351 = vector.broadcast %xor3A_1350 : i32 to vector<16xi32>
    %xor3A_1352 = arith.xori %iota3A_1342, %xor3A_1351 : vector<16xi32>
    %broadcast_in_dim3A_1353 = vector.shape_cast %xor3A_1352 : vector<16xi32> to vector<16x1xi32>
    %gather3A_1354 = vector.shape_cast %broadcast_in_dim3A_1353 : vector<16x1xi32> to vector<16xi32>
    %gather3A_1355 = tpu.dynamic_gather %min3A_1349[%gather3A_1354] in [0] : vector<16xi32>, vector<16xi32> -> vector<16xi32>
    %min3A_1356 = arith.minsi %min3A_1349, %gather3A_1355 : vector<16xi32>
    %xor3A_1357 = arith.constant 4 : i32
    %xor3A_1358 = vector.broadcast %xor3A_1357 : i32 to vector<16xi32>
    %xor3A_1359 = arith.xori %iota3A_1342, %xor3A_1358 : vector<16xi32>
    %broadcast_in_dim3A_1360 = vector.shape_cast %xor3A_1359 : vector<16xi32> to vector<16x1xi32>
    %gather3A_1361 = vector.shape_cast %broadcast_in_dim3A_1360 : vector<16x1xi32> to vector<16xi32>
    %gather3A_1362 = tpu.dynamic_gather %min3A_1356[%gather3A_1361] in [0] : vector<16xi32>, vector<16xi32> -> vector<16xi32>
    %min3A_1363 = arith.minsi %min3A_1356, %gather3A_1362 : vector<16xi32>
    %xor3A_1364 = arith.constant 8 : i32
    %xor3A_1365 = vector.broadcast %xor3A_1364 : i32 to vector<16xi32>
    %xor3A_1366 = arith.xori %iota3A_1342, %xor3A_1365 : vector<16xi32>
    %broadcast_in_dim3A_1367 = vector.shape_cast %xor3A_1366 : vector<16xi32> to vector<16x1xi32>
    %gather3A_1368 = vector.shape_cast %broadcast_in_dim3A_1367 : vector<16x1xi32> to vector<16xi32>
    %gather3A_1369 = tpu.dynamic_gather %min3A_1363[%gather3A_1368] in [0] : vector<16xi32>, vector<16xi32> -> vector<16xi32>
    %min3A_1370 = arith.minsi %min3A_1363, %gather3A_1369 : vector<16xi32>
    %eq3A_1371 = arith.cmpi eq, %add3A_8, %min3A_1370 : vector<16xi32>
    %jit3A_1372 = arith.constant 0.000000e+00 : f32
    %broadcast_in_dim3A_1373 = vector.broadcast %jit3A_1372 : f32 to vector<16xf32>
    %select_n3A_1374 = arith.select %eq3A_1371, %max3A_1307, %broadcast_in_dim3A_1373 : vector<16xi1>, vector<16xf32>
    %add3A_1375 = arith.addf %add3A_1234, %select_n3A_1374 : vector<16xf32>
    %select_n3A_1376 = arith.select %eq3A_1371, %broadcast_in_dim3A_5, %select_n3A_1235 : vector<16xi1>, vector<16xf32>
    %eq3A_1377 = arith.cmpi eq, %add3A_12, %min3A_1370 : vector<16xi32>
    %jit3A_1378 = arith.constant 0.000000e+00 : f32
    %broadcast_in_dim3A_1379 = vector.broadcast %jit3A_1378 : f32 to vector<16xf32>
    %select_n3A_1380 = arith.select %eq3A_1377, %max3A_1307, %broadcast_in_dim3A_1379 : vector<16xi1>, vector<16xf32>
    %add3A_1381 = arith.addf %add3A_1240, %select_n3A_1380 : vector<16xf32>
    %select_n3A_1382 = arith.select %eq3A_1377, %broadcast_in_dim3A_5, %select_n3A_1241 : vector<16xi1>, vector<16xf32>
    %eq3A_1383 = arith.cmpi eq, %add3A_16, %min3A_1370 : vector<16xi32>
    %jit3A_1384 = arith.constant 0.000000e+00 : f32
    %broadcast_in_dim3A_1385 = vector.broadcast %jit3A_1384 : f32 to vector<16xf32>
    %select_n3A_1386 = arith.select %eq3A_1383, %max3A_1307, %broadcast_in_dim3A_1385 : vector<16xi1>, vector<16xf32>
    %add3A_1387 = arith.addf %add3A_1246, %select_n3A_1386 : vector<16xf32>
    %select_n3A_1388 = arith.select %eq3A_1383, %broadcast_in_dim3A_5, %select_n3A_1247 : vector<16xi1>, vector<16xf32>
    %eq3A_1389 = arith.cmpi eq, %add3A_20, %min3A_1370 : vector<16xi32>
    %jit3A_1390 = arith.constant 0.000000e+00 : f32
    %broadcast_in_dim3A_1391 = vector.broadcast %jit3A_1390 : f32 to vector<16xf32>
    %select_n3A_1392 = arith.select %eq3A_1389, %max3A_1307, %broadcast_in_dim3A_1391 : vector<16xi1>, vector<16xf32>
    %add3A_1393 = arith.addf %add3A_1252, %select_n3A_1392 : vector<16xf32>
    %select_n3A_1394 = arith.select %eq3A_1389, %broadcast_in_dim3A_5, %select_n3A_1253 : vector<16xi1>, vector<16xf32>
    %eq3A_1395 = arith.cmpi eq, %add3A_24, %min3A_1370 : vector<16xi32>
    %jit3A_1396 = arith.constant 0.000000e+00 : f32
    %broadcast_in_dim3A_1397 = vector.broadcast %jit3A_1396 : f32 to vector<16xf32>
    %select_n3A_1398 = arith.select %eq3A_1395, %max3A_1307, %broadcast_in_dim3A_1397 : vector<16xi1>, vector<16xf32>
    %add3A_1399 = arith.addf %add3A_1258, %select_n3A_1398 : vector<16xf32>
    %select_n3A_1400 = arith.select %eq3A_1395, %broadcast_in_dim3A_5, %select_n3A_1259 : vector<16xi1>, vector<16xf32>
    %eq3A_1401 = arith.cmpi eq, %add3A_28, %min3A_1370 : vector<16xi32>
    %jit3A_1402 = arith.constant 0.000000e+00 : f32
    %broadcast_in_dim3A_1403 = vector.broadcast %jit3A_1402 : f32 to vector<16xf32>
    %select_n3A_1404 = arith.select %eq3A_1401, %max3A_1307, %broadcast_in_dim3A_1403 : vector<16xi1>, vector<16xf32>
    %add3A_1405 = arith.addf %add3A_1264, %select_n3A_1404 : vector<16xf32>
    %select_n3A_1406 = arith.select %eq3A_1401, %broadcast_in_dim3A_5, %select_n3A_1265 : vector<16xi1>, vector<16xf32>
    %eq3A_1407 = arith.cmpi eq, %add3A_32, %min3A_1370 : vector<16xi32>
    %jit3A_1408 = arith.constant 0.000000e+00 : f32
    %broadcast_in_dim3A_1409 = vector.broadcast %jit3A_1408 : f32 to vector<16xf32>
    %select_n3A_1410 = arith.select %eq3A_1407, %max3A_1307, %broadcast_in_dim3A_1409 : vector<16xi1>, vector<16xf32>
    %add3A_1411 = arith.addf %add3A_1270, %select_n3A_1410 : vector<16xf32>
    %select_n3A_1412 = arith.select %eq3A_1407, %broadcast_in_dim3A_5, %select_n3A_1271 : vector<16xi1>, vector<16xf32>
    %add3A_1413 = arith.addf %add3A_1272, %max3A_1307 : vector<16xf32>
    %max3A_1414 = arith.maximumf %select_n3A_1376, %select_n3A_1382 : vector<16xf32>
    %max3A_1415 = arith.maximumf %max3A_1414, %select_n3A_1388 : vector<16xf32>
    %max3A_1416 = arith.maximumf %max3A_1415, %select_n3A_1394 : vector<16xf32>
    %max3A_1417 = arith.maximumf %max3A_1416, %select_n3A_1400 : vector<16xf32>
    %max3A_1418 = arith.maximumf %max3A_1417, %select_n3A_1406 : vector<16xf32>
    %max3A_1419 = arith.maximumf %max3A_1418, %select_n3A_1412 : vector<16xf32>
    %iota3A_1420 = tpu.iota {dimensions = array<i32: 0>} : vector<16xi32>
    %xor3A_1421 = arith.constant 1 : i32
    %xor3A_1422 = vector.broadcast %xor3A_1421 : i32 to vector<16xi32>
    %xor3A_1423 = arith.xori %iota3A_1420, %xor3A_1422 : vector<16xi32>
    %broadcast_in_dim3A_1424 = vector.shape_cast %xor3A_1423 : vector<16xi32> to vector<16x1xi32>
    %gather3A_1425 = vector.shape_cast %broadcast_in_dim3A_1424 : vector<16x1xi32> to vector<16xi32>
    %gather3A_1426 = tpu.dynamic_gather %max3A_1419[%gather3A_1425] in [0] : vector<16xf32>, vector<16xi32> -> vector<16xf32>
    %max3A_1427 = arith.maximumf %max3A_1419, %gather3A_1426 : vector<16xf32>
    %xor3A_1428 = arith.constant 2 : i32
    %xor3A_1429 = vector.broadcast %xor3A_1428 : i32 to vector<16xi32>
    %xor3A_1430 = arith.xori %iota3A_1420, %xor3A_1429 : vector<16xi32>
    %broadcast_in_dim3A_1431 = vector.shape_cast %xor3A_1430 : vector<16xi32> to vector<16x1xi32>
    %gather3A_1432 = vector.shape_cast %broadcast_in_dim3A_1431 : vector<16x1xi32> to vector<16xi32>
    %gather3A_1433 = tpu.dynamic_gather %max3A_1427[%gather3A_1432] in [0] : vector<16xf32>, vector<16xi32> -> vector<16xf32>
    %max3A_1434 = arith.maximumf %max3A_1427, %gather3A_1433 : vector<16xf32>
    %xor3A_1435 = arith.constant 4 : i32
    %xor3A_1436 = vector.broadcast %xor3A_1435 : i32 to vector<16xi32>
    %xor3A_1437 = arith.xori %iota3A_1420, %xor3A_1436 : vector<16xi32>
    %broadcast_in_dim3A_1438 = vector.shape_cast %xor3A_1437 : vector<16xi32> to vector<16x1xi32>
    %gather3A_1439 = vector.shape_cast %broadcast_in_dim3A_1438 : vector<16x1xi32> to vector<16xi32>
    %gather3A_1440 = tpu.dynamic_gather %max3A_1434[%gather3A_1439] in [0] : vector<16xf32>, vector<16xi32> -> vector<16xf32>
    %max3A_1441 = arith.maximumf %max3A_1434, %gather3A_1440 : vector<16xf32>
    %xor3A_1442 = arith.constant 8 : i32
    %xor3A_1443 = vector.broadcast %xor3A_1442 : i32 to vector<16xi32>
    %xor3A_1444 = arith.xori %iota3A_1420, %xor3A_1443 : vector<16xi32>
    %broadcast_in_dim3A_1445 = vector.shape_cast %xor3A_1444 : vector<16xi32> to vector<16x1xi32>
    %gather3A_1446 = vector.shape_cast %broadcast_in_dim3A_1445 : vector<16x1xi32> to vector<16xi32>
    %gather3A_1447 = tpu.dynamic_gather %max3A_1441[%gather3A_1446] in [0] : vector<16xf32>, vector<16xi32> -> vector<16xf32>
    %max3A_1448 = arith.maximumf %max3A_1441, %gather3A_1447 : vector<16xf32>
    %eq3A_1449 = arith.cmpf oeq, %select_n3A_1376, %max3A_1448 : vector<16xf32>
    %jit3A_1450 = arith.constant 112 : i32
    %broadcast_in_dim3A_1451 = vector.broadcast %jit3A_1450 : i32 to vector<16xi32>
    %select_n3A_1452 = arith.select %eq3A_1449, %add3A_8, %broadcast_in_dim3A_1451 : vector<16xi1>, vector<16xi32>
    %eq3A_1453 = arith.cmpf oeq, %select_n3A_1382, %max3A_1448 : vector<16xf32>
    %jit3A_1454 = arith.constant 112 : i32
    %broadcast_in_dim3A_1455 = vector.broadcast %jit3A_1454 : i32 to vector<16xi32>
    %select_n3A_1456 = arith.select %eq3A_1453, %add3A_12, %broadcast_in_dim3A_1455 : vector<16xi1>, vector<16xi32>
    %min3A_1457 = arith.minsi %select_n3A_1452, %select_n3A_1456 : vector<16xi32>
    %eq3A_1458 = arith.cmpf oeq, %select_n3A_1388, %max3A_1448 : vector<16xf32>
    %jit3A_1459 = arith.constant 112 : i32
    %broadcast_in_dim3A_1460 = vector.broadcast %jit3A_1459 : i32 to vector<16xi32>
    %select_n3A_1461 = arith.select %eq3A_1458, %add3A_16, %broadcast_in_dim3A_1460 : vector<16xi1>, vector<16xi32>
    %min3A_1462 = arith.minsi %min3A_1457, %select_n3A_1461 : vector<16xi32>
    %eq3A_1463 = arith.cmpf oeq, %select_n3A_1394, %max3A_1448 : vector<16xf32>
    %jit3A_1464 = arith.constant 112 : i32
    %broadcast_in_dim3A_1465 = vector.broadcast %jit3A_1464 : i32 to vector<16xi32>
    %select_n3A_1466 = arith.select %eq3A_1463, %add3A_20, %broadcast_in_dim3A_1465 : vector<16xi1>, vector<16xi32>
    %min3A_1467 = arith.minsi %min3A_1462, %select_n3A_1466 : vector<16xi32>
    %eq3A_1468 = arith.cmpf oeq, %select_n3A_1400, %max3A_1448 : vector<16xf32>
    %jit3A_1469 = arith.constant 112 : i32
    %broadcast_in_dim3A_1470 = vector.broadcast %jit3A_1469 : i32 to vector<16xi32>
    %select_n3A_1471 = arith.select %eq3A_1468, %add3A_24, %broadcast_in_dim3A_1470 : vector<16xi1>, vector<16xi32>
    %min3A_1472 = arith.minsi %min3A_1467, %select_n3A_1471 : vector<16xi32>
    %eq3A_1473 = arith.cmpf oeq, %select_n3A_1406, %max3A_1448 : vector<16xf32>
    %jit3A_1474 = arith.constant 112 : i32
    %broadcast_in_dim3A_1475 = vector.broadcast %jit3A_1474 : i32 to vector<16xi32>
    %select_n3A_1476 = arith.select %eq3A_1473, %add3A_28, %broadcast_in_dim3A_1475 : vector<16xi1>, vector<16xi32>
    %min3A_1477 = arith.minsi %min3A_1472, %select_n3A_1476 : vector<16xi32>
    %eq3A_1478 = arith.cmpf oeq, %select_n3A_1412, %max3A_1448 : vector<16xf32>
    %jit3A_1479 = arith.constant 112 : i32
    %broadcast_in_dim3A_1480 = vector.broadcast %jit3A_1479 : i32 to vector<16xi32>
    %select_n3A_1481 = arith.select %eq3A_1478, %add3A_32, %broadcast_in_dim3A_1480 : vector<16xi1>, vector<16xi32>
    %min3A_1482 = arith.minsi %min3A_1477, %select_n3A_1481 : vector<16xi32>
    %iota3A_1483 = tpu.iota {dimensions = array<i32: 0>} : vector<16xi32>
    %xor3A_1484 = arith.constant 1 : i32
    %xor3A_1485 = vector.broadcast %xor3A_1484 : i32 to vector<16xi32>
    %xor3A_1486 = arith.xori %iota3A_1483, %xor3A_1485 : vector<16xi32>
    %broadcast_in_dim3A_1487 = vector.shape_cast %xor3A_1486 : vector<16xi32> to vector<16x1xi32>
    %gather3A_1488 = vector.shape_cast %broadcast_in_dim3A_1487 : vector<16x1xi32> to vector<16xi32>
    %gather3A_1489 = tpu.dynamic_gather %min3A_1482[%gather3A_1488] in [0] : vector<16xi32>, vector<16xi32> -> vector<16xi32>
    %min3A_1490 = arith.minsi %min3A_1482, %gather3A_1489 : vector<16xi32>
    %xor3A_1491 = arith.constant 2 : i32
    %xor3A_1492 = vector.broadcast %xor3A_1491 : i32 to vector<16xi32>
    %xor3A_1493 = arith.xori %iota3A_1483, %xor3A_1492 : vector<16xi32>
    %broadcast_in_dim3A_1494 = vector.shape_cast %xor3A_1493 : vector<16xi32> to vector<16x1xi32>
    %gather3A_1495 = vector.shape_cast %broadcast_in_dim3A_1494 : vector<16x1xi32> to vector<16xi32>
    %gather3A_1496 = tpu.dynamic_gather %min3A_1490[%gather3A_1495] in [0] : vector<16xi32>, vector<16xi32> -> vector<16xi32>
    %min3A_1497 = arith.minsi %min3A_1490, %gather3A_1496 : vector<16xi32>
    %xor3A_1498 = arith.constant 4 : i32
    %xor3A_1499 = vector.broadcast %xor3A_1498 : i32 to vector<16xi32>
    %xor3A_1500 = arith.xori %iota3A_1483, %xor3A_1499 : vector<16xi32>
    %broadcast_in_dim3A_1501 = vector.shape_cast %xor3A_1500 : vector<16xi32> to vector<16x1xi32>
    %gather3A_1502 = vector.shape_cast %broadcast_in_dim3A_1501 : vector<16x1xi32> to vector<16xi32>
    %gather3A_1503 = tpu.dynamic_gather %min3A_1497[%gather3A_1502] in [0] : vector<16xi32>, vector<16xi32> -> vector<16xi32>
    %min3A_1504 = arith.minsi %min3A_1497, %gather3A_1503 : vector<16xi32>
    %xor3A_1505 = arith.constant 8 : i32
    %xor3A_1506 = vector.broadcast %xor3A_1505 : i32 to vector<16xi32>
    %xor3A_1507 = arith.xori %iota3A_1483, %xor3A_1506 : vector<16xi32>
    %broadcast_in_dim3A_1508 = vector.shape_cast %xor3A_1507 : vector<16xi32> to vector<16x1xi32>
    %gather3A_1509 = vector.shape_cast %broadcast_in_dim3A_1508 : vector<16x1xi32> to vector<16xi32>
    %gather3A_1510 = tpu.dynamic_gather %min3A_1504[%gather3A_1509] in [0] : vector<16xi32>, vector<16xi32> -> vector<16xi32>
    %min3A_1511 = arith.minsi %min3A_1504, %gather3A_1510 : vector<16xi32>
    %eq3A_1512 = arith.cmpi eq, %add3A_8, %min3A_1511 : vector<16xi32>
    %jit3A_1513 = arith.constant 0.000000e+00 : f32
    %broadcast_in_dim3A_1514 = vector.broadcast %jit3A_1513 : f32 to vector<16xf32>
    %select_n3A_1515 = arith.select %eq3A_1512, %max3A_1448, %broadcast_in_dim3A_1514 : vector<16xi1>, vector<16xf32>
    %add3A_1516 = arith.addf %add3A_1375, %select_n3A_1515 : vector<16xf32>
    %select_n3A_1517 = arith.select %eq3A_1512, %broadcast_in_dim3A_5, %select_n3A_1376 : vector<16xi1>, vector<16xf32>
    %eq3A_1518 = arith.cmpi eq, %add3A_12, %min3A_1511 : vector<16xi32>
    %jit3A_1519 = arith.constant 0.000000e+00 : f32
    %broadcast_in_dim3A_1520 = vector.broadcast %jit3A_1519 : f32 to vector<16xf32>
    %select_n3A_1521 = arith.select %eq3A_1518, %max3A_1448, %broadcast_in_dim3A_1520 : vector<16xi1>, vector<16xf32>
    %add3A_1522 = arith.addf %add3A_1381, %select_n3A_1521 : vector<16xf32>
    %select_n3A_1523 = arith.select %eq3A_1518, %broadcast_in_dim3A_5, %select_n3A_1382 : vector<16xi1>, vector<16xf32>
    %eq3A_1524 = arith.cmpi eq, %add3A_16, %min3A_1511 : vector<16xi32>
    %jit3A_1525 = arith.constant 0.000000e+00 : f32
    %broadcast_in_dim3A_1526 = vector.broadcast %jit3A_1525 : f32 to vector<16xf32>
    %select_n3A_1527 = arith.select %eq3A_1524, %max3A_1448, %broadcast_in_dim3A_1526 : vector<16xi1>, vector<16xf32>
    %add3A_1528 = arith.addf %add3A_1387, %select_n3A_1527 : vector<16xf32>
    %select_n3A_1529 = arith.select %eq3A_1524, %broadcast_in_dim3A_5, %select_n3A_1388 : vector<16xi1>, vector<16xf32>
    %eq3A_1530 = arith.cmpi eq, %add3A_20, %min3A_1511 : vector<16xi32>
    %jit3A_1531 = arith.constant 0.000000e+00 : f32
    %broadcast_in_dim3A_1532 = vector.broadcast %jit3A_1531 : f32 to vector<16xf32>
    %select_n3A_1533 = arith.select %eq3A_1530, %max3A_1448, %broadcast_in_dim3A_1532 : vector<16xi1>, vector<16xf32>
    %add3A_1534 = arith.addf %add3A_1393, %select_n3A_1533 : vector<16xf32>
    %select_n3A_1535 = arith.select %eq3A_1530, %broadcast_in_dim3A_5, %select_n3A_1394 : vector<16xi1>, vector<16xf32>
    %eq3A_1536 = arith.cmpi eq, %add3A_24, %min3A_1511 : vector<16xi32>
    %jit3A_1537 = arith.constant 0.000000e+00 : f32
    %broadcast_in_dim3A_1538 = vector.broadcast %jit3A_1537 : f32 to vector<16xf32>
    %select_n3A_1539 = arith.select %eq3A_1536, %max3A_1448, %broadcast_in_dim3A_1538 : vector<16xi1>, vector<16xf32>
    %add3A_1540 = arith.addf %add3A_1399, %select_n3A_1539 : vector<16xf32>
    %select_n3A_1541 = arith.select %eq3A_1536, %broadcast_in_dim3A_5, %select_n3A_1400 : vector<16xi1>, vector<16xf32>
    %eq3A_1542 = arith.cmpi eq, %add3A_28, %min3A_1511 : vector<16xi32>
    %jit3A_1543 = arith.constant 0.000000e+00 : f32
    %broadcast_in_dim3A_1544 = vector.broadcast %jit3A_1543 : f32 to vector<16xf32>
    %select_n3A_1545 = arith.select %eq3A_1542, %max3A_1448, %broadcast_in_dim3A_1544 : vector<16xi1>, vector<16xf32>
    %add3A_1546 = arith.addf %add3A_1405, %select_n3A_1545 : vector<16xf32>
    %select_n3A_1547 = arith.select %eq3A_1542, %broadcast_in_dim3A_5, %select_n3A_1406 : vector<16xi1>, vector<16xf32>
    %eq3A_1548 = arith.cmpi eq, %add3A_32, %min3A_1511 : vector<16xi32>
    %jit3A_1549 = arith.constant 0.000000e+00 : f32
    %broadcast_in_dim3A_1550 = vector.broadcast %jit3A_1549 : f32 to vector<16xf32>
    %select_n3A_1551 = arith.select %eq3A_1548, %max3A_1448, %broadcast_in_dim3A_1550 : vector<16xi1>, vector<16xf32>
    %add3A_1552 = arith.addf %add3A_1411, %select_n3A_1551 : vector<16xf32>
    %select_n3A_1553 = arith.select %eq3A_1548, %broadcast_in_dim3A_5, %select_n3A_1412 : vector<16xi1>, vector<16xf32>
    %add3A_1554 = arith.addf %add3A_1413, %max3A_1448 : vector<16xf32>
    %add3A_1555 = arith.constant 9.99999971E-10 : f32
    %add3A_1556 = vector.broadcast %add3A_1555 : f32 to vector<16xf32>
    %add3A_1557 = arith.addf %add3A_1554, %add3A_1556 : vector<16xf32>
    %div3A_1558 = arith.divf %add3A_1516, %add3A_1557 : vector<16xf32>
    %swap3A_1559 = arith.constant 1 : i32
    %swap3A_1560 = arith.index_cast %swap3A_1559 : i32 to index
    %swap3A_1561 = arith.constant 0 : index
    %swap3A_1562 = tpu.vector_load %arg5[%swap3A_1560, %swap3A_1561] {strides = array<i32>} : memref<2x112xf32, #tpu.memory_space<vmem>>, vector<1x16xf32>,
    %swap3A_1563 = vector.shape_cast %swap3A_1562 : vector<1x16xf32> to vector<16xf32>
    %swap3A_1564 = vector.shape_cast %div3A_1558 : vector<16xf32> to vector<1x16xf32>
    tpu.vector_store %arg5[%swap3A_1560, %swap3A_1561], %swap3A_1564 {strides = array<i32>} : memref<2x112xf32, #tpu.memory_space<vmem>>, vector<1x16xf32>,
    %div3A_1565 = arith.divf %add3A_1522, %add3A_1557 : vector<16xf32>
    %swap3A_1566 = arith.constant 1 : i32
    %swap3A_1567 = arith.index_cast %swap3A_1566 : i32 to index
    %swap3A_1568 = arith.constant 16 : index
    %swap3A_1569 = tpu.vector_load %arg5[%swap3A_1567, %swap3A_1568] {strides = array<i32>} : memref<2x112xf32, #tpu.memory_space<vmem>>, vector<1x16xf32>,
    %swap3A_1570 = vector.shape_cast %swap3A_1569 : vector<1x16xf32> to vector<16xf32>
    %swap3A_1571 = vector.shape_cast %div3A_1565 : vector<16xf32> to vector<1x16xf32>
    tpu.vector_store %arg5[%swap3A_1567, %swap3A_1568], %swap3A_1571 {strides = array<i32>} : memref<2x112xf32, #tpu.memory_space<vmem>>, vector<1x16xf32>,
    %div3A_1572 = arith.divf %add3A_1528, %add3A_1557 : vector<16xf32>
    %swap3A_1573 = arith.constant 1 : i32
    %swap3A_1574 = arith.index_cast %swap3A_1573 : i32 to index
    %swap3A_1575 = arith.constant 32 : index
    %swap3A_1576 = tpu.vector_load %arg5[%swap3A_1574, %swap3A_1575] {strides = array<i32>} : memref<2x112xf32, #tpu.memory_space<vmem>>, vector<1x16xf32>,
    %swap3A_1577 = vector.shape_cast %swap3A_1576 : vector<1x16xf32> to vector<16xf32>
    %swap3A_1578 = vector.shape_cast %div3A_1572 : vector<16xf32> to vector<1x16xf32>
    tpu.vector_store %arg5[%swap3A_1574, %swap3A_1575], %swap3A_1578 {strides = array<i32>} : memref<2x112xf32, #tpu.memory_space<vmem>>, vector<1x16xf32>,
    %div3A_1579 = arith.divf %add3A_1534, %add3A_1557 : vector<16xf32>
    %swap3A_1580 = arith.constant 1 : i32
    %swap3A_1581 = arith.index_cast %swap3A_1580 : i32 to index
    %swap3A_1582 = arith.constant 48 : index
    %swap3A_1583 = tpu.vector_load %arg5[%swap3A_1581, %swap3A_1582] {strides = array<i32>} : memref<2x112xf32, #tpu.memory_space<vmem>>, vector<1x16xf32>,
    %swap3A_1584 = vector.shape_cast %swap3A_1583 : vector<1x16xf32> to vector<16xf32>
    %swap3A_1585 = vector.shape_cast %div3A_1579 : vector<16xf32> to vector<1x16xf32>
    tpu.vector_store %arg5[%swap3A_1581, %swap3A_1582], %swap3A_1585 {strides = array<i32>} : memref<2x112xf32, #tpu.memory_space<vmem>>, vector<1x16xf32>,
    %div3A_1586 = arith.divf %add3A_1540, %add3A_1557 : vector<16xf32>
    %swap3A_1587 = arith.constant 1 : i32
    %swap3A_1588 = arith.index_cast %swap3A_1587 : i32 to index
    %swap3A_1589 = arith.constant 64 : index
    %swap3A_1590 = tpu.vector_load %arg5[%swap3A_1588, %swap3A_1589] {strides = array<i32>} : memref<2x112xf32, #tpu.memory_space<vmem>>, vector<1x16xf32>,
    %swap3A_1591 = vector.shape_cast %swap3A_1590 : vector<1x16xf32> to vector<16xf32>
    %swap3A_1592 = vector.shape_cast %div3A_1586 : vector<16xf32> to vector<1x16xf32>
    tpu.vector_store %arg5[%swap3A_1588, %swap3A_1589], %swap3A_1592 {strides = array<i32>} : memref<2x112xf32, #tpu.memory_space<vmem>>, vector<1x16xf32>,
    %div3A_1593 = arith.divf %add3A_1546, %add3A_1557 : vector<16xf32>
    %swap3A_1594 = arith.constant 1 : i32
    %swap3A_1595 = arith.index_cast %swap3A_1594 : i32 to index
    %swap3A_1596 = arith.constant 80 : index
    %swap3A_1597 = tpu.vector_load %arg5[%swap3A_1595, %swap3A_1596] {strides = array<i32>} : memref<2x112xf32, #tpu.memory_space<vmem>>, vector<1x16xf32>,
    %swap3A_1598 = vector.shape_cast %swap3A_1597 : vector<1x16xf32> to vector<16xf32>
    %swap3A_1599 = vector.shape_cast %div3A_1593 : vector<16xf32> to vector<1x16xf32>
    tpu.vector_store %arg5[%swap3A_1595, %swap3A_1596], %swap3A_1599 {strides = array<i32>} : memref<2x112xf32, #tpu.memory_space<vmem>>, vector<1x16xf32>,
    %div3A_1600 = arith.divf %add3A_1552, %add3A_1557 : vector<16xf32>
    %swap3A_1601 = arith.constant 1 : i32
    %swap3A_1602 = arith.index_cast %swap3A_1601 : i32 to index
    %swap3A_1603 = arith.constant 96 : index
    %swap3A_1604 = tpu.vector_load %arg5[%swap3A_1602, %swap3A_1603] {strides = array<i32>} : memref<2x112xf32, #tpu.memory_space<vmem>>, vector<1x16xf32>,
    %swap3A_1605 = vector.shape_cast %swap3A_1604 : vector<1x16xf32> to vector<16xf32>
    %swap3A_1606 = vector.shape_cast %div3A_1600 : vector<16xf32> to vector<1x16xf32>
    tpu.vector_store %arg5[%swap3A_1602, %swap3A_1603], %swap3A_1606 {strides = array<i32>} : memref<2x112xf32, #tpu.memory_space<vmem>>, vector<1x16xf32>,
    "tpu.region"() ({
      %run_scoped3A = tpu.sem_alloc : memref<!tpu.dma_semaphore, #tpu.memory_space<semaphore_mem>>
      %dma_start3A = arith.constant 0 : i32
      %dma_start3A_1607 = tpu.memref_slice %arg3[%mul3A_2, %dma_start3A] : memref<64x112xf32, #tpu.memory_space<hbm>> -> memref<2x112xf32, #tpu.memory_space<hbm>>
      %dma_start3A_1608 = arith.constant 0 : i32
      %dma_start3A_1609 = tpu.memref_slice %arg3[%mul3A_2, %dma_start3A_1608] : memref<64x112xf32, #tpu.memory_space<hbm>> -> memref<2x112xf32, #tpu.memory_space<hbm>>
      tpu.enqueue_dma source(%arg5 : memref<2x112xf32, #tpu.memory_space<vmem>>) target(%dma_start3A_1609 : memref<2x112xf32, #tpu.memory_space<hbm>>) target_semaphore(%run_scoped3A : memref<!tpu.dma_semaphore, #tpu.memory_space<semaphore_mem>>)
      %dma_wait3A = arith.constant 0 : i32
      %dma_wait3A_1610 = tpu.memref_slice %arg3[%mul3A_2, %dma_wait3A] : memref<64x112xf32, #tpu.memory_space<hbm>> -> memref<2x112xf32, #tpu.memory_space<hbm>>
      %dma_wait3A_1611 = arith.constant 0 : i32
      %dma_wait3A_1612 = tpu.memref_slice %arg3[%mul3A_2, %dma_wait3A_1611] : memref<64x112xf32, #tpu.memory_space<hbm>> -> memref<2x112xf32, #tpu.memory_space<hbm>>
      tpu.wait_dma2 semaphore(%run_scoped3A : memref<!tpu.dma_semaphore, #tpu.memory_space<semaphore_mem>>) src(%arg5 : memref<2x112xf32, #tpu.memory_space<vmem>>) dst(%dma_wait3A_1612 : memref<2x112xf32, #tpu.memory_space<hbm>>)
      tpu.yield
    }) : () -> ()
    return
  }
}

module attributes {stable_mosaic.version = 14 : i64} {
  func.func @_combine_kernel(%arg0: i32, %arg1: memref<64x112xf32, #tpu.memory_space<vmem>>, %arg2: memref<100x2x8192xf32, #tpu.memory_space<vmem>>, %arg3: memref<64x2x8192xf32, #tpu.memory_space<vmem>>) attributes {dimension_semantics = [#tpu.dimension_semantics<arbitrary>], iteration_bounds = array<i64: 6>, scalar_prefetch = 0 : i64, scratch_operands = 0 : i64, tpu.core_type = #tpu.core_type<tc>, window_params = [{pipeline_mode = #tpu.pipeline_mode<synchronous>, transform_indices = @transform_0, window_bounds = array<i64: 64, 112>}, {transform_indices = @transform_1, window_bounds = array<i64: 100, 2, 8192>}, {transform_indices = @transform_2, window_bounds = array<i64: 64, 2, 8192>}]} {
    %get3A = arith.constant 0 : index
    %get3A_0 = arith.constant 0 : index
    %get3A_1 = vector.load %arg1[%get3A, %get3A_0] : memref<64x112xf32, #tpu.memory_space<vmem>>, vector<64x100xf32>
    %get3A_2 = arith.constant 0 : index
    %get3A_3 = arith.constant 0 : index
    %get3A_4 = arith.constant 0 : index
    %get3A_5 = vector.load %arg2[%get3A_2, %get3A_3, %get3A_4] : memref<100x2x8192xf32, #tpu.memory_space<vmem>>, vector<100x1x8192xf32>
    %get3A_6 = vector.shape_cast %get3A_5 : vector<100x1x8192xf32> to vector<100x8192xf32>
    %dot_general3A = arith.constant dense<0.000000e+00> : vector<64x8192xf32>
    %dot_general3A_7 = tpu.matmul %get3A_1, %get3A_6, %dot_general3A {dimension_numbers = #tpu.dot_dimension_numbers<[1], [0], [0], [1], [0, 0, 1, 1], [], []>, transpose_lhs_hint = false} : vector<64x100xf32>, vector<100x8192xf32>, vector<64x8192xf32> -> vector<64x8192xf32>
    %swap3A = arith.constant 0 : index
    %swap3A_8 = arith.constant 0 : index
    %swap3A_9 = arith.constant 0 : index
    %swap3A_10 = vector.load %arg3[%swap3A, %swap3A_8, %swap3A_9] : memref<64x2x8192xf32, #tpu.memory_space<vmem>>, vector<64x1x8192xf32>
    %swap3A_11 = vector.shape_cast %swap3A_10 : vector<64x1x8192xf32> to vector<64x8192xf32>
    %swap3A_12 = vector.shape_cast %dot_general3A_7 : vector<64x8192xf32> to vector<64x1x8192xf32>
    tpu.vector_store %arg3[%swap3A, %swap3A_8, %swap3A_9], %swap3A_12 {strides = array<i32>} : memref<64x2x8192xf32, #tpu.memory_space<vmem>>, vector<64x1x8192xf32>,
    %get3A_13 = arith.constant 0 : index
    %get3A_14 = arith.constant 1 : index
    %get3A_15 = arith.constant 0 : index
    %get3A_16 = vector.load %arg2[%get3A_13, %get3A_14, %get3A_15] : memref<100x2x8192xf32, #tpu.memory_space<vmem>>, vector<100x1x8192xf32>
    %get3A_17 = vector.shape_cast %get3A_16 : vector<100x1x8192xf32> to vector<100x8192xf32>
    %dot_general3A_18 = arith.constant dense<0.000000e+00> : vector<64x8192xf32>
    %dot_general3A_19 = tpu.matmul %get3A_1, %get3A_17, %dot_general3A_18 {dimension_numbers = #tpu.dot_dimension_numbers<[1], [0], [0], [1], [0, 0, 1, 1], [], []>, transpose_lhs_hint = false} : vector<64x100xf32>, vector<100x8192xf32>, vector<64x8192xf32> -> vector<64x8192xf32>
    %swap3A_20 = arith.constant 0 : index
    %swap3A_21 = arith.constant 1 : index
    %swap3A_22 = arith.constant 0 : index
    %swap3A_23 = vector.load %arg3[%swap3A_20, %swap3A_21, %swap3A_22] : memref<64x2x8192xf32, #tpu.memory_space<vmem>>, vector<64x1x8192xf32>
    %swap3A_24 = vector.shape_cast %swap3A_23 : vector<64x1x8192xf32> to vector<64x8192xf32>
    %swap3A_25 = vector.shape_cast %dot_general3A_19 : vector<64x8192xf32> to vector<64x1x8192xf32>
    tpu.vector_store %arg3[%swap3A_20, %swap3A_21, %swap3A_22], %swap3A_25 {strides = array<i32>} : memref<64x2x8192xf32, #tpu.memory_space<vmem>>, vector<64x1x8192xf32>,
    return
  }
  func.func @transform_0(%arg0: i32) -> (i32, i32) {
    %c0_i32 = arith.constant 0 : i32
    %c0_i32_0 = arith.constant 0 : i32
    %c0_i32_1 = arith.constant 0 : i32
    return %c0_i32, %c0_i32_0 : i32, i32
  }
  func.func @transform_1(%arg0: i32) -> (i32, i32, i32) {
    %c0_i32 = arith.constant 0 : i32
    %c0_i32_0 = arith.constant 0 : i32
    %c0_i32_1 = arith.constant 0 : i32
    return %c0_i32, %c0_i32_0, %arg0 : i32, i32, i32
  }
  func.func @transform_2(%arg0: i32) -> (i32, i32, i32) {
    %c0_i32 = arith.constant 0 : i32
    %c0_i32_0 = arith.constant 0 : i32
    %c0_i32_1 = arith.constant 0 : i32
    return %c0_i32, %c0_i32_0, %arg0 : i32, i32, i32
  }
}

module attributes {stable_mosaic.version = 14 : i64} {
  func.func @_pooled_kernel(%arg0: memref<64x768xf32, #tpu.memory_space<vmem>>, %arg1: memref<1x4x100x192xf32, #tpu.memory_space<vmem>>, %arg2: memref<1x100xi32, #tpu.memory_space<vmem>>, %arg3: memref<64x112xf32, #tpu.memory_space<vmem>>) attributes {dimension_semantics = [], scalar_prefetch = 0 : i64, scratch_operands = 0 : i64, tpu.core_type = #tpu.core_type<tc>} {
    %get3A = arith.constant 0 : index
    %get3A_0 = arith.constant 0 : index
    %get3A_1 = vector.load %arg0[%get3A, %get3A_0] : memref<64x768xf32, #tpu.memory_space<vmem>>, vector<64x768xf32>
    %get3A_2 = arith.constant 0 : index
    %get3A_3 = arith.constant 0 : index
    %get3A_4 = vector.load %arg2[%get3A_2, %get3A_3] : memref<1x100xi32, #tpu.memory_space<vmem>>, vector<1x100xi32>
    %broadcast_in_dim3A = arith.constant 0.000000e+00 : f32
    %broadcast_in_dim3A_5 = vector.broadcast %broadcast_in_dim3A : f32 to vector<64x100xf32>
    %slice3A = vector.extract_strided_slice %get3A_1 {offsets = [0, 0], sizes = [64, 192], strides = [1, 1]} : vector<64x768xf32> to vector<64x192xf32>
    %mul3A = arith.mulf %slice3A, %slice3A : vector<64x192xf32>
    %reduce_sum3A = arith.constant dense<0.000000e+00> : vector<64xf32>
    %reduce_sum3A_6 = vector.multi_reduction <add>, %mul3A, %reduce_sum3A [1] : vector<64x192xf32> to vector<64xf32>
    %broadcast_in_dim3A_7 = vector.shape_cast %reduce_sum3A_6 : vector<64xf32> to vector<64x1xf32>
    %sqrt3A = math.sqrt %broadcast_in_dim3A_7 : vector<64x1xf32>
    %max3A = arith.constant 9.99999993E-9 : f32
    %max3A_8 = vector.broadcast %max3A : f32 to vector<64x1xf32>
    %max3A_9 = arith.maximumf %sqrt3A, %max3A_8 : vector<64x1xf32>
    %div3A = vector.broadcast %max3A_9 : vector<64x1xf32> to vector<64x192xf32>
    %div3A_10 = arith.divf %slice3A, %div3A : vector<64x192xf32>
    %get3A_11 = arith.constant 0 : index
    %get3A_12 = arith.constant 0 : index
    %get3A_13 = arith.constant 0 : index
    %get3A_14 = arith.constant 0 : index
    %get3A_15 = vector.load %arg1[%get3A_11, %get3A_12, %get3A_13, %get3A_14] : memref<1x4x100x192xf32, #tpu.memory_space<vmem>>, vector<1x1x100x192xf32>
    %get3A_16 = vector.shape_cast %get3A_15 : vector<1x1x100x192xf32> to vector<100x192xf32>
    %mul3A_17 = arith.mulf %get3A_16, %get3A_16 : vector<100x192xf32>
    %reduce_sum3A_18 = arith.constant dense<0.000000e+00> : vector<100xf32>
    %reduce_sum3A_19 = vector.multi_reduction <add>, %mul3A_17, %reduce_sum3A_18 [1] : vector<100x192xf32> to vector<100xf32>
    %broadcast_in_dim3A_20 = vector.shape_cast %reduce_sum3A_19 : vector<100xf32> to vector<100x1xf32>
    %sqrt3A_21 = math.sqrt %broadcast_in_dim3A_20 : vector<100x1xf32>
    %max3A_22 = arith.constant 9.99999993E-9 : f32
    %max3A_23 = vector.broadcast %max3A_22 : f32 to vector<100x1xf32>
    %max3A_24 = arith.maximumf %sqrt3A_21, %max3A_23 : vector<100x1xf32>
    %div3A_25 = vector.broadcast %max3A_24 : vector<100x1xf32> to vector<100x192xf32>
    %div3A_26 = arith.divf %get3A_16, %div3A_25 : vector<100x192xf32>
    %dot_general3A = arith.constant dense<0.000000e+00> : vector<64x100xf32>
    %dot_general3A_27 = tpu.matmul %div3A_10, %div3A_26, %dot_general3A {dimension_numbers = #tpu.dot_dimension_numbers<[1], [1], [0], [0], [0, 0, 1, 0], [], []>, transpose_lhs_hint = false} : vector<64x192xf32>, vector<100x192xf32>, vector<64x100xf32> -> vector<64x100xf32>
    %add3A = arith.addf %broadcast_in_dim3A_5, %dot_general3A_27 : vector<64x100xf32>
    %slice3A_28 = vector.extract_strided_slice %get3A_1 {offsets = [0, 192], sizes = [64, 192], strides = [1, 1]} : vector<64x768xf32> to vector<64x192xf32>
    %mul3A_29 = arith.mulf %slice3A_28, %slice3A_28 : vector<64x192xf32>
    %reduce_sum3A_30 = arith.constant dense<0.000000e+00> : vector<64xf32>
    %reduce_sum3A_31 = vector.multi_reduction <add>, %mul3A_29, %reduce_sum3A_30 [1] : vector<64x192xf32> to vector<64xf32>
    %broadcast_in_dim3A_32 = vector.shape_cast %reduce_sum3A_31 : vector<64xf32> to vector<64x1xf32>
    %sqrt3A_33 = math.sqrt %broadcast_in_dim3A_32 : vector<64x1xf32>
    %max3A_34 = arith.constant 9.99999993E-9 : f32
    %max3A_35 = vector.broadcast %max3A_34 : f32 to vector<64x1xf32>
    %max3A_36 = arith.maximumf %sqrt3A_33, %max3A_35 : vector<64x1xf32>
    %div3A_37 = vector.broadcast %max3A_36 : vector<64x1xf32> to vector<64x192xf32>
    %div3A_38 = arith.divf %slice3A_28, %div3A_37 : vector<64x192xf32>
    %get3A_39 = arith.constant 0 : index
    %get3A_40 = arith.constant 1 : index
    %get3A_41 = arith.constant 0 : index
    %get3A_42 = arith.constant 0 : index
    %get3A_43 = vector.load %arg1[%get3A_39, %get3A_40, %get3A_41, %get3A_42] : memref<1x4x100x192xf32, #tpu.memory_space<vmem>>, vector<1x1x100x192xf32>
    %get3A_44 = vector.shape_cast %get3A_43 : vector<1x1x100x192xf32> to vector<100x192xf32>
    %mul3A_45 = arith.mulf %get3A_44, %get3A_44 : vector<100x192xf32>
    %reduce_sum3A_46 = arith.constant dense<0.000000e+00> : vector<100xf32>
    %reduce_sum3A_47 = vector.multi_reduction <add>, %mul3A_45, %reduce_sum3A_46 [1] : vector<100x192xf32> to vector<100xf32>
    %broadcast_in_dim3A_48 = vector.shape_cast %reduce_sum3A_47 : vector<100xf32> to vector<100x1xf32>
    %sqrt3A_49 = math.sqrt %broadcast_in_dim3A_48 : vector<100x1xf32>
    %max3A_50 = arith.constant 9.99999993E-9 : f32
    %max3A_51 = vector.broadcast %max3A_50 : f32 to vector<100x1xf32>
    %max3A_52 = arith.maximumf %sqrt3A_49, %max3A_51 : vector<100x1xf32>
    %div3A_53 = vector.broadcast %max3A_52 : vector<100x1xf32> to vector<100x192xf32>
    %div3A_54 = arith.divf %get3A_44, %div3A_53 : vector<100x192xf32>
    %dot_general3A_55 = arith.constant dense<0.000000e+00> : vector<64x100xf32>
    %dot_general3A_56 = tpu.matmul %div3A_38, %div3A_54, %dot_general3A_55 {dimension_numbers = #tpu.dot_dimension_numbers<[1], [1], [0], [0], [0, 0, 1, 0], [], []>, transpose_lhs_hint = false} : vector<64x192xf32>, vector<100x192xf32>, vector<64x100xf32> -> vector<64x100xf32>
    %add3A_57 = arith.addf %add3A, %dot_general3A_56 : vector<64x100xf32>
    %slice3A_58 = vector.extract_strided_slice %get3A_1 {offsets = [0, 384], sizes = [64, 192], strides = [1, 1]} : vector<64x768xf32> to vector<64x192xf32>
    %mul3A_59 = arith.mulf %slice3A_58, %slice3A_58 : vector<64x192xf32>
    %reduce_sum3A_60 = arith.constant dense<0.000000e+00> : vector<64xf32>
    %reduce_sum3A_61 = vector.multi_reduction <add>, %mul3A_59, %reduce_sum3A_60 [1] : vector<64x192xf32> to vector<64xf32>
    %broadcast_in_dim3A_62 = vector.shape_cast %reduce_sum3A_61 : vector<64xf32> to vector<64x1xf32>
    %sqrt3A_63 = math.sqrt %broadcast_in_dim3A_62 : vector<64x1xf32>
    %max3A_64 = arith.constant 9.99999993E-9 : f32
    %max3A_65 = vector.broadcast %max3A_64 : f32 to vector<64x1xf32>
    %max3A_66 = arith.maximumf %sqrt3A_63, %max3A_65 : vector<64x1xf32>
    %div3A_67 = vector.broadcast %max3A_66 : vector<64x1xf32> to vector<64x192xf32>
    %div3A_68 = arith.divf %slice3A_58, %div3A_67 : vector<64x192xf32>
    %get3A_69 = arith.constant 0 : index
    %get3A_70 = arith.constant 2 : index
    %get3A_71 = arith.constant 0 : index
    %get3A_72 = arith.constant 0 : index
    %get3A_73 = vector.load %arg1[%get3A_69, %get3A_70, %get3A_71, %get3A_72] : memref<1x4x100x192xf32, #tpu.memory_space<vmem>>, vector<1x1x100x192xf32>
    %get3A_74 = vector.shape_cast %get3A_73 : vector<1x1x100x192xf32> to vector<100x192xf32>
    %mul3A_75 = arith.mulf %get3A_74, %get3A_74 : vector<100x192xf32>
    %reduce_sum3A_76 = arith.constant dense<0.000000e+00> : vector<100xf32>
    %reduce_sum3A_77 = vector.multi_reduction <add>, %mul3A_75, %reduce_sum3A_76 [1] : vector<100x192xf32> to vector<100xf32>
    %broadcast_in_dim3A_78 = vector.shape_cast %reduce_sum3A_77 : vector<100xf32> to vector<100x1xf32>
    %sqrt3A_79 = math.sqrt %broadcast_in_dim3A_78 : vector<100x1xf32>
    %max3A_80 = arith.constant 9.99999993E-9 : f32
    %max3A_81 = vector.broadcast %max3A_80 : f32 to vector<100x1xf32>
    %max3A_82 = arith.maximumf %sqrt3A_79, %max3A_81 : vector<100x1xf32>
    %div3A_83 = vector.broadcast %max3A_82 : vector<100x1xf32> to vector<100x192xf32>
    %div3A_84 = arith.divf %get3A_74, %div3A_83 : vector<100x192xf32>
    %dot_general3A_85 = arith.constant dense<0.000000e+00> : vector<64x100xf32>
    %dot_general3A_86 = tpu.matmul %div3A_68, %div3A_84, %dot_general3A_85 {dimension_numbers = #tpu.dot_dimension_numbers<[1], [1], [0], [0], [0, 0, 1, 0], [], []>, transpose_lhs_hint = false} : vector<64x192xf32>, vector<100x192xf32>, vector<64x100xf32> -> vector<64x100xf32>
    %add3A_87 = arith.addf %add3A_57, %dot_general3A_86 : vector<64x100xf32>
    %slice3A_88 = vector.extract_strided_slice %get3A_1 {offsets = [0, 576], sizes = [64, 192], strides = [1, 1]} : vector<64x768xf32> to vector<64x192xf32>
    %mul3A_89 = arith.mulf %slice3A_88, %slice3A_88 : vector<64x192xf32>
    %reduce_sum3A_90 = arith.constant dense<0.000000e+00> : vector<64xf32>
    %reduce_sum3A_91 = vector.multi_reduction <add>, %mul3A_89, %reduce_sum3A_90 [1] : vector<64x192xf32> to vector<64xf32>
    %broadcast_in_dim3A_92 = vector.shape_cast %reduce_sum3A_91 : vector<64xf32> to vector<64x1xf32>
    %sqrt3A_93 = math.sqrt %broadcast_in_dim3A_92 : vector<64x1xf32>
    %max3A_94 = arith.constant 9.99999993E-9 : f32
    %max3A_95 = vector.broadcast %max3A_94 : f32 to vector<64x1xf32>
    %max3A_96 = arith.maximumf %sqrt3A_93, %max3A_95 : vector<64x1xf32>
    %div3A_97 = vector.broadcast %max3A_96 : vector<64x1xf32> to vector<64x192xf32>
    %div3A_98 = arith.divf %slice3A_88, %div3A_97 : vector<64x192xf32>
    %get3A_99 = arith.constant 0 : index
    %get3A_100 = arith.constant 3 : index
    %get3A_101 = arith.constant 0 : index
    %get3A_102 = arith.constant 0 : index
    %get3A_103 = vector.load %arg1[%get3A_99, %get3A_100, %get3A_101, %get3A_102] : memref<1x4x100x192xf32, #tpu.memory_space<vmem>>, vector<1x1x100x192xf32>
    %get3A_104 = vector.shape_cast %get3A_103 : vector<1x1x100x192xf32> to vector<100x192xf32>
    %mul3A_105 = arith.mulf %get3A_104, %get3A_104 : vector<100x192xf32>
    %reduce_sum3A_106 = arith.constant dense<0.000000e+00> : vector<100xf32>
    %reduce_sum3A_107 = vector.multi_reduction <add>, %mul3A_105, %reduce_sum3A_106 [1] : vector<100x192xf32> to vector<100xf32>
    %broadcast_in_dim3A_108 = vector.shape_cast %reduce_sum3A_107 : vector<100xf32> to vector<100x1xf32>
    %sqrt3A_109 = math.sqrt %broadcast_in_dim3A_108 : vector<100x1xf32>
    %max3A_110 = arith.constant 9.99999993E-9 : f32
    %max3A_111 = vector.broadcast %max3A_110 : f32 to vector<100x1xf32>
    %max3A_112 = arith.maximumf %sqrt3A_109, %max3A_111 : vector<100x1xf32>
    %div3A_113 = vector.broadcast %max3A_112 : vector<100x1xf32> to vector<100x192xf32>
    %div3A_114 = arith.divf %get3A_104, %div3A_113 : vector<100x192xf32>
    %dot_general3A_115 = arith.constant dense<0.000000e+00> : vector<64x100xf32>
    %dot_general3A_116 = tpu.matmul %div3A_98, %div3A_114, %dot_general3A_115 {dimension_numbers = #tpu.dot_dimension_numbers<[1], [1], [0], [0], [0, 0, 1, 0], [], []>, transpose_lhs_hint = false} : vector<64x192xf32>, vector<100x192xf32>, vector<64x100xf32> -> vector<64x100xf32>
    %add3A_117 = arith.addf %add3A_87, %dot_general3A_116 : vector<64x100xf32>
    %mul3A_118 = arith.constant 2.500000e-01 : f32
    %mul3A_119 = vector.broadcast %mul3A_118 : f32 to vector<64x100xf32>
    %mul3A_120 = arith.mulf %add3A_117, %mul3A_119 : vector<64x100xf32>
    %eq3A = arith.constant 0 : i32
    %eq3A_121 = vector.broadcast %eq3A : i32 to vector<1x100xi32>
    %eq3A_122 = arith.cmpi eq, %get3A_4, %eq3A_121 : vector<1x100xi32>
    %jit3A = arith.constant -1.000000e+02 : f32
    %broadcast_in_dim3A_123 = vector.shape_cast %eq3A_122 : vector<1x100xi1> to vector<1x100xi1>
    %broadcast_in_dim3A_124 = vector.broadcast %broadcast_in_dim3A_123 : vector<1x100xi1> to vector<64x100xi1>
    %broadcast_in_dim3A_125 = vector.broadcast %jit3A : f32 to vector<64x100xf32>
    %select_n3A = arith.select %broadcast_in_dim3A_124, %broadcast_in_dim3A_125, %mul3A_120 : vector<64x100xi1>, vector<64x100xf32>
    %broadcast_in_dim3A_126 = arith.constant -1.000000e+30 : f32
    %broadcast_in_dim3A_127 = vector.broadcast %broadcast_in_dim3A_126 : f32 to vector<64x12xf32>
    %concatenate3A = tpu.concatenate %select_n3A, %broadcast_in_dim3A_127 in 1 : vector<64x100xf32>, vector<64x12xf32> -> vector<64x112xf32>
    %swap3A = arith.constant 0 : index
    %swap3A_128 = arith.constant 0 : index
    %swap3A_129 = vector.load %arg3[%swap3A, %swap3A_128] : memref<64x112xf32, #tpu.memory_space<vmem>>, vector<64x112xf32>
    tpu.vector_store %arg3[%swap3A, %swap3A_128], %concatenate3A {strides = array<i32>} : memref<64x112xf32, #tpu.memory_space<vmem>>, vector<64x112xf32>,
    return
  }
}

</mosaic_0001>

<sc_bundles>
// kernel: kernel.5.cloned.1.call-start
scs
__scs_entry_jumppad:
0x0: {  	(pc) =	sbr.rel $0x88, $3  }
0x1: {  	(tag) =	ssettag $0x0;
	lr =	simm.s32 $0x1  }
0x2: {  	[smem:$0x3F9D] =	sst lr;
	_ =	strace $0xD0000000  }
0x3: {  	_ = 	snop  }
0x4: {  	_ = 	snop  }
0x5: {  	_ = 	snop  }
0x6: {  	_ = 	snop  }
0x7: {  	_ = 	snop  }
__scs_overlays_trampoline_lowered:
0x8: {  	[smem:$0x3FAC] =	sst s0  }
0x9: {  	[smem:$0x3FAD] =	sst s1  }
0xa: {  	[smem:$0x3FAE] =	sst s2  }
0xb: {  	[smem:$0x3FAF] =	sst s3  }
0xc: {  	[smem:$0x3FB0] =	sst s4  }
0xd: {  	[smem:$0x3FB1] =	sst s5  }
0xe: {  	[smem:$0x3FB2] =	sst s6  }
0xf: {  	[smem:$0x3FB3] =	sst s7  }
0x10: {  	[smem:$0x3FB4] =	sst s8  }
0x11: {  	[smem:$0x3FB5] =	sst s9;
	s0 =	simm.s32 @!p0 $0x0  }
0x12: {  	s1 =	sld [smem:$0x3F9B];
	s0 =	simm.s32 @p0 $0x1  }
0x13: {  	[smem:$0x3FB6] =	sst s0;
	s0 =	simm.s32 @!p1 $0x0  }
0x14: {  	s2 =	sld [smem:$0x3F9A];
	s0 =	simm.s32 @p1 $0x1  }
0x15: {  	[smem:$0x3FB7] =	sst s0;
	s0 =	simm.s32 @!p2 $0x0  }
0x16: {  	s3 =	sld [smem:$0x3FDB];
	s0 =	simm.s32 @p2 $0x1  }
0x17: {  	s4 =	simm.s32 $0x1BF5;
	[smem:$0x3FB9] =	sst s0  }
0x18: {  	s0 =	sld [smem:$0x3F9C];
	_ =	swait.ge [sflag:s4], $0x0  }
0x19: {  	s7 =	sld [smem:$0x3F9D]  }
0x1a: {  	s8 =	sadd.s32 $0xFFFFE003, lr  }
0x1b: {  	s9 =	sadd.s32 $0xFFFFFEF7, lr;
	s5 =	simm.s32 $0xFFFFFFFF;
	p2 =	slt.u32 s8, $0xFFFFF086  }
0x1c: {  	p1 =	slt.u32 s9, $0xF7A;
	s5 =	simm.s32 @!p2 $0x0  }
0x1d: {  	s5 =	simm.s32 @p1 $0x1;
	p0 =	seq.s32 s7, s2  }
0x1e: {  	s7 =	smul.u32 @!p0 $0xF7A, s2;
	p2 =	seq.s32 @!p0 s5, $0x0  }
0x1f: {  	s9 =	smul.u32 $0xF7A, s1;
	s8 =	simm.s32 @!p0 $0x1BF5;
	p2 =	por !p2, p0  }
0x20: {  	[sflag:s8] =	ssyncset.s32 @!p0 $0xFFFFF086;
	s6 =	sadd.s32 @!p0 s3, s7;
	s7 =	simm.s32 @!p0 $0x108  }
0x21: {  	s3 =	sadd.s32 s3, s9;
	s6 =	sadd.s32 @!p0 $0x88, s6;
	s7 =	simm.s32 @p2 $0x1082  }
0x22: {  	[simem:s7], [sflag:s8] =	dma.local @!p0 [hbm:s6], $0xF7A  }
0x23: {  	s9 =	sor.u32 $0xD0000000, s2;
	s6 =	simm.s32 $0x108;
	_ =	swait.ge @!p0 [sflag:s8], $0x0  }
0x24: {  	s3 =	sadd.s32 $0x88, s3;
	s6 =	simm.s32 @!p1 $0x1082;
	[sflag:s4] =	ssyncset.s32 $0xFFFFF086  }
0x25: {  	[simem:s6], [sflag:s4] =	dma.local [hbm:s3], $0xF7A  }
0x26: {  	[smem:$0x3F9D] =	sst s1;
	(tag) =	ssettag s2;
	_ =	strace s9  }
0x27: {  	s1 =	sld [smem:$0x3FAD]  }
0x28: {  	s2 =	sld [smem:$0x3FAE]  }
0x29: {  	s4 =	sld [smem:$0x3FB0]  }
0x2a: {  	p0 =	seq.s32 s5, $0x0;
	s5 =	sld [smem:$0x3FB1]  }
0x2b: {  	s6 =	sld [smem:$0x3FB2]  }
0x2c: {  	s7 =	sld [smem:$0x3FB3]  }
0x2d: {  	s3 =	simm.s32 $0x108;
	s8 =	sld [smem:$0x3FB4]  }
0x2e: {  	s3 =	simm.s32 @!p0 $0x1082;
	s9 =	sld [smem:$0x3FB5]  }
0x2f: {  	lr =	sadd.s32 s0, s3;
	s0 =	sld [smem:$0x3FAC]  }
0x30: {  	s3 =	sld [smem:$0x3FAF]  }
0x31: {  	[smem:$0x3FB8] =	sst s10  }
0x32: {  	s10 =	sld [smem:$0x3FB6];
	_ =	sdelay $0x3  }
0x33: {  	p0 =	seq.s32 s10, $0x1;
	s10 =	sld [smem:$0x3FB8];
	_ =	sdelay $0x3  }
0x34: {  	[smem:$0x3FB8] =	sst s10  }
0x35: {  	s10 =	sld [smem:$0x3FB7];
	_ =	sdelay $0x3  }
0x36: {  	p1 =	seq.s32 s10, $0x1;
	s10 =	sld [smem:$0x3FB8];
	_ =	sdelay $0x3  }
0x37: {  	[smem:$0x3FB8] =	sst s10  }
0x38: {  	s10 =	sld [smem:$0x3FB9]  }
0x39: {  	_ = 	snop;
	(pc) =	sbr.ind lr, $3  }
0x3a: {  	_ = 	snop  }
0x3b: {  	_ = 	snop  }
0x3c: {  	p2 =	seq.s32 s10, $0x1;
	s10 =	sld [smem:$0x3FB8]  }
0x3d: {  	_ =	shalt  }
0x3e: {  	_ =	shalt  }
0x3f: {  	_ =	shalt  }
0x40: {  	_ =	shalt  }
0x41: {  	_ =	shalt  }
0x42: {  	_ =	shalt  }
0x43: {  	_ =	shalt  }
0x44: {  	_ =	shalt  }
0x45: {  	_ =	shalt  }
0x46: {  	_ =	shalt  }
0x47: {  	_ =	shalt  }
0x48: {  	_ =	shalt  }
0x49: {  	_ =	shalt  }
0x4a: {  	_ =	shalt  }
0x4b: {  	_ =	shalt  }
0x4c: {  	_ =	shalt  }
0x4d: {  	_ =	shalt  }
0x4e: {  	_ =	shalt  }
0x4f: {  	_ =	shalt  }
0x50: {  	_ =	shalt  }
0x51: {  	_ =	shalt  }
0x52: {  	_ =	shalt  }
0x53: {  	_ =	shalt  }
0x54: {  	_ =	shalt  }
0x55: {  	_ =	shalt  }
0x56: {  	_ =	shalt  }
0x57: {  	_ =	shalt  }
0x58: {  	_ =	shalt  }
0x59: {  	_ =	shalt  }
0x5a: {  	_ =	shalt  }
0x5b: {  	_ =	shalt  }
0x5c: {  	_ =	shalt  }
0x5d: {  	_ =	shalt  }
0x5e: {  	_ =	shalt  }
0x5f: {  	_ =	shalt  }
0x60: {  	_ =	shalt  }
0x61: {  	_ =	shalt  }
0x62: {  	_ =	shalt  }
0x63: {  	_ =	shalt  }
0x64: {  	_ =	shalt  }
0x65: {  	_ =	shalt  }
0x66: {  	_ =	shalt  }
0x67: {  	_ =	shalt  }
0x68: {  	_ =	shalt  }
0x69: {  	_ =	shalt  }
0x6a: {  	_ =	shalt  }
0x6b: {  	_ =	shalt  }
0x6c: {  	_ =	shalt  }
0x6d: {  	_ =	shalt  }
0x6e: {  	_ =	shalt  }
0x6f: {  	_ =	shalt  }
0x70: {  	_ =	shalt  }
0x71: {  	_ =	shalt  }
0x72: {  	_ =	shalt  }
0x73: {  	_ =	shalt  }
0x74: {  	_ =	shalt  }
0x75: {  	_ =	shalt  }
0x76: {  	_ =	shalt  }
0x77: {  	_ =	shalt  }
0x78: {  	_ =	shalt  }
0x79: {  	_ =	shalt  }
0x7a: {  	_ =	shalt  }
0x7b: {  	_ =	shalt  }
0x7c: {  	_ =	shalt  }
0x7d: {  	_ =	shalt  }
0x7e: {  	_ =	shalt  }
0x7f: {  	_ =	shalt  }
0x80: {  	_ =	shalt  }
0x81: {  	_ =	shalt  }
0x82: {  	_ =	shalt  }
0x83: {  	_ =	shalt  }
0x84: {  	_ =	shalt  }
0x85: {  	_ =	shalt  }
0x86: {  	_ =	shalt  }
0x87: {  	_ =	shalt  }
.Lfunc_end0:
.L_simem_size_0:
called_computation_lowered:
.L_overlay_start_0:
0x88: {  	s2 =	sld [smem:$0x3FD9]  }
0x89: {  	s3 =	sld [smem:$0x3FFE];
	_ =	sdelay $0x1  }
0x8a: {  	s1 =	srdreg.scid  }
0x8b: {  	s0 =	sand.u32 $0x1, s1  }
0x8c: {  	s17 =	sshll.u32 s0, $0xA;
	s2 =	sadd.s32 s3, s2  }
0x8d: {  	s2 =	sadd.s32 s2, s17  }
0x8e: {  	[smem:$0x3FC4] =	sst s2  }
0x8f: {  	_ = 	snop  }
0x90: {  	s2 =	sld [smem:$0x3FD0];
	(tm) =	ssettm $0x1  }
0x91: {  	s18 =	sld [smem:$0x3FFB];
	_ =	sdelay $0x3  }
0x92: {  	_ =	strace s18  }
0x93: {  	s3 =	sld [smem:$0x3FFC];
	_ =	sdelay $0x3  }
0x94: {  	_ =	strace s3  }
0x95: {  	s3 =	sld [smem:$0x3FFD];
	_ =	sdelay $0x3  }
0x96: {  	_ =	strace s3  }
0x97: {  	_ =	strace $0x8FFFFFFF  }
0x98: {  	s19 =	sld [smem:$0x3FDB];
	_ =	sdelay $0x1  }
0x99: {  	s4 =	simm.s32 $_scs_section_size  }
0x9a: {  	s5 =	simm.s32 $_size__tile_overlayer_lowered;
	s6 =	simm.s32 $_tile_overlayer_lowered  }
0x9b: {  	s22 =	simm.s32 $0x1BFF;
	s21 =	sshll.u32 s6, $0x1;
	s3 =	sadd.s32 s4, s19  }
0x9c: {  	s7 =	simm.s32 $0x0;
	s20 =	sshll.u32 s5, $0x1;
	s5 =	sadd.s32 s21, s3  }
0x9d: {  	[timem:s7], [sflag:s22] =	dma.local [hbm:s5], s20  }
0x9e: {  	_ =	swait.ge [sflag:s22], s20  }
0x9f: {  	s4 =	ssub.s32 $0x0, s20;
	[sflag:s22] =	ssyncset.done $0x0  }
0xa0: {  	[sflag:s22] =	ssyncadd.s32 s4;
	_ =	sdelay $0x1  }
0xa1: {  	s23 =	simm.s32 $0x1B8B  }
0xa2: {  	_ =	swait.ge [sflag:s23], $0x1  }
0xa3: {  	[sflag:s23] =	ssyncset.done $0x0  }
0xa4: {  	s25 =	simm.s32 $0x1B8E;
	s24 =	sld [smem:$0x3FFE];
	[sflag:s23] =	ssyncadd.s32 $0xFFFFFFFF  }
0xa5: {  	s26 =	simm.s32 $execute0_lowered;
	[smem:$0x3FD2] =	sst s25  }
0xa6: {  	s5 =	sshll.u32 s26, $0x1;
	_ =	strace $0x80000046;
	[dreg:$0x1] =	wrdreg $0xFFFFFFFF  }
0xa7: {  	s28 =	simm.s32 $_size_execute0_lowered;
	s3 =	sadd.s32 s3, s5;
	[dreg:$0x0] =	wrdreg $0x0  }
0xa8: {  	s5 =	sshll.u32 s28, $0x1;
	[dreg:$0x2] =	wrdreg s3  }
0xa9: {  	[dreg:$0x3] =	wrdreg s5  }
0xaa: {  	[dreg:$0x4] =	wrdreg $0xC0  }
0xab: {  	_ =	task [dreg:s7], $0x5FFFF  }
0xac: {  	[dreg:$0x1] =	wrdreg $0xFFFFFFFF  }
0xad: {  	[dreg:$0x0] =	wrdreg $0x60  }
0xae: {  	[dreg:$0x2] =	wrdreg s2  }
0xaf: {  	[dreg:$0x3] =	wrdreg s24  }
0xb0: {  	[dreg:$0x4] =	wrdreg $0x9  }
0xb1: {  	_ =	task.clear_ibuf [dreg:s7], $0x5FFFF;
	_ =	strace $0x90000046  }
0xb2: {  	s29 =	simm.s32 $0x9;
	_ =	strace $0x80000048  }
0xb3: {  	_ =	swait.ge [sflag:s29], $0x1  }
0xb4: {  	[sflag:s29] =	ssyncadd.s32 $0xFFFFFFFF  }
0xb5: {  	_ =	strace $0x90000048  }
0xb6: {  	_ =	sfence  }
0xb7: {  	s30 =	sld [smem:$0x0];
	_ =	sdelay $0x2  }
0xb8: {  	s31 =	sshll.u32 s1, $0xD;
	s1 =	sshrl.u32 s1, $0x2  }
0xb9: {  	s3 =	sand.u32 $0x4000, s31;
	s1 =	sadd.s32 s1, s30  }
0xba: {  	s0 =	sor.u32 s3, s0;
	s1 =	sshll.u32 s1, $0x11  }
0xbb: {  	s0 =	sor.u32 s1, s0  }
0xbc: {  	s0 =	sadd.s32 $0x8F2B, s0  }
0xbd: {  	[sflag:s0] =	ssyncadd.remote.s32 $0x1  }
0xbe: {  	_ =	sfence.sel $0xFFFF  }
0xbf: {  	[dreg:$0x0] =	wrdreg $0xFFFFFFFF;
	(pc) =	sbr.abs _section_cstart, $3  }
0xc0: {  	[dreg:$0x1] =	wrdreg $0xFFFFFFFF  }
0xc1: {  	_ =	task.clear_ibuf [dreg:s7], $0x2FFFF;
	_ =	strace $0x9FFFFFFF  }
0xc2: {  	(tm) =	ssettm $0x7FFFFFFF  }
0xc3: {  	_ =	shalt  }
tec
execute0_lowered:
.L_overlay_start_1:
0x0: {  	(tag) =	ssettag $0x1  }
0x1: {  	v0 =	vimm.s32 $0xEFCDAB89  }
0x2: {  	v1 =	vimm.s32 $0x67452301;
	v2 =	vimm.s32 $0xDCFE98BA;
	v3 =	vimm.s32 $0x54761032  }
0x3: {  	v4 =	vimm.s32 $0xBA98FEDC;
	v5 =	vimm.s32 $0x32107654;
	v6 =	vimm.s32 $0xFEDCBA98  }
0x4: {  	v7 =	vimm.s32 $0x76543210;
	v0 =	vunpack.c.l.s4.s8 v0;
	v1 =	vunpack.c.l.s4.s8 v1  }
0x5: {  	v2 =	vunpack.c.l.s4.s8 v2;
	v3 =	vunpack.c.l.s4.s8 v3;
	v4 =	vunpack.c.l.s4.s8 v4  }
0x6: {  	v5 =	vunpack.c.l.s4.s8 v5;
	v6 =	vunpack.c.l.s4.s8 v6;
	v0 =	vunpack.c.0.s8.s32 v0  }
0x7: {  	s3 =	rddreg [dreg:$0x0];
	v1 =	vunpack.c.0.s8.s32 v1;
	v2 =	vunpack.c.0.s8.s32 v2;
	v3 =	vunpack.c.0.s8.s32 v3  }
0x8: {  	s4 =	rddreg [dreg:$0x1];
	s2 =	srdreg.scid;
	v7 =	vunpack.c.l.s4.s8 v7;
	v4 =	vunpack.c.0.s8.s32 v4;
	v5 =	vunpack.c.0.s8.s32 v5  }
0x9: {  	s0 =	rddreg [dreg:$0x2];
	s1 =	stileid.u32;
	s5 =	sand.u32 $0x1, s2;
	v0 =	vcombine.low v1, v0;
	v1 =	vcombine.low v3, v2;
	v2 =	vunpack.c.0.s8.s32 v6  }
0xa: {  	s2 =	simm.s32 $0x0;
	s6 =	sshll.u32 s1, $0x6;
	s7 =	sshll.u32 s5, $0x5;
	v3 =	vcombine.low v5, v4;
	v4 =	vunpack.c.0.s8.s32 v7  }
0xb: {  	[smem:$0x7FF] =	sst s2;
	s5 =	ssub.s32 $0x2, s5;
	s6 =	sor.u32 s7, s6;
	v39 =	vand.u32 $0xF, v0;
	v1 =	vand.u32 $0xF, v1;
	v5 =	vand.u32 $0xF, v2  }
0xc: {  	_ =	strace $0x80000047;
	s31 =	sshrl.u32 s5, $0x1;
	s7 =	simm.s32 $0x100;
	v2 =	vand.u32 $0xF, v3;
	v0 =	vlaneseq.u32;
	v3 =	vcombine.low v5, v4  }
0xd: {  	s4 =	sadd.s32 s6, s4;
	s5 =	ssub.s32 s5, s31;
	s3 =	sadd.s32 s3, s6;
	v5 =	vor.u32 $0x60, v0;
	v6 =	vor.u32 $0x50, v0;
	v7 =	vor.u32 $0x40, v0  }
0xe: {  	s6 =	simm.s32 $0x1;
	s4 =	sadd.s32 $0xC00, s4;
	s5 =	smax.u32 s5, $0x1;
	v8 =	vor.u32 $0x30, v0;
	v9 =	vor.u32 $0x20, v0;
	v10 =	vor.u32 $0x10, v0  }
.LBB2_1:
0xf: {  	[tilespmem:s2], [sflag:$0x1] =	stream.linear.gather [hbm4b:s3+s2], $0x100, $0x38;
	[tilespmem:$0x200] =	vst v63  }
0x10: {  	_ =	swait.ge [sflag:s6], $0x100  }
0x11: {  	[sflag:s6] =	ssyncset.done $0x0  }
0x12: {  	[sflag:s6] =	ssyncadd.s32 $0xFFFFFF00  }
0x13: {  	v11 =	vld [tilespmem:$0x0]  }
0x14: {  	v12 =	vld [tilespmem:$0x10]  }
0x15: {  	v13 =	vld [tilespmem:$0x20]  }
0x16: {  	v15 =	vld [tilespmem:$0x30]  }
0x17: {  	v16 =	vld [tilespmem:$0x40]  }
0x18: {  	v17 =	vld [tilespmem:$0x50]  }
0x19: {  	v18 =	vld [tilespmem:$0x60];
	v14 =	vmax.f32 v11, v12  }
0x1a: {  	v14 =	vmax.f32 v14, v13  }
0x1b: {  	v14 =	vmax.f32 v14, v15  }
0x1c: {  	v14 =	vmax.f32 v14, v16  }
0x1d: {  	v14 =	vmax.f32 v14, v17  }
0x1e: {  	v14 =	vmax.f32 v14, v18  }
0x1f: {  	v19 =	vperm.xlane v14, v39;
	_ =	sdelay $0x1  }
0x20: {  	v14 =	vmax.f32 v14, v19  }
0x21: {  	v19 =	vperm.xlane v14, v1;
	_ =	sdelay $0x1  }
0x22: {  	v14 =	vmax.f32 v14, v19  }
0x23: {  	v19 =	vperm.xlane v14, v2;
	_ =	sdelay $0x1  }
0x24: {  	v14 =	vmax.f32 v14, v19  }
0x25: {  	v19 =	vperm.xlane v14, v3;
	_ =	sdelay $0x1  }
0x26: {  	v14 =	vmax.f32 v14, v19  }
0x27: {  	vm0 =	veq.f32 v18, v14  }
0x28: {  	vm1 =	veq.f32 v17, v14;
	v33 =	vnsel vm0, $0x70, v5  }
0x29: {  	vm7 =	veq.f32 v16, v14;
	v19 =	vsel vm1, v6, v33  }
0x2a: {  	vm8 =	veq.f32 v15, v14;
	v19 =	vsel vm7, v7, v19  }
0x2b: {  	vm9 =	veq.f32 v13, v14;
	v19 =	vsel vm8, v8, v19  }
0x2c: {  	vm10 =	veq.f32 v12, v14;
	v19 =	vsel vm9, v9, v19  }
0x2d: {  	v0 =	vlaneseq.u32;
	vm11 =	veq.f32 v11, v14;
	v19 =	vsel vm10, v10, v19  }
0x2e: {  	v19 =	vsel vm11, v0, v19  }
0x2f: {  	v20 =	vperm.xlane v19, v39;
	_ =	sdelay $0x1  }
0x30: {  	vm0 =	vlt.s32 v19, v20  }
0x31: {  	v19 =	vsel vm0, v19, v20  }
0x32: {  	v20 =	vperm.xlane v19, v1;
	_ =	sdelay $0x1  }
0x33: {  	vm0 =	vlt.s32 v19, v20  }
0x34: {  	v19 =	vsel vm0, v19, v20  }
0x35: {  	v20 =	vperm.xlane v19, v2;
	_ =	sdelay $0x1  }
0x36: {  	vm0 =	vlt.s32 v19, v20  }
0x37: {  	v19 =	vsel vm0, v19, v20  }
0x38: {  	v20 =	vperm.xlane v19, v3;
	_ =	sdelay $0x1  }
0x39: {  	vm0 =	vlt.s32 v19, v20  }
0x3a: {  	v19 =	vsel vm0, v19, v20  }
0x3b: {  	vm11 =	veq.s32 v19, v0;
	vm0 =	veq.s32 v19, v10  }
0x3c: {  	vm14 =	veq.s32 v19, v9;
	v34 =	vsel vm11, $0xFF800000, v11;
	v21 =	vsel vm0, $0xFF800000, v12  }
0x3d: {  	vm12 =	veq.s32 v19, v8;
	v13 =	vsel vm14, $0xFF800000, v13;
	v11 =	vmax.f32 v34, v21  }
0x3e: {  	vm13 =	veq.s32 v19, v7;
	v15 =	vsel vm12, $0xFF800000, v15;
	v11 =	vmax.f32 v11, v13  }
0x3f: {  	vm15 =	veq.s32 v19, v6;
	v16 =	vsel vm13, $0xFF800000, v16;
	v11 =	vmax.f32 v11, v15  }
0x40: {  	vm4 =	veq.s32 v19, v5;
	v17 =	vsel vm15, $0xFF800000, v17;
	v11 =	vmax.f32 v11, v16  }
0x41: {  	v18 =	vsel vm4, $0xFF800000, v18;
	v11 =	vmax.f32 v11, v17  }
0x42: {  	v36 =	vld [tilespmem:$0x80];
	v11 =	vmax.f32 v11, v18  }
0x43: {  	v22 =	vld [tilespmem:$0x90];
	v35 =	vperm.xlane v11, v39  }
0x44: {  	v23 =	vld [tilespmem:$0xA0]  }
0x45: {  	v24 =	vld [tilespmem:$0xB0];
	v11 =	vmax.f32 v11, v35  }
0x46: {  	v25 =	vld [tilespmem:$0xC0];
	v12 =	vperm.xlane v11, v1  }
0x47: {  	v26 =	vld [tilespmem:$0xD0]  }
0x48: {  	v27 =	vld [tilespmem:$0xE0];
	v28 =	vmax.f32 v36, v22;
	v11 =	vmax.f32 v11, v12  }
0x49: {  	v28 =	vmax.f32 v28, v23;
	v12 =	vperm.xlane v11, v2  }
0x4a: {  	v37 =	vmax.f32 v28, v24  }
0x4b: {  	v11 =	vmax.f32 v11, v12;
	v12 =	vmax.f32 v37, v25  }
0x4c: {  	v38 =	vperm.xlane v11, v3;
	v12 =	vmax.f32 v12, v26  }
0x4d: {  	v12 =	vmax.f32 v12, v27  }
0x4e: {  	v4 =	vimm.s32 $0x0;
	v11 =	vmax.f32 v11, v38;
	v40 =	vperm.xlane v12, v39  }
0x4f: {  	v4 =	vsel vm0, $0xFFFFFFFF, v4;
	vm0 =	veq.f32 v18, v11  }
0x50: {  	vm5 =	veq.f32 v17, v11;
	v29 =	vnsel vm0, $0x70, v5;
	v12 =	vmax.f32 v12, v40  }
0x51: {  	vm6 =	veq.f32 v16, v11;
	v29 =	vsel vm5, v6, v29;
	v42 =	vperm.xlane v12, v1  }
0x52: {  	[tilespmem:$0x1FD50] =	vst v4;
	v4 =	vimm.s32 $0x0;
	vm7 =	veq.f32 v15, v11;
	v41 =	vsel vm6, v7, v29  }
0x53: {  	vm8 =	veq.f32 v13, v11;
	v28 =	vsel vm7, v8, v41;
	v12 =	vmax.f32 v12, v42  }
0x54: {  	vm9 =	veq.f32 v21, v11;
	v28 =	vsel vm8, v9, v28;
	v29 =	vperm.xlane v12, v2  }
0x55: {  	v4 =	vsel vm12, $0xFFFFFFFF, v4;
	vm10 =	veq.f32 v34, v11;
	v28 =	vsel vm9, v10, v28  }
0x56: {  	[tilespmem:$0x1FD60] =	vst v4;
	v4 =	vimm.s32 $0x0;
	v28 =	vsel vm10, v0, v28;
	v12 =	vmax.f32 v12, v29  }
0x57: {  	v4 =	vsel vm13, $0xFFFFFFFF, v4;
	v30 =	vperm.xlane v28, v39;
	v29 =	vperm.xlane v12, v3  }
0x58: {  	[tilespmem:$0x1FD70] =	vst v4;
	v4 =	vimm.s32 $0x0  }
0x59: {  	v4 =	vsel vm15, $0xFFFFFFFF, v4;
	vm0 =	vlt.s32 v28, v30;
	v12 =	vmax.f32 v12, v29  }
0x5a: {  	[tilespmem:$0x1FD80] =	vst v4;
	v4 =	vimm.s32 $0x0;
	v28 =	vsel vm0, v28, v30;
	vm12 =	veq.f32 v27, v12  }
0x5b: {  	vm13 =	veq.f32 v26, v12;
	v43 =	vperm.xlane v28, v1;
	v44 =	vnsel vm12, $0x70, v5  }
0x5c: {  	v4 =	vsel vm4, $0xFFFFFFFF, v4;
	vm2 =	veq.f32 v25, v12;
	v30 =	vsel vm13, v6, v44  }
0x5d: {  	vm4 =	veq.f32 v24, v12;
	vm15 =	vlt.s32 v28, v43;
	v45 =	vsel vm2, v7, v30  }
0x5e: {  	vm5 =	veq.f32 v23, v12;
	v28 =	vsel vm15, v28, v43;
	v29 =	vsel vm4, v8, v45  }
0x5f: {  	vm6 =	veq.f32 v22, v12;
	v46 =	vperm.xlane v28, v2;
	v29 =	vsel vm5, v9, v29  }
0x60: {  	vm8 =	veq.f32 v36, v12;
	v29 =	vsel vm6, v10, v29  }
0x61: {  	vm7 =	vlt.s32 v28, v46;
	v29 =	vsel vm8, v0, v29  }
0x62: {  	v28 =	vsel vm7, v28, v46;
	v31 =	vperm.xlane v29, v39  }
0x63: {  	v30 =	vperm.xlane v28, v3  }
0x64: {  	vm10 =	vlt.s32 v29, v31  }
0x65: {  	vm9 =	vlt.s32 v28, v30;
	v29 =	vsel vm10, v29, v31  }
0x66: {  	[tilespmem:$0x1FD90] =	vst v4;
	v4 =	vimm.s32 $0x0;
	v28 =	vsel vm9, v28, v30;
	v47 =	vperm.xlane v29, v1  }
0x67: {  	vm0 =	veq.s32 v28, v0;
	vm12 =	veq.s32 v28, v10;
	vm13 =	veq.s32 v28, v9  }
0x68: {  	vm15 =	veq.s32 v28, v8;
	vm5 =	veq.s32 v28, v7;
	vm6 =	veq.s32 v28, v6  }
0x69: {  	vm8 =	veq.s32 v28, v5;
	v4 =	vsel vm0, $0xFFFFFFFF, v4;
	v20 =	vsel vm0, $0xFF800000, v34  }
0x6a: {  	v21 =	vsel vm12, $0xFF800000, v21;
	vm4 =	vlt.s32 v29, v47;
	v48 =	vsel vm13, $0xFF800000, v13  }
0x6b: {  	v32 =	vsel vm15, $0xFF800000, v15;
	v16 =	vsel vm5, $0xFF800000, v16;
	v17 =	vsel vm6, $0xFF800000, v17  }
0x6c: {  	[tilespmem:$0x1FDA0] =	vst v4;
	v4 =	vimm.s32 $0x0;
	v49 =	vsel vm4, v29, v47;
	v50 =	vmax.f32 v20, v21  }
0x6d: {  	v4 =	vsel vm12, $0xFFFFFFFF, v4;
	v29 =	vperm.xlane v49, v2;
	v15 =	vmax.f32 v50, v48  }
0x6e: {  	v18 =	vsel vm8, $0xFF800000, v18;
	[tilespmem:$0x1FDB0] =	vst v4;
	v4 =	vimm.s32 $0x0;
	v15 =	vmax.f32 v15, v32  }
0x6f: {  	v4 =	vsel vm13, $0xFFFFFFFF, v4;
	vm7 =	vlt.s32 v49, v29;
	v15 =	vmax.f32 v15, v16  }
0x70: {  	[tilespmem:$0x1FDC0] =	vst v4;
	v4 =	vimm.s32 $0x0;
	v13 =	vsel vm7, v49, v29;
	v15 =	vmax.f32 v15, v17  }
0x71: {  	v4 =	vsel vm15, $0xFFFFFFFF, v4;
	v51 =	vperm.xlane v13, v3;
	v15 =	vmax.f32 v15, v18  }
0x72: {  	[tilespmem:$0x1FDD0] =	vst v4;
	v4 =	vimm.s32 $0x0;
	v52 =	vperm.xlane v15, v39  }
0x73: {  	v4 =	vsel vm5, $0xFFFFFFFF, v4;
	vm0 =	vlt.s32 v13, v51  }
0x74: {  	[tilespmem:$0x1FDE0] =	vst v4;
	v4 =	vimm.s32 $0x0;
	v13 =	vsel vm0, v13, v51;
	v15 =	vmax.f32 v15, v52  }
0x75: {  	v4 =	vsel vm6, $0xFFFFFFFF, v4;
	vm9 =	veq.s32 v13, v0;
	vm0 =	veq.s32 v13, v10  }
0x76: {  	vm10 =	veq.s32 v13, v9;
	vm12 =	veq.s32 v13, v8;
	vm13 =	veq.s32 v13, v7  }
0x77: {  	vm15 =	veq.s32 v13, v6;
	vm4 =	veq.s32 v13, v5;
	v54 =	vperm.xlane v15, v1  }
0x78: {  	[tilespmem:$0x1FDF0] =	vst v4;
	v4 =	vimm.s32 $0x0;
	v19 =	vsel vm9, $0xFF800000, v36;
	v22 =	vsel vm0, $0xFF800000, v22  }
0x79: {  	v23 =	vsel vm10, $0xFF800000, v23;
	v4 =	vsel vm8, $0xFFFFFFFF, v4;
	v53 =	vmax.f32 v19, v22  }
0x7a: {  	v24 =	vsel vm12, $0xFF800000, v24;
	[tilespmem:$0x1FE00] =	vst v4;
	v4 =	vimm.s32 $0x0;
	v28 =	vmax.f32 v53, v23  }
0x7b: {  	v25 =	vsel vm13, $0xFF800000, v25;
	v4 =	vsel vm9, $0xFFFFFFFF, v4;
	v28 =	vmax.f32 v28, v24  }
0x7c: {  	v26 =	vsel vm15, $0xFF800000, v26;
	[tilespmem:$0x1FE40] =	vst v4;
	v4 =	vimm.s32 $0x0;
	v28 =	vmax.f32 v28, v25  }
0x7d: {  	v27 =	vsel vm4, $0xFF800000, v27;
	v4 =	vsel vm0, $0xFFFFFFFF, v4;
	v28 =	vmax.f32 v28, v26  }
0x7e: {  	v13 =	vmax.f32 v15, v54;
	[tilespmem:$0x1FE50] =	vst v4;
	v4 =	vimm.s32 $0x0;
	v28 =	vmax.f32 v28, v27  }
0x7f: {  	v56 =	vperm.xlane v13, v2;
	v4 =	vsel vm10, $0xFFFFFFFF, v4;
	v55 =	vperm.xlane v28, v39  }
0x80: {  	[tilespmem:$0x1FE60] =	vst v4;
	v4 =	vimm.s32 $0x0  }
0x81: {  	v13 =	vmax.f32 v13, v56;
	v4 =	vsel vm12, $0xFFFFFFFF, v4;
	v15 =	vmax.f32 v28, v55  }
0x82: {  	v29 =	vperm.xlane v13, v3;
	[tilespmem:$0x1FE70] =	vst v4;
	v4 =	vimm.s32 $0x0;
	v28 =	vperm.xlane v15, v1  }
0x83: {  	v4 =	vsel vm13, $0xFFFFFFFF, v4  }
0x84: {  	[tilespmem:$0x1FE80] =	vst v4;
	v4 =	vimm.s32 $0x0;
	v28 =	vmax.f32 v15, v28;
	v15 =	vmax.f32 v13, v29  }
0x85: {  	v4 =	vsel vm15, $0xFFFFFFFF, v4;
	v57 =	vperm.xlane v28, v2;
	vm5 =	veq.f32 v18, v15  }
0x86: {  	vm6 =	veq.f32 v17, v15;
	vm7 =	veq.f32 v16, v15;
	v58 =	vnsel vm5, $0x70, v5  }
0x87: {  	vm8 =	veq.f32 v32, v15;
	v13 =	vmax.f32 v28, v57;
	v59 =	vsel vm6, v6, v58  }
0x88: {  	vm9 =	veq.f32 v48, v15;
	v60 =	vperm.xlane v13, v3;
	v28 =	vsel vm7, v7, v59  }
0x89: {  	vm10 =	veq.f32 v21, v15;
	vm15 =	veq.f32 v20, v15;
	v28 =	vsel vm8, v8, v28  }
0x8a: {  	[tilespmem:$0x1FE90] =	vst v4;
	v4 =	vimm.s32 $0x0;
	v13 =	vmax.f32 v13, v60;
	v28 =	vsel vm9, v9, v28  }
0x8b: {  	v4 =	vsel vm4, $0xFFFFFFFF, v4;
	vm12 =	veq.f32 v27, v13;
	v28 =	vsel vm10, v10, v28  }
0x8c: {  	vm13 =	veq.f32 v26, v13;
	v61 =	vnsel vm12, $0x70, v5;
	v28 =	vsel vm15, v0, v28  }
0x8d: {  	vm4 =	veq.f32 v25, v13;
	v29 =	vsel vm13, v6, v61;
	v62 =	vperm.xlane v28, v39  }
0x8e: {  	vm5 =	veq.f32 v24, v13;
	v29 =	vsel vm4, v7, v29  }
0x8f: {  	vm6 =	veq.f32 v23, v13;
	v29 =	vsel vm5, v8, v29;
	vm8 =	vlt.s32 v28, v62  }
0x90: {  	vm7 =	veq.f32 v22, v13;
	v29 =	vsel vm6, v9, v29;
	v28 =	vsel vm8, v28, v62  }
0x91: {  	vm9 =	veq.f32 v19, v13;
	v29 =	vsel vm7, v10, v29;
	v30 =	vperm.xlane v28, v1  }
0x92: {  	v29 =	vsel vm9, v0, v29  }
0x93: {  	v33 =	vperm.xlane v29, v39;
	vm0 =	vlt.s32 v28, v30  }
0x94: {  	v28 =	vsel vm0, v28, v30  }
0x95: {  	vm1 =	vlt.s32 v29, v33;
	v30 =	vperm.xlane v28, v2  }
0x96: {  	v29 =	vsel vm1, v29, v33  }
0x97: {  	v33 =	vperm.xlane v29, v1;
	vm0 =	vlt.s32 v28, v30  }
0x98: {  	v28 =	vsel vm0, v28, v30  }
0x99: {  	vm1 =	vlt.s32 v29, v33;
	v30 =	vperm.xlane v28, v3  }
0x9a: {  	v29 =	vsel vm1, v29, v33  }
0x9b: {  	v33 =	vperm.xlane v29, v2;
	vm0 =	vlt.s32 v28, v30  }
0x9c: {  	v28 =	vsel vm0, v28, v30  }
0x9d: {  	[tilespmem:$0x1FEA0] =	vst v4;
	v4 =	vimm.s32 $0x0;
	vm1 =	vlt.s32 v29, v33;
	vm13 =	veq.s32 v28, v0  }
0x9e: {  	vm15 =	veq.s32 v28, v10;
	vm0 =	veq.s32 v28, v9;
	vm10 =	veq.s32 v28, v8  }
0x9f: {  	vm12 =	veq.s32 v28, v7;
	vm9 =	veq.s32 v28, v6;
	vm8 =	veq.s32 v28, v5  }
0xa0: {  	v29 =	vsel vm1, v29, v33;
	v4 =	vsel vm0, $0xFFFFFFFF, v4;
	v20 =	vsel vm13, $0xFF800000, v20  }
0xa1: {  	v21 =	vsel vm15, $0xFF800000, v21;
	v63 =	vsel vm0, $0xFF800000, v48;
	v32 =	vsel vm10, $0xFF800000, v32  }
0xa2: {  	v37 =	vsel vm12, $0xFF800000, v16;
	v34 =	vsel vm9, $0xFF800000, v17;
	v36 =	vmax.f32 v20, v21  }
0xa3: {  	[tilespmem:$0x1FE10] =	vst v4;
	v4 =	vimm.s32 $0x0;
	v40 =	vperm.xlane v29, v3;
	v38 =	vmax.f32 v36, v63  }
0xa4: {  	v18 =	vsel vm8, $0xFF800000, v18;
	v4 =	vsel vm10, $0xFFFFFFFF, v4;
	v16 =	vmax.f32 v38, v32  }
0xa5: {  	[tilespmem:$0x1FE20] =	vst v4;
	v4 =	vimm.s32 $0x0;
	vm4 =	vlt.s32 v29, v40;
	v16 =	vmax.f32 v16, v37  }
0xa6: {  	v4 =	vsel vm12, $0xFFFFFFFF, v4;
	v41 =	vsel vm4, v29, v40;
	v16 =	vmax.f32 v16, v34  }
0xa7: {  	vm5 =	veq.s32 v41, v0;
	v0 =	vimm.s32 $0x0;
	vm0 =	veq.s32 v41, v10  }
0xa8: {  	vm6 =	veq.s32 v41, v9;
	vm7 =	veq.s32 v41, v8;
	vm10 =	veq.s32 v41, v7  }
0xa9: {  	vm12 =	veq.s32 v41, v6;
	vm4 =	veq.s32 v41, v5;
	v16 =	vmax.f32 v16, v18  }
0xaa: {  	v0 =	vsel vm5, $0xFFFFFFFF, v0;
	v19 =	vsel vm5, $0xFF800000, v19;
	v22 =	vsel vm0, $0xFF800000, v22  }
0xab: {  	v23 =	vsel vm6, $0xFF800000, v23;
	v24 =	vsel vm7, $0xFF800000, v24;
	v43 =	vmax.f32 v19, v22  }
0xac: {  	v25 =	vsel vm10, $0xFF800000, v25;
	v26 =	vsel vm12, $0xFF800000, v26;
	v29 =	vmax.f32 v43, v23  }
0xad: {  	v42 =	vperm.xlane v16, v39;
	[tilespmem:$0x1FEB0] =	vst v0;
	v0 =	vimm.s32 $0x0;
	v29 =	vmax.f32 v29, v24  }
0xae: {  	v27 =	vsel vm4, $0xFF800000, v27;
	v0 =	vsel vm0, $0xFFFFFFFF, v0;
	v29 =	vmax.f32 v29, v25  }
0xaf: {  	[tilespmem:$0x1FEC0] =	vst v0;
	v0 =	vimm.s32 $0x0;
	v16 =	vmax.f32 v16, v42;
	v44 =	vmax.f32 v29, v26  }
0xb0: {  	v0 =	vsel vm6, $0xFFFFFFFF, v0;
	v28 =	vperm.xlane v16, v1;
	v17 =	vmax.f32 v44, v27  }
0xb1: {  	[tilespmem:$0x1FED0] =	vst v0;
	v0 =	vimm.s32 $0x0;
	v45 =	vperm.xlane v17, v39  }
0xb2: {  	v0 =	vsel vm7, $0xFFFFFFFF, v0;
	v16 =	vmax.f32 v16, v28  }
0xb3: {  	[tilespmem:$0x1FF10] =	vst v0;
	v0 =	vimm.s32 $0x0;
	v28 =	vperm.xlane v16, v2;
	v17 =	vmax.f32 v17, v45  }
0xb4: {  	v0 =	vsel vm10, $0xFFFFFFFF, v0;
	v29 =	vperm.xlane v17, v1  }
0xb5: {  	[tilespmem:$0x1FF70] =	vst v0;
	v0 =	vimm.s32 $0x0;
	v16 =	vmax.f32 v16, v28  }
0xb6: {  	v0 =	vsel vm12, $0xFFFFFFFF, v0;
	v28 =	vperm.xlane v16, v3;
	v29 =	vmax.f32 v17, v29  }
0xb7: {  	[tilespmem:$0x1FF90] =	vst v0;
	v0 =	vimm.s32 $0x0;
	v46 =	vperm.xlane v29, v2  }
0xb8: {  	v0 =	vsel vm4, $0xFFFFFFFF, v0;
	v17 =	vmax.f32 v16, v28  }
0xb9: {  	vm5 =	veq.f32 v18, v17;
	vm6 =	veq.f32 v34, v17;
	v47 =	vmax.f32 v29, v46  }
0xba: {  	vm7 =	veq.f32 v37, v17;
	v48 =	vnsel vm5, $0x70, v5;
	v29 =	vperm.xlane v47, v3  }
0xbb: {  	vm10 =	veq.f32 v32, v17;
	vm4 =	veq.f32 v63, v17;
	v28 =	vsel vm6, v6, v48  }
0xbc: {  	[tilespmem:$0x1FFA0] =	vst v0;
	v0 =	vlaneseq.u32;
	v28 =	vsel vm7, v7, v28;
	v16 =	vmax.f32 v47, v29  }
0xbd: {  	vm7 =	veq.f32 v21, v17;
	v28 =	vsel vm10, v8, v28;
	vm12 =	veq.f32 v27, v16  }
0xbe: {  	v28 =	vsel vm4, v9, v28;
	vm5 =	veq.f32 v26, v16;
	v49 =	vnsel vm12, $0x70, v5  }
0xbf: {  	vm4 =	veq.f32 v20, v17;
	vm6 =	veq.f32 v25, v16;
	v29 =	vsel vm5, v6, v49  }
0xc0: {  	vm10 =	veq.f32 v24, v16;
	v28 =	vsel vm7, v10, v28;
	v29 =	vsel vm6, v7, v29  }
0xc1: {  	vm12 =	veq.f32 v23, v16;
	v28 =	vsel vm4, v0, v28;
	v29 =	vsel vm10, v8, v29  }
0xc2: {  	vm5 =	veq.f32 v22, v16;
	v50 =	vperm.xlane v28, v39;
	v29 =	vsel vm12, v9, v29  }
0xc3: {  	vm6 =	veq.f32 v19, v16;
	v29 =	vsel vm5, v10, v29  }
0xc4: {  	vm7 =	vlt.s32 v28, v50;
	v29 =	vsel vm6, v0, v29  }
0xc5: {  	v28 =	vsel vm7, v28, v50;
	v35 =	vperm.xlane v29, v39  }
0xc6: {  	v31 =	vperm.xlane v28, v1  }
0xc7: {  	vm10 =	vlt.s32 v29, v35  }
0xc8: {  	vm12 =	vlt.s32 v28, v31;
	v29 =	vsel vm10, v29, v35  }
0xc9: {  	v28 =	vsel vm12, v28, v31;
	v35 =	vperm.xlane v29, v1  }
0xca: {  	v31 =	vperm.xlane v28, v2  }
0xcb: {  	vm4 =	vlt.s32 v29, v35  }
0xcc: {  	vm5 =	vlt.s32 v28, v31;
	v29 =	vsel vm4, v29, v35  }
0xcd: {  	v28 =	vsel vm5, v28, v31;
	v35 =	vperm.xlane v29, v2  }
0xce: {  	v31 =	vperm.xlane v28, v3  }
0xcf: {  	vm6 =	vlt.s32 v29, v35  }
0xd0: {  	vm7 =	vlt.s32 v28, v31;
	v29 =	vsel vm6, v29, v35  }
0xd1: {  	v0 =	vlaneseq.u32;
	v28 =	vsel vm7, v28, v31;
	v35 =	vperm.xlane v29, v3  }
0xd2: {  	vm2 =	veq.s32 v28, v0;
	vm3 =	veq.s32 v28, v10;
	vm4 =	veq.s32 v28, v9  }
0xd3: {  	vm5 =	veq.s32 v28, v8;
	vm7 =	veq.s32 v28, v6;
	vm10 =	vlt.s32 v29, v35  }
0xd4: {  	v51 =	vsel vm2, $0xFF800000, v20;
	v52 =	vsel vm3, $0xFF800000, v21;
	v29 =	vsel vm10, v29, v35  }
0xd5: {  	v30 =	vsel vm4, $0xFF800000, v63;
	v32 =	vsel vm5, $0xFF800000, v32;
	vm10 =	veq.s32 v29, v0  }
0xd6: {  	vm12 =	veq.s32 v29, v10;
	vm0 =	veq.s32 v29, v9;
	v0 =	vimm.s32 $0x0  }
0xd7: {  	v36 =	vsel vm10, $0xFF800000, v19;
	v22 =	vsel vm12, $0xFF800000, v22;
	v0 =	vsel vm0, $0xFFFFFFFF, v0  }
0xd8: {  	v23 =	vsel vm0, $0xFF800000, v23;
	vm0 =	veq.s32 v29, v8;
	[tilespmem:$0x1FFB0] =	vst v0;
	v0 =	vimm.s32 $0x0  }
0xd9: {  	v19 =	vmax.f32 v36, v22;
	v24 =	vsel vm0, $0xFF800000, v24;
	v0 =	vsel vm0, $0xFFFFFFFF, v0  }
0xda: {  	v19 =	vmax.f32 v19, v23;
	vm0 =	veq.s32 v29, v7;
	[tilespmem:$0x1FFC0] =	vst v0;
	v0 =	vimm.s32 $0x0  }
0xdb: {  	v25 =	vsel vm0, $0xFF800000, v25;
	v19 =	vmax.f32 v19, v24;
	v0 =	vsel vm0, $0xFFFFFFFF, v0  }
0xdc: {  	vm0 =	veq.s32 v29, v6;
	v19 =	vmax.f32 v19, v25;
	[tilespmem:$0x1FFD0] =	vst v0;
	v0 =	vimm.s32 $0x0  }
0xdd: {  	v26 =	vsel vm0, $0xFF800000, v26;
	v0 =	vsel vm0, $0xFFFFFFFF, v0;
	vm0 =	veq.s32 v29, v5  }
0xde: {  	v20 =	vmax.f32 v51, v52;
	v19 =	vmax.f32 v19, v26;
	v27 =	vsel vm0, $0xFF800000, v27  }
0xdf: {  	vm6 =	veq.s32 v28, v7;
	v20 =	vmax.f32 v20, v30;
	v19 =	vmax.f32 v19, v27  }
0xe0: {  	v33 =	vsel vm6, $0xFF800000, v37;
	v20 =	vmax.f32 v20, v32;
	v54 =	vperm.xlane v19, v39  }
0xe1: {  	vm1 =	veq.s32 v28, v5;
	v34 =	vsel vm7, $0xFF800000, v34;
	v20 =	vmax.f32 v20, v33  }
0xe2: {  	v28 =	vsel vm1, $0xFF800000, v18;
	v53 =	vmax.f32 v20, v34;
	v19 =	vmax.f32 v19, v54  }
0xe3: {  	v18 =	vmax.f32 v53, v28;
	v20 =	vperm.xlane v19, v1  }
0xe4: {  	v55 =	vperm.xlane v18, v39  }
0xe5: {  	v19 =	vmax.f32 v19, v20  }
0xe6: {  	v18 =	vmax.f32 v18, v55;
	v20 =	vperm.xlane v19, v2  }
0xe7: {  	v21 =	vperm.xlane v18, v1  }
0xe8: {  	[tilespmem:$0x1FFE0] =	vst v0;
	v0 =	vimm.s32 $0x0;
	v20 =	vmax.f32 v19, v20;
	v19 =	vadd.f32 $0.0e+00, v14  }
0xe9: {  	v18 =	vmax.f32 v18, v21;
	v0 =	vsel vm0, $0xFFFFFFFF, v0  }
0xea: {  	v21 =	vperm.xlane v18, v2;
	[tilespmem:$0x1FFF0] =	vst v0;
	v0 =	vnsel vm11, $0x0, v19  }
0xeb: {  	v56 =	vperm.xlane v20, v3;
	[tilespmem:$0x1FEE0] =	vst v0;
	v0 =	vld [tilespmem:$0x1FD50]  }
0xec: {  	v18 =	vmax.f32 v18, v21  }
0xed: {  	v37 =	vperm.xlane v18, v3;
	v14 =	vmax.f32 v20, v56  }
0xee: {  	vm0 =	veq.f32 v27, v14  }
0xef: {  	v18 =	vmax.f32 v18, v37;
	v57 =	vnsel vm0, $0x70, v5;
	vm0 =	veq.f32 v26, v14  }
0xf0: {  	v29 =	vsel vm0, v6, v57;
	vm0 =	veq.f32 v25, v14;
	vm11 =	vnez.u8 v0  }
0xf1: {  	v29 =	vsel vm0, v7, v29;
	v0 =	vnsel vm11, $0x0, v19;
	vm11 =	veq.f32 v28, v18  }
0xf2: {  	vm0 =	veq.f32 v34, v18;
	v28 =	vnsel vm11, $0x70, v5;
	vm11 =	veq.f32 v24, v14  }
0xf3: {  	[tilespmem:$0x1FEF0] =	vst v0;
	v0 =	vlaneseq.u32;
	v29 =	vsel vm11, v8, v29;
	vm11 =	veq.f32 v23, v14  }
0xf4: {  	v28 =	vsel vm0, v6, v28;
	v29 =	vsel vm11, v9, v29;
	vm11 =	veq.f32 v22, v14  }
0xf5: {  	vm0 =	veq.f32 v33, v18;
	v29 =	vsel vm11, v10, v29;
	vm11 =	veq.f32 v36, v14  }
0xf6: {  	v28 =	vsel vm0, v7, v28;
	v29 =	vsel vm11, v0, v29;
	vm11 =	veq.f32 v32, v18  }
0xf7: {  	v28 =	vsel vm11, v8, v28;
	vm11 =	veq.f32 v30, v18  }
0xf8: {  	[tilespmem:$0x1FE30] =	vst v4;
	v4 =	vnsel vm14, $0x0, v19;
	vm14 =	veq.f32 v52, v18;
	v28 =	vsel vm11, v9, v28  }
0xf9: {  	vm0 =	veq.f32 v51, v18;
	v28 =	vsel vm14, v10, v28  }
0xfa: {  	v28 =	vsel vm0, v0, v28;
	v0 =	vld [tilespmem:$0x1FD70];
	_ =	sdelay $0x1  }
0xfb: {  	v58 =	vperm.xlane v29, v39;
	_ =	sdelay $0x1  }
0xfc: {  	vm11 =	vlt.s32 v29, v58  }
0xfd: {  	v29 =	vsel vm11, v29, v58;
	vm11 =	vnez.u8 v0  }
0xfe: {  	[tilespmem:$0x1FF00] =	vst v4;
	v4 =	vld [tilespmem:$0x1FD60];
	v0 =	vnsel vm11, $0x0, v19  }
0xff: {  	[tilespmem:$0x1FF30] =	vst v0;
	v0 =	vld [tilespmem:$0x1FD80];
	_ =	sdelay $0x3  }
0x100: {  	vm14 =	vnez.u8 v4  }
0x101: {  	v4 =	vnsel vm14, $0x0, v19;
	vm14 =	vnez.u8 v0  }
0x102: {  	v0 =	vnsel vm14, $0x0, v19  }
0x103: {  	[tilespmem:$0x1FF40] =	vst v0;
	v0 =	vld [tilespmem:$0x1FD90];
	_ =	sdelay $0x4  }
0x104: {  	vm11 =	vnez.u8 v0  }
0x105: {  	v0 =	vnsel vm11, $0x0, v19  }
0x106: {  	[tilespmem:$0x1FF50] =	vst v0;
	v0 =	vld [tilespmem:$0x1FDA0];
	_ =	sdelay $0x4  }
0x107: {  	vm14 =	vnez.u8 v0;
	v0 =	vld [tilespmem:$0x1FDB0];
	_ =	sdelay $0x4  }
0x108: {  	vm11 =	vnez.u8 v0;
	v0 =	vld [tilespmem:$0x1FDC0];
	_ =	sdelay $0x4  }
0x109: {  	v38 =	vnsel vm14, $0x0, v11;
	vm14 =	vnez.u8 v0;
	v0 =	vld [tilespmem:$0x1FDD0];
	_ =	sdelay $0x4  }
0x10a: {  	v40 =	vnsel vm14, $0x0, v11;
	vm14 =	vnez.u8 v0;
	v0 =	vld [tilespmem:$0x1FDE0];
	_ =	sdelay $0x1  }
0x10b: {  	v60 =	vperm.xlane v29, v1;
	_ =	sdelay $0x1  }
0x10c: {  	v45 =	vnsel vm11, $0x0, v11;
	vm11 =	vlt.s32 v29, v60  }
0x10d: {  	v29 =	vsel vm11, v29, v60;
	vm11 =	vnez.u8 v0;
	v0 =	vld [tilespmem:$0x1FDF0];
	_ =	sdelay $0x4  }
0x10e: {  	v46 =	vnsel vm14, $0x0, v11;
	vm14 =	vnez.u8 v0;
	v0 =	vld [tilespmem:$0x1FE00];
	_ =	sdelay $0x4  }
0x10f: {  	v42 =	vnsel vm11, $0x0, v11;
	vm11 =	vnez.u8 v0;
	v0 =	vnsel vm13, $0x0, v15  }
0x110: {  	[tilespmem:$0x1FF60] =	vst v0;
	v0 =	vnsel vm15, $0x0, v15  }
0x111: {  	[tilespmem:$0x1FF80] =	vst v0;
	v0 =	vld [tilespmem:$0x1FE10]  }
0x112: {  	v59 =	vperm.xlane v28, v39;
	_ =	sdelay $0x1  }
0x113: {  	vm0 =	vlt.s32 v28, v59  }
0x114: {  	v28 =	vsel vm0, v28, v59  }
0x115: {  	v61 =	vperm.xlane v28, v1;
	vm15 =	vnez.u8 v0;
	v0 =	vld [tilespmem:$0x1FE20]  }
0x116: {  	v41 =	vperm.xlane v29, v2  }
0x117: {  	v43 =	vnsel vm14, $0x0, v11;
	vm14 =	vlt.s32 v28, v61  }
0x118: {  	v28 =	vsel vm14, v28, v61;
	v44 =	vnsel vm11, $0x0, v11;
	vm11 =	vlt.s32 v29, v41  }
0x119: {  	v62 =	vperm.xlane v28, v2;
	v29 =	vsel vm11, v29, v41  }
0x11a: {  	v50 =	vnsel vm9, $0x0, v15;
	v47 =	vperm.xlane v29, v3;
	vm11 =	vnez.u8 v0;
	v0 =	vld [tilespmem:$0x1FE30]  }
0x11b: {  	v52 =	vnsel vm2, $0x0, v17;
	v51 =	vnsel vm8, $0x0, v15;
	vm14 =	vlt.s32 v28, v62  }
0x11c: {  	v28 =	vsel vm14, v28, v62;
	v37 =	vnsel vm15, $0x0, v15;
	vm15 =	vlt.s32 v29, v47  }
0x11d: {  	v30 =	vnsel vm3, $0x0, v17;
	v41 =	vperm.xlane v28, v3;
	v29 =	vsel vm15, v29, v47  }
0x11e: {  	vm2 =	veq.s32 v29, v9;
	vm15 =	veq.s32 v29, v8;
	v48 =	vnsel vm11, $0x0, v15  }
0x11f: {  	vm11 =	veq.s32 v29, v10;
	vm13 =	vnez.u8 v0;
	v0 =	vlaneseq.u32  }
0x120: {  	vm8 =	veq.s32 v29, v7;
	v22 =	vsel vm11, $0xFF800000, v22;
	vm9 =	veq.s32 v29, v0  }
0x121: {  	v49 =	vnsel vm13, $0x0, v15;
	vm13 =	vlt.s32 v28, v41;
	v36 =	vsel vm9, $0xFF800000, v36  }
0x122: {  	v23 =	vsel vm2, $0xFF800000, v23;
	v28 =	vsel vm13, v28, v41;
	v63 =	vmax.f32 v36, v22  }
0x123: {  	v24 =	vsel vm15, $0xFF800000, v24;
	vm3 =	veq.s32 v28, v0;
	v0 =	vld [tilespmem:$0x1FE40];
	v47 =	vmax.f32 v63, v23  }
0x124: {  	vm14 =	veq.s32 v29, v6;
	v25 =	vsel vm8, $0xFF800000, v25;
	v47 =	vmax.f32 v47, v24  }
0x125: {  	vm0 =	veq.s32 v29, v5;
	v26 =	vsel vm14, $0xFF800000, v26;
	v47 =	vmax.f32 v47, v25  }
0x126: {  	v27 =	vsel vm0, $0xFF800000, v27;
	v47 =	vmax.f32 v47, v26  }
0x127: {  	v55 =	vnsel vm6, $0x0, v17;
	vm6 =	veq.s32 v28, v8;
	v47 =	vmax.f32 v47, v27  }
0x128: {  	v61 =	vnsel vm6, $0x0, v18;
	vm6 =	vnez.u8 v0;
	v0 =	vld [tilespmem:$0x1FE50];
	v20 =	vperm.xlane v47, v39;
	_ =	sdelay $0x1  }
0x129: {  	v41 =	vmax.f32 v47, v20  }
0x12a: {  	v56 =	vnsel vm7, $0x0, v17;
	vm7 =	veq.s32 v28, v10;
	v47 =	vperm.xlane v41, v1  }
0x12b: {  	v59 =	vnsel vm7, $0x0, v18;
	vm7 =	veq.s32 v28, v7  }
0x12c: {  	v21 =	vmax.f32 v41, v47;
	v47 =	vnsel vm7, $0x0, v18;
	vm7 =	vnez.u8 v0;
	v0 =	vld [tilespmem:$0x1FE60];
	_ =	sdelay $0x1  }
0x12d: {  	v41 =	vperm.xlane v21, v2  }
0x12e: {  	[tilespmem:$0x1FF20] =	vst v4;
	v4 =	vld [tilespmem:$0x1FE70];
	v62 =	vadd.f32 $0.0e+00, v12;
	vm13 =	veq.s32 v28, v9  }
0x12f: {  	v60 =	vnsel vm13, $0x0, v18;
	vm13 =	veq.s32 v28, v6;
	v12 =	vmax.f32 v21, v41  }
0x130: {  	v63 =	vnsel vm13, $0x0, v18;
	vm13 =	vnez.u8 v0;
	v0 =	vperm.xlane v12, v3;
	_ =	sdelay $0x1  }
0x131: {  	v12 =	vmax.f32 v12, v0;
	v0 =	vld [tilespmem:$0x1FEC0]  }
0x132: {  	v53 =	vnsel vm4, $0x0, v17;
	vm4 =	vnez.u8 v4;
	v4 =	vld [tilespmem:$0x1FE80];
	_ =	sdelay $0x2  }
0x133: {  	v54 =	vnsel vm5, $0x0, v17  }
0x134: {  	v32 =	vnsel vm4, $0x0, v62;
	vm5 =	veq.s32 v28, v5;
	vm4 =	vnez.u8 v0;
	v0 =	vld [tilespmem:$0x1FED0]  }
0x135: {  	v28 =	vnsel vm5, $0x0, v18;
	vm5 =	vnez.u8 v4;
	v4 =	vld [tilespmem:$0x1FE90];
	_ =	sdelay $0x3  }
0x136: {  	v33 =	vnsel vm5, $0x0, v62;
	vm5 =	vnez.u8 v0;
	v0 =	vld [tilespmem:$0x1FEE0]  }
0x137: {  	v29 =	vnsel vm6, $0x0, v62;
	vm6 =	vnez.u8 v4;
	v4 =	vld [tilespmem:$0x1FEA0];
	_ =	sdelay $0x3  }
0x138: {  	v38 =	vadd.f32 v38, v0;
	v0 =	vld [tilespmem:$0x1FEF0]  }
0x139: {  	v11 =	vadd.f32 v11, v19;
	v41 =	vnsel vm7, $0x0, v62;
	vm7 =	vnez.u8 v4;
	v4 =	vld [tilespmem:$0x1FEB0];
	_ =	sdelay $0x1  }
0x13a: {  	v11 =	vadd.f32 v15, v11;
	v34 =	vnsel vm6, $0x0, v62;
	vm6 =	veq.f32 v27, v12  }
0x13b: {  	v35 =	vnsel vm7, $0x0, v62;
	vm7 =	veq.f32 v26, v12;
	v27 =	vnsel vm6, $0x70, v5  }
0x13c: {  	v31 =	vnsel vm13, $0x0, v62;
	v26 =	vsel vm7, v6, v27;
	v27 =	vadd.f32 v45, v0;
	v45 =	vld [tilespmem:$0x1FF20]  }
0x13d: {  	vm13 =	vnez.u8 v4;
	v4 =	vnsel vm4, $0x0, v13;
	vm4 =	veq.f32 v25, v12  }
0x13e: {  	v11 =	vadd.f32 v17, v11;
	v25 =	vsel vm4, v7, v26;
	v26 =	vld [tilespmem:$0x1FF60];
	_ =	sdelay $0x1  }
0x13f: {  	v11 =	vadd.f32 v18, v11;
	v0 =	vld [tilespmem:$0x1FF00]  }
0x140: {  	v45 =	vadd.f32 v46, v45;
	v46 =	vld [tilespmem:$0x1FF30]  }
0x141: {  	v11 =	vadd.f32 $9.999999710e-10, v11  }
0x142: {  	v19 =	vadd.f32 v26, v38;
	v38 =	vld [tilespmem:$0x1FF70]  }
0x143: {  	v57 =	vnsel vm1, $0x0, v17;
	(erf) = vrcp.f32 v11;
	v20 =	vnsel vm13, $0x0, v13  }
0x144: {  	v58 =	vnsel vm3, $0x0, v18;
	v20 =	vadd.f32 v20, v29;
	v40 =	vadd.f32 v40, v0;
	v0 =	vld [tilespmem:$0x1FF10]  }
0x145: {  	vm6 =	veq.f32 v24, v12;
	v4 =	vadd.f32 v4, v41;
	v42 =	vadd.f32 v42, v46;
	v46 =	vld [tilespmem:$0x1FF40]  }
0x146: {  	v41 =	vld [tilespmem:$0x1FFD0];
	v24 =	vsel vm6, v8, v25;
	vm6 =	veq.f32 v36, v12;
	v19 =	vadd.f32 v52, v19  }
0x147: {  	v21 =	vnsel vm5, $0x0, v13;
	vm5 =	vnez.u8 v38;
	v38 =	vadd.f32 v48, v45;
	v48 =	vld [tilespmem:$0x1FF90]  }
0x148: {  	v21 =	vadd.f32 v21, v31;
	v19 =	vadd.f32 v58, v19;
	v26 =	vnsel vm5, $0x0, v13  }
0x149: {  	v11 =	vld [tilespmem:$0x1FFB0];
	vm5 =	veq.f32 v22, v12;
	v26 =	vadd.f32 v26, v33;
	v37 =	vadd.f32 v37, v40  }
0x14a: {  	v52 =	vadd.f32 v54, v38;
	vm13 =	vnez.u8 v0;
	v43 =	vadd.f32 v43, v46;
	v46 =	vld [tilespmem:$0x1FF50]  }
0x14b: {  	v0 =	vnsel vm13, $0x0, v13;
	vm13 =	veq.f32 v23, v12;
	v40 =	vadd.f32 v49, v42  }
0x14c: {  	vm7 =	vnez.u8 v48;
	v23 =	vsel vm13, v9, v24;
	vm13 =	vnez.u8 v41  }
0x14d: {  	v0 =	vadd.f32 v0, v32;
	v48 =	vnsel vm9, $0x0, v14;
	v45 =	vadd.f32 v50, v43;
	v50 =	vld [tilespmem:$0x1FFA0]  }
0x14e: {  	v15 =	vnsel vm7, $0x0, v13;
	v22 =	vsel vm5, v10, v23;
	vm7 =	vnez.u8 v11  }
0x14f: {  	v29 =	vnsel vm13, $0x0, v16;
	v54 =	vadd.f32 v55, v40;
	v44 =	vadd.f32 v44, v46;
	v46 =	vld [tilespmem:$0x1FF80]  }
0x150: {  	v11 =	vnsel vm7, $0x0, v16;
	v43 =	vlaneseq.u32;
	v25 =	vadd.f32 v56, v45;
	v45 =	vld [tilespmem:$0x1FFF0]  }
0x151: {  	v15 =	vadd.f32 v15, v34;
	v26 =	vadd.f32 v29, v26;
	v22 =	vsel vm6, v43, v22  }
0x152: {  	v11 =	vadd.f32 v11, v21;
	v56 =	vperm.xlane v22, v39;
	vm4 =	vnez.u8 v50  }
0x153: {  	v25 =	vadd.f32 v63, v25;
	v17 =	vnsel vm4, $0x0, v13;
	v13 =	vadd.f32 v13, v62  }
0x154: {  	v50 =	vnsel vm11, $0x0, v14;
	v17 =	vadd.f32 v17, v35;
	v27 =	vadd.f32 v46, v27  }
0x155: {  	v63 =	vld [tilespmem:$0x1FFC0];
	vm6 =	vnez.u8 v45;
	v46 =	vadd.f32 v51, v44;
	v51 =	vadd.f32 v53, v37  }
0x156: {  	v53 =	vnsel vm10, $0x0, v16;
	vm10 =	vlt.s32 v22, v56;
	v13 =	vadd.f32 v16, v13  }
0x157: {  	v22 =	vsel vm10, v22, v56;
	v18 =	vadd.f32 v53, v20;
	v53 =	vnsel vm15, $0x0, v14  }
0x158: {  	v56 =	vnsel vm14, $0x0, v14;
	v49 =	vadd.f32 v30, v27;
	v55 =	vadd.f32 v57, v46  }
0x159: {  	v57 =	vnsel vm12, $0x0, v16;
	v23 =	vadd.f32 v60, v51;
	v27 =	vadd.f32 v61, v52  }
0x15a: {  	v30 =	vadd.f32 v47, v54;
	v37 =	vperm.xlane v22, v1;
	vm12 =	vnez.u8 v63  }
0x15b: {  	v13 =	vadd.f32 v14, v13;
	v51 =	vnsel vm2, $0x0, v14;
	v54 =	vnsel vm8, $0x0, v14  }
0x15c: {  	v44 =	vld [tilespmem:$0x1FFE0];
	v14 =	vnsel vm0, $0x0, v14;
	v4 =	vadd.f32 v57, v4;
	v11 =	vadd.f32 v51, v11  }
0x15d: {  	v40 =	vnsel vm12, $0x0, v16;
	v24 =	vadd.f32 v59, v49;
	v28 =	vadd.f32 v28, v55  }
0x15e: {  	vm4 =	vlt.s32 v22, v37;
	v46 =	vpop (erf);
	v13 =	vadd.f32 v12, v13;
	v0 =	vadd.f32 v40, v0  }
0x15f: {  	v49 =	vadd.f32 v48, v18;
	v22 =	vsel vm4, v22, v37;
	v19 =	vmul.f32 v19, v46  }
0x160: {  	v23 =	vmul.f32 v23, v46;
	v42 =	vperm.xlane v22, v2;
	v13 =	vadd.f32 $9.999999710e-10, v13  }
0x161: {  	vm5 =	vnez.u8 v44;
	v27 =	vmul.f32 v27, v46;
	v47 =	vmul.f32 v30, v46  }
0x162: {  	v25 =	vmul.f32 v25, v46;
	vm7 =	vlt.s32 v22, v42;
	(erf) = vrcp.f32 v13  }
0x163: {  	v4 =	vadd.f32 v50, v4;
	v32 =	vnsel vm5, $0x0, v16;
	v22 =	vsel vm7, v22, v42  }
0x164: {  	v16 =	vnsel vm6, $0x0, v16;
	v24 =	vmul.f32 v24, v46;
	v52 =	vperm.xlane v22, v3  }
0x165: {  	v20 =	vmul.f32 v28, v46;
	v15 =	vadd.f32 v32, v15;
	v16 =	vadd.f32 v16, v17  }
0x166: {  	v0 =	vadd.f32 v53, v0;
	v13 =	vadd.f32 v54, v26;
	vm1 =	vlt.s32 v22, v52  }
0x167: {  	[tilespmem:$0x100] =	vst v19;
	v15 =	vadd.f32 v56, v15;
	v14 =	vadd.f32 v14, v16;
	v55 =	vsel vm1, v22, v52  }
0x168: {  	[tilespmem:$0x120] =	vst v23;
	vm9 =	veq.s32 v55, v43;
	vm10 =	veq.s32 v55, v10;
	vm11 =	veq.s32 v55, v9  }
0x169: {  	[tilespmem:$0x130] =	vst v27;
	vm12 =	veq.s32 v55, v8;
	vm13 =	veq.s32 v55, v7;
	v57 =	vnsel vm9, $0x0, v12  }
0x16a: {  	[tilespmem:$0x140] =	vst v47;
	vm14 =	veq.s32 v55, v6;
	v58 =	vnsel vm10, $0x0, v12;
	v16 =	vadd.f32 v57, v49  }
0x16b: {  	[tilespmem:$0x150] =	vst v25;
	vm15 =	veq.s32 v55, v5;
	v59 =	vnsel vm11, $0x0, v12;
	v4 =	vadd.f32 v58, v4;
	v61 =	vpop (erf)  }
0x16c: {  	[tilespmem:$0x110] =	vst v24;
	v60 =	vnsel vm12, $0x0, v12;
	v11 =	vadd.f32 v59, v11;
	v16 =	vmul.f32 v16, v61  }
0x16d: {  	[tilespmem:$0x160] =	vst v20;
	v62 =	vnsel vm13, $0x0, v12;
	v0 =	vadd.f32 v60, v0;
	v4 =	vmul.f32 v4, v61  }
0x16e: {  	v63 =	vnsel vm14, $0x0, v12;
	v13 =	vadd.f32 v62, v13;
	v11 =	vmul.f32 v11, v61;
	[tilespmem:$0x180] =	vst v16  }
0x16f: {  	v12 =	vnsel vm15, $0x0, v12;
	v15 =	vadd.f32 v63, v15;
	v0 =	vmul.f32 v0, v61;
	[tilespmem:$0x190] =	vst v4  }
0x170: {  	v4 =	vadd.f32 v12, v14;
	[tilespmem:$0x1A0] =	vst v11;
	v11 =	vmul.f32 v13, v61  }
0x171: {  	[tilespmem:$0x1B0] =	vst v0;
	v0 =	vmul.f32 v15, v61  }
0x172: {  	[tilespmem:$0x1C0] =	vst v11;
	v4 =	vmul.f32 v4, v61  }
0x173: {  	p0 =	sne.s32 s5, $0x1;
	[tilespmem:$0x1D0] =	vst v0  }
.Ltmp0:
0x174: {  	[tilespmem:$0x1E0] =	vst v4;
	(pc) =	sbr.rel @p0 .LBB2_1-.Ltmp0, $4  }
0x175: {  	[hbm4b:s4+s2] =	stream.linear.scatter [tilespmem:s7], [sflag:$0x1], $0x100, $0x38;
	[tilespmem:$0x200] =	vst v63  }
0x176: {  	_ =	swait.ge [sflag:s6], $0x100  }
0x177: {  	[sflag:s6] =	ssyncset.done $0x0  }
0x178: {  	s5 =	sadd.s32 $0xFFFFFFFF, s5;
	[sflag:s6] =	ssyncadd.s32 $0xFFFFFF00  }
0x179: {  	_ =	sfence.sel $0x180000  }
0x17a: {  	[bflag:$0x0] =	sbarrier.arrive $0xFFFF  }
0x17b: {  	p0 =	sne.s32 s1, $0x0;
	_ =	strace $0x90000047  }
0x17c: {  	s0 =	sadd.s32 @!p0 $0x100000, s0;
	[bflag:$0x2] =	sbarrier.arrive $0xFFFF  }
0x17d: {  	[sflag:s0] =	ssyncadd.tile.s32 @!p0 $0x1;
	_ =	shalt  }
.Lfunc_end2:
_tile_overlayer_lowered:
.L_overlay_start_2:
0x17e: {  	(tag) =	ssettag $0x2  }
0x17f: {  	s0 =	rddreg [dreg:$0x0];
	s2 =	stileid.u32  }
0x180: {  	s1 =	rddreg [dreg:$0x1];
	p0 =	sne.s32 s2, $0x0  }
0x181: {  	s3 =	rddreg [dreg:$0x2];
	[bflag:$0x3] =	sbarrier.arrive $0xFFFF;
	s2 =	simm.s32 @!p0 $0x1C01  }
0x182: {  	[timem:s3], [sflag:s2] =	dma.local @!p0 [hbm:s0], s1  }
0x183: {  	s0 =	simm.s32 @!p0 $0x1  }
0x184: {  	_ =	swait.ge @!p0 [sflag:s0], s1  }
0x185: {  	s1 =	ssub.s32 @!p0 $0x0, s1;
	[sflag:s0] =	ssyncset.done @!p0 $0x0  }
0x186: {  	[sflag:s0] =	ssyncadd.s32 @!p0 s1  }
0x187: {  	[bflag:$0x3] =	sbarrier.arrive $0xFFFF  }
0x188: {  	_ =	shalt  }

</sc_bundles>
